<compile_context>
chip_gen: v7x
topology: tpu7x:2x2x1
jax: 0.10.2.dev20260603
libtpu: 0.0.44.dev20260713+nightly
codegen_flags: <defaults>
</compile_context>

<pallas_src>
import functools

import jax
import jax.numpy as jnp
from jax import lax
from jax.experimental import pallas as pl
from jax.experimental.pallas import tpu as pltpu
from jax.experimental.pallas import tpu_sc as plsc

_EPS_LN = 1e-5
_CHUNK = 128


def _silu(z):
    return z * jax.nn.sigmoid(z)


def _iln(h, g, b):
    m = jnp.mean(h, axis=-1, keepdims=True)
    v = jnp.mean((h - m) * (h - m), axis=-1, keepdims=True)
    return (h - m) / jnp.sqrt(v + _EPS_LN) * g + b


def _dot(a, b):
    return jnp.dot(a, b, preferred_element_type=jnp.float32)


def _sc_segsum(values, j_flat, n_nodes):
    e_total, width = values.shape
    n_chunks = e_total // _CHUNK
    info = plsc.get_sparse_core_info()
    nc, ns = info.num_cores, info.num_subcores
    nw = nc * ns
    trips = (n_chunks + nw - 1) // nw
    rows_per_tile = (((n_nodes + ns - 1) // ns) + 7) // 8 * 8
    n_pad = rows_per_tile * ns
    zeros = jnp.zeros((n_pad, 128), jnp.float32)
    mesh = plsc.VectorSubcoreMesh(core_axis_name="c", subcore_axis_name="s")

    n_slices = width // 16

    @functools.partial(
        pl.kernel,
        out_type=jax.ShapeDtypeStruct((nc, n_pad, 128), jnp.float32),
        mesh=mesh,
        scratch_types=[
            pltpu.VMEM((_CHUNK,), jnp.int32),
            pltpu.VMEM((_CHUNK,), jnp.int32),
            pltpu.VMEM((_CHUNK, width), jnp.float32),
            pltpu.VMEM((_CHUNK, width), jnp.float32),
            pltpu.VMEM((_CHUNK, 128), jnp.float32),
            pltpu.VMEM((_CHUNK,), jnp.int32),
            pltpu.VMEM_SHARED((n_pad, 128), jnp.float32),
            pltpu.SemaphoreType.DMA,
            pltpu.SemaphoreType.DMA,
            pltpu.SemaphoreType.DMA,
            pltpu.SemaphoreType.DMA,
        ],
    )
    def body(vals_hbm, j_hbm, zeros_hbm, out_hbm, idx0, idx1, val0, val1,
             wide_s, idx_s, acc, si0, si1, sv0, sv1):
        idx = (idx0, idx1)
        val = (val0, val1)
        semi = (si0, si1)
        semv = (sv0, sv1)
        cid = lax.axis_index("c")
        sid = lax.axis_index("s")
        w = sid * nc + cid
        r0 = sid * rows_per_tile
        pltpu.sync_copy(zeros_hbm.at[pl.ds(r0, rows_per_tile)],
                        acc.at[pl.ds(r0, rows_per_tile)])
        pltpu.sync_copy(zeros_hbm.at[pl.ds(0, _CHUNK)], wide_s)
        plsc.subcore_barrier()

        def fire(t, b):
            c = w + t * nw

            @pl.when(c < n_chunks)
            def _():
                pltpu.async_copy(j_hbm.at[pl.ds(c * _CHUNK, _CHUNK)],
                                 idx[b], semi[b])
                pltpu.async_copy(vals_hbm.at[pl.ds(c * _CHUNK, _CHUNK)],
                                 val[b], semv[b])

        def proc(t, b):
            c = w + t * nw

            @pl.when(c < n_chunks)
            def _():
                pltpu.make_async_copy(
                    j_hbm.at[pl.ds(c * _CHUNK, _CHUNK)], idx[b],
                    semi[b]).wait()
                pltpu.make_async_copy(
                    vals_hbm.at[pl.ds(c * _CHUNK, _CHUNK)], val[b],
                    semv[b]).wait()

                def widen_row(r, cc):
                    for k in range(n_slices):
                        sl = pl.ds(k * 16, 16)
                        wide_s[r, sl] = val[b][r, sl]
                    return cc

                lax.fori_loop(0, _CHUNK, widen_row, 0)

                def copy_idx(_):
                    for k in range(_CHUNK // 16):
                        sl = pl.ds(k * 16, 16)
                        idx_s[sl] = idx[b][sl]
                copy_idx(None)
                pltpu.sync_copy(wide_s, acc.at[idx_s], add=True)

        fire(0, 0)

        def step(tt, carry):
            t = tt * 2
            fire(t + 1, 1)
            proc(t, 0)
            fire(t + 2, 0)
            proc(t + 1, 1)
            return carry

        lax.fori_loop(0, (trips + 1) // 2, step, 0)
        plsc.subcore_barrier()
        pltpu.sync_copy(acc.at[pl.ds(r0, rows_per_tile)],
                        out_hbm.at[cid].at[pl.ds(r0, rows_per_tile)])

    return body(values, j_flat, zeros)


def _sc_gather_add(a_tab, b_tab, i_flat, j_flat, used_width):
    e_total = i_flat.shape[0]
    width = a_tab.shape[1]
    n_chunks = e_total // _CHUNK
    info = plsc.get_sparse_core_info()
    nc, ns = info.num_cores, info.num_subcores
    nw = nc * ns
    trips = (n_chunks + nw - 1) // nw
    n_slices = used_width // 16
    mesh = plsc.VectorSubcoreMesh(core_axis_name="c", subcore_axis_name="s")

    @functools.partial(
        pl.kernel,
        out_type=jax.ShapeDtypeStruct((e_total, width), jnp.float32),
        mesh=mesh,
        scratch_types=[
            pltpu.VMEM((_CHUNK,), jnp.int32),
            pltpu.VMEM((_CHUNK,), jnp.int32),
            pltpu.VMEM((_CHUNK,), jnp.int32),
            pltpu.VMEM((_CHUNK,), jnp.int32),
            pltpu.VMEM((_CHUNK, width), jnp.float32),
            pltpu.VMEM((_CHUNK, width), jnp.float32),
            pltpu.VMEM((_CHUNK, width), jnp.float32),
            pltpu.VMEM((_CHUNK, width), jnp.float32),
            pltpu.SemaphoreType.DMA,
            pltpu.SemaphoreType.DMA,
            pltpu.SemaphoreType.DMA,
            pltpu.SemaphoreType.DMA,
        ],
    )
    def body(a_hbm, b_hbm, i_hbm, j_hbm, out_hbm,
             ii0, ii1, jj0, jj1, ba0, ba1, bb0, bb1, sa0, sa1, sb0, sb1):
        ii = (ii0, ii1)
        jj = (jj0, jj1)
        buf_a = (ba0, ba1)
        buf_b = (bb0, bb1)
        sem_a = (sa0, sa1)
        sem_b = (sb0, sb1)
        cid = lax.axis_index("c")
        sid = lax.axis_index("s")
        w = sid * nc + cid

        def fire(t, b):
            c = w + t * nw

            @pl.when(c < n_chunks)
            def _():
                pltpu.sync_copy(i_hbm.at[pl.ds(c * _CHUNK, _CHUNK)], ii[b])
                pltpu.sync_copy(j_hbm.at[pl.ds(c * _CHUNK, _CHUNK)], jj[b])
                pltpu.async_copy(a_hbm.at[ii[b]], buf_a[b], sem_a[b])
                pltpu.async_copy(b_hbm.at[jj[b]], buf_b[b], sem_b[b])

        def proc(t, b):
            c = w + t * nw

            @pl.when(c < n_chunks)
            def _():
                pltpu.make_async_copy(a_hbm.at[ii[b]], buf_a[b],
                                      sem_a[b]).wait()
                pltpu.make_async_copy(b_hbm.at[jj[b]], buf_b[b],
                                      sem_b[b]).wait()

                def add_row(r, cc):
                    for k in range(n_slices):
                        sl = pl.ds(k * 16, 16)
                        buf_a[b][r, sl] = buf_a[b][r, sl] + buf_b[b][r, sl]
                    return cc

                lax.fori_loop(0, _CHUNK, add_row, 0)
                pltpu.sync_copy(buf_a[b],
                                out_hbm.at[pl.ds(c * _CHUNK, _CHUNK)])

        fire(0, 0)

        def step(tt, carry):
            t = tt * 2
            fire(t + 1, 1)
            proc(t, 0)
            fire(t + 2, 0)
            proc(t + 1, 1)
            return carry

        lax.fori_loop(0, (trips + 1) // 2, step, 0)

    return body(a_tab, b_tab, i_flat, j_flat)


def _tc_node(node_h, x, part, wts):
    n, node_dim = node_h.shape
    blk = 2000
    grid = n // blk

    def body(nh_ref, x_ref, part_ref, w1_ref, b1_ref, w2_ref, b2_ref,
             w3_ref, b3_ref, g_ref, beta_ref, wa_ref, wb_ref,
             out_h2, out_a, out_b):
        agg = (part_ref[0] + part_ref[1])[:, :16]
        h0 = nh_ref[...]
        w1 = w1_ref[...]
        z = _dot(h0, w1[:node_dim]) + _dot(agg, w1[node_dim:]) + b1_ref[...]
        z = _silu(z)
        z = _silu(_dot(z, w2_ref[...]) + b2_ref[...])
        h = _dot(z, w3_ref[...]) + b3_ref[...]
        h2 = _iln(h, g_ref[...], beta_ref[...]) + h0
        out_h2[...] = h2
        xb = x_ref[...]
        xpad = jnp.concatenate(
            [xb, jnp.zeros((blk, 61), jnp.float32)], axis=-1)
        out_a[...] = jnp.concatenate([_dot(h2, wa_ref[...]), -xpad], axis=-1)
        out_b[...] = jnp.concatenate([_dot(h2, wb_ref[...]), xpad], axis=-1)

    full = lambda s: pl.BlockSpec(s, lambda i: tuple(0 for _ in s))
    row = lambda s: pl.BlockSpec(s, lambda i: (i,) + tuple(0 for _ in s[1:]))
    w1, b1, w2, b2, w3, b3, g, beta, wa, wb = wts
    return pl.pallas_call(
        body,
        grid=(grid,),
        in_specs=[
            row((blk, node_dim)),
            row((blk, 3)),
            pl.BlockSpec((2, blk, 128), lambda i: (0, i, 0)),
            full(w1.shape), full(b1.shape), full(w2.shape), full(b2.shape),
            full(w3.shape), full(b3.shape), full(g.shape), full(beta.shape),
            full(wa.shape), full(wb.shape),
        ],
        out_specs=[
            row((blk, node_dim)), row((blk, 128)), row((blk, 128)),
        ],
        out_shape=[
            jax.ShapeDtypeStruct((n, node_dim), jnp.float32),
            jax.ShapeDtypeStruct((n, 128), jnp.float32),
            jax.ShapeDtypeStruct((n, 128), jnp.float32),
        ],
    )(node_h, x, part, w1, b1, w2, b2, w3, b3, g, beta, wa, wb)


def _tc_edge(sd, et, wts):
    e_total = sd.shape[0]
    blk = 3200
    grid = e_total // blk
    (wcat1, bias1, w2blk, bias2, w3blk, bias3,
     g, beta, xg, xbeta, eo_w, eo_bias) = wts

    def body(sd_ref, et_ref, wcat1_r, bias1_r, w2_r, bias2_r, w3_r, bias3_r,
             g_r, beta_r, xg_r, xbeta_r, eow_r, eobias_r, out_ref):
        sdb = sd_ref[...]
        s = sdb[:, :64]
        d16 = sdb[:, 64:80]
        w1c = wcat1_r[...][:16, :64]
        xw1 = wcat1_r[...][16:, 64:]
        u = _silu(s + _dot(et_ref[...], w1c) + bias1_r[...][:, :64])
        u = _silu(_dot(u, w2_r[...][:64, :64]) + bias2_r[...][:, :64])
        oh = _iln(_dot(u, w3_r[...][:64, :64]) + bias3_r[...][:, :64],
                  g_r[...], beta_r[...])
        dl = jnp.sqrt(jnp.sum(d16 * d16, axis=-1, keepdims=True) + 1e-12)
        lane = lax.broadcasted_iota(jnp.int32, d16.shape, 1)
        ex_in = jnp.where(lane == 3, dl, d16)
        v = _silu(_dot(ex_in, xw1) + bias1_r[...][:, 64:])
        v = _silu(_dot(v, w2_r[...][64:, 64:]) + bias2_r[...][:, 64:])
        ov = _iln(_dot(v, w3_r[...][64:, 64:]) + bias3_r[...][:, 64:],
                  xg_r[...], xbeta_r[...])
        out_ref[...] = (_dot(oh, eow_r[...][:64]) + _dot(ov, eow_r[...][64:])
                        + eobias_r[...])

    full = lambda s: pl.BlockSpec(s, lambda i: tuple(0 for _ in s))
    row = lambda s: pl.BlockSpec(s, lambda i: (i,) + tuple(0 for _ in s[1:]))
    return pl.pallas_call(
        body,
        grid=(grid,),
        in_specs=[row((blk, 128)), row((blk, 16))] + [full(w.shape) for w in (
            wcat1, bias1, w2blk, bias2, w3blk, bias3,
            g, beta, xg, xbeta, eo_w, eo_bias)],
        out_specs=[row((blk, 64))],
        out_shape=[jax.ShapeDtypeStruct((e_total, 64), jnp.float32)],
    )(sd, et, wcat1, bias1, w2blk, bias2, w3blk, bias3,
      g, beta, xg, xbeta, eo_w, eo_bias)[0]


def _tc_pos(x, part, wts):
    n = x.shape[0]
    blk = 2000
    grid = n // blk
    w1x, w1a, b1, w2, b2, w3, b3, g, beta = wts

    def body(x_ref, part_ref, w1x_r, w1a_r, b1_r, w2_r, b2_r, w3_r, b3_r,
             g_r, beta_r, out_ref):
        agg = (part_ref[0] + part_ref[1])[:, :64]
        xb = x_ref[...]
        z = _dot(xb, w1x_r[...]) + _dot(agg, w1a_r[...]) + b1_r[...]
        z = _silu(z)
        z = _silu(_dot(z, w2_r[...]) + b2_r[...])
        t = _dot(z, w3_r[...]) + b3_r[...]
        out_ref[...] = _iln(t, g_r[...], beta_r[...]) + xb

    full = lambda s: pl.BlockSpec(s, lambda i: tuple(0 for _ in s))
    row = lambda s: pl.BlockSpec(s, lambda i: (i,) + tuple(0 for _ in s[1:]))
    return pl.pallas_call(
        body,
        grid=(grid,),
        in_specs=[
            row((blk, 3)),
            pl.BlockSpec((2, blk, 128), lambda i: (0, i, 0)),
            full(w1x.shape), full(w1a.shape), full(b1.shape), full(w2.shape),
            full(b2.shape), full(w3.shape), full(b3.shape), full(g.shape),
            full(beta.shape),
        ],
        out_specs=[row((blk, 3))],
        out_shape=[jax.ShapeDtypeStruct((n, 3), jnp.float32)],
    )(x, part, w1x, w1a, b1, w2, b2, w3, b3, g, beta)[0]


def kernel(node_h, x, edge_index, edge_type_h, params):
    n, node_dim = node_h.shape
    e_total = edge_index.shape[1]
    i_flat = edge_index[0]
    j_flat = edge_index[1]

    r2 = lambda v: v.reshape(1, -1)

    part1 = _sc_segsum(edge_type_h, j_flat, n)

    ehw1 = params['eh_W'][0]
    node_wts = (
        params['n_W'][0], r2(params['n_b'][0]),
        params['n_W'][1], r2(params['n_b'][1]),
        params['n_W'][2], r2(params['n_b'][2]),
        r2(params['n_g']), r2(params['n_beta']),
        ehw1[:node_dim], ehw1[node_dim:2 * node_dim],
    )
    node_h2, a_tab, b_tab = _tc_node(node_h, x, part1, node_wts)

    sd = _sc_gather_add(a_tab, b_tab, i_flat, j_flat, 80)

    exw1 = params['ex_W'][0]
    xw1 = jnp.zeros((16, 64), jnp.float32).at[:4].set(exw1)
    def bdiag(a, b):
        za = jnp.zeros((a.shape[0], b.shape[1]), jnp.float32)
        zb = jnp.zeros((b.shape[0], a.shape[1]), jnp.float32)
        return jnp.concatenate([jnp.concatenate([a, za], -1),
                                jnp.concatenate([zb, b], -1)], 0)

    wcat1 = bdiag(ehw1[2 * node_dim:], xw1)
    w2blk = bdiag(params['eh_W'][1], params['ex_W'][1])
    w3blk = bdiag(params['eh_W'][2], params['ex_W'][2])
    cat2 = lambda a, b: jnp.concatenate([a, b]).reshape(1, -1)
    edge_wts = (
        wcat1, cat2(params['eh_b'][0], params['ex_b'][0]),
        w2blk, cat2(params['eh_b'][1], params['ex_b'][1]),
        w3blk, cat2(params['eh_b'][2], params['ex_b'][2]),
        r2(params['eh_g']), r2(params['eh_beta']),
        r2(params['ex_g']), r2(params['ex_beta']),
        params['eo_W'], r2(params['eo_b']),
    )
    edge_h = _tc_edge(sd, edge_type_h, edge_wts)

    part2 = _sc_segsum(edge_h, j_flat, n)

    pw1 = params['p_W'][0]
    pos_wts = (
        pw1[:3], pw1[3:], r2(params['p_b'][0]),
        params['p_W'][1], r2(params['p_b'][1]),
        params['p_W'][2], r2(params['p_b'][2]),
        r2(params['p_g']), r2(params['p_beta']),
    )
    x2 = _tc_pos(x, part2, pos_wts)

    return (edge_h, node_h2, x2)

# --- scband reference (transcript-rebuilt; emitter-appended) ---
"""Pipeline reference for scband-edge-node-pos-conv-83288005804813 (READ-ONLY COPY).

The authoritative reference and input builder live on the scoring server;
editing this copy changes nothing except your own understanding.
"""

import jax, jax.numpy as jnp
import numpy as np

N, E = 10000, 320000
NODE_DIM, POS_DIM, HIDDEN_DIM, EDGE_TYPE_DIM = 128, 3, 64, 16


def _ln(x, g, b):
    m = jnp.mean(x, axis=-1, keepdims=True)
    v = jnp.var(x, axis=-1, keepdims=True)
    return (x - m) / jnp.sqrt(v + 1e-5) * g + b


def _mlp(x, Ws, bs):
    n = len(Ws)
    for k in range(n):
        x = x @ Ws[k] + bs[k]
        if k < n - 1:
            x = jax.nn.silu(x)
    return x


def _init_mlp(key, sizes):
    Ws, bs = [], []
    for k in range(len(sizes) - 1):
        key, k1 = jax.random.split(key)
        Ws.append(jax.random.normal(k1, (sizes[k], sizes[k + 1]), jnp.float32) / np.sqrt(sizes[k]))
        bs.append(jnp.zeros((sizes[k + 1],), jnp.float32))
    return Ws, bs


def setup_inputs(seed: int = 0):
    key = jax.random.key(seed)
    k = jax.random.split(key, 10)
    node_h = jax.random.normal(k[0], (N, NODE_DIM), jnp.float32)
    x = jax.random.normal(k[1], (N, POS_DIM), jnp.float32)
    edge_index = jax.random.randint(k[2], (2, E), 0, N)
    edge_type_h = jax.random.normal(k[3], (E, EDGE_TYPE_DIM), jnp.float32)
    params = {}
    params['n_W'], params['n_b'] = _init_mlp(k[4], [NODE_DIM + EDGE_TYPE_DIM, HIDDEN_DIM, HIDDEN_DIM, NODE_DIM])
    params['n_g'] = jnp.ones((NODE_DIM,), jnp.float32)
    params['n_beta'] = jnp.zeros((NODE_DIM,), jnp.float32)
    params['eh_W'], params['eh_b'] = _init_mlp(k[5], [2 * NODE_DIM + EDGE_TYPE_DIM, HIDDEN_DIM, HIDDEN_DIM, HIDDEN_DIM])
    params['eh_g'] = jnp.ones((HIDDEN_DIM,), jnp.float32)
    params['eh_beta'] = jnp.zeros((HIDDEN_DIM,), jnp.float32)
    params['ex_W'], params['ex_b'] = _init_mlp(k[6], [POS_DIM + 1, HIDDEN_DIM, HIDDEN_DIM, HIDDEN_DIM])
    params['ex_g'] = jnp.ones((HIDDEN_DIM,), jnp.float32)
    params['ex_beta'] = jnp.zeros((HIDDEN_DIM,), jnp.float32)
    params['eo_W'] = jax.random.normal(k[7], (2 * HIDDEN_DIM, HIDDEN_DIM), jnp.float32) / np.sqrt(2 * HIDDEN_DIM)
    params['eo_b'] = jnp.zeros((HIDDEN_DIM,), jnp.float32)
    params['p_W'], params['p_b'] = _init_mlp(k[8], [POS_DIM + HIDDEN_DIM, HIDDEN_DIM, HIDDEN_DIM, POS_DIM])
    params['p_g'] = jnp.ones((POS_DIM,), jnp.float32)
    params['p_beta'] = jnp.zeros((POS_DIM,), jnp.float32)
    return {'node_h': node_h, 'x': x, 'edge_index': edge_index, 'edge_type_h': edge_type_h, 'params': params}


def _forward(node_h, x, edge_type_h, edge_index, params):
    i = edge_index[0]
    j = edge_index[1]
    n_nodes = node_h.shape[0]
    # NodeProcessor: scatter-add edge_type features to dst nodes
    agg = jax.ops.segment_sum(edge_type_h, j, num_segments=n_nodes)
    h = _mlp(jnp.concatenate([node_h, agg], axis=-1), params['n_W'], params['n_b'])
    h = _ln(h, params['n_g'], params['n_beta'])
    node_h2 = h + node_h
    # EdgeProcessor: gather endpoints
    h_i = node_h2[i]
    h_j = node_h2[j]
    x_i = x[i]
    x_j = x[j]
    out_h = _ln(_mlp(jnp.concatenate([h_i, h_j, edge_type_h], axis=-1), params['eh_W'], params['eh_b']), params['eh_g'], params['eh_beta'])
    disp = x_j - x_i
    dlen = jnp.sqrt(jnp.sum(disp * disp, axis=-1, keepdims=True) + 1e-12)
    out_x = _ln(_mlp(jnp.concatenate([disp, dlen], axis=-1), params['ex_W'], params['ex_b']), params['ex_g'], params['ex_beta'])
    edge_h = jnp.concatenate([out_h, out_x], axis=-1) @ params['eo_W'] + params['eo_b']
    # PosProcessor: scatter-add edge features to dst nodes
    agg2 = jax.ops.segment_sum(edge_h, j, num_segments=n_nodes)
    px = _ln(_mlp(jnp.concatenate([x, agg2], axis=-1), params['p_W'], params['p_b']), params['p_g'], params['p_beta'])
    x2 = px + x
    return (edge_h, node_h2, x2)


def reference(node_h, x, edge_index, edge_type_h, params):
    return _forward(node_h, x, edge_type_h, edge_index, params)

if __name__ == "__main__":
    import jax
    _d = setup_inputs()
    print(jax.jit(kernel)(*tuple(_d.values())))

</pallas_src>

<mosaic_0001>
#map = affine_map<(d0, d1) -> (0, 0)>
#map1 = affine_map<(d0, d1) -> (0)>
#map2 = affine_map<(d0, d1) -> (0, 0, 0)>
module attributes {stable_mosaic.version = 14 : i64} {
  func.func @body(%arg0: i32, %arg1: i32, %arg2: memref<320000x16xf32, #tpu.memory_space<hbm>>, %arg3: memref<320000xi32, #tpu.memory_space<hbm>>, %arg4: memref<10112x128xf32, #tpu.memory_space<hbm>>, %arg5: memref<2x10112x128xf32, #tpu.memory_space<hbm>>, %arg6: memref<128xi32, #tpu.memory_space<vmem>>, %arg7: memref<128xi32, #tpu.memory_space<vmem>>, %arg8: memref<128x16xf32, #tpu.memory_space<vmem>>, %arg9: memref<128x16xf32, #tpu.memory_space<vmem>>, %arg10: memref<128x128xf32, #tpu.memory_space<vmem>>, %arg11: memref<128xi32, #tpu.memory_space<vmem>>, %arg12: memref<10112x128xf32, #tpu.memory_space<vmem_shared>>, %arg13: memref<!tpu.dma_semaphore, #tpu.memory_space<semaphore_mem>>, %arg14: memref<!tpu.dma_semaphore, #tpu.memory_space<semaphore_mem>>, %arg15: memref<!tpu.dma_semaphore, #tpu.memory_space<semaphore_mem>>, %arg16: memref<!tpu.dma_semaphore, #tpu.memory_space<semaphore_mem>>) attributes {dimension_semantics = [#tpu.dimension_semantics<core_parallel>, #tpu.dimension_semantics<subcore_parallel>], iteration_bounds = array<i64: 2, 16>, scalar_prefetch = 0 : i64, scratch_operands = 11 : i64, tpu.core_type = #tpu.core_type<sc_vector_subcore>, window_params = [{transform_indices = #map}, {transform_indices = #map1}, {transform_indices = #map}, {transform_indices = #map2}]} {
    %mul3A = arith.constant 2 : i32
    %mul3A_0 = arith.muli %arg1, %mul3A : i32
    %add3A = arith.addi %mul3A_0, %arg0 : i32
    %mul3A_1 = arith.constant 632 : i32
    %mul3A_2 = arith.muli %arg1, %mul3A_1 : i32
    "tpu.region"() ({
      %run_scoped3A = tpu.sem_alloc : memref<!tpu.dma_semaphore, #tpu.memory_space<semaphore_mem>>
      %dma_start3A = arith.constant 0 : i32
      %dma_start3A_13 = tpu.memref_slice %arg12[%mul3A_2, %dma_start3A] : memref<10112x128xf32, #tpu.memory_space<vmem_shared>> -> memref<632x128xf32, #tpu.memory_space<vmem_shared>>
      %dma_start3A_14 = arith.constant 0 : i32
      %dma_start3A_15 = tpu.memref_slice %arg4[%mul3A_2, %dma_start3A_14] : memref<10112x128xf32, #tpu.memory_space<hbm>> -> memref<632x128xf32, #tpu.memory_space<hbm>>
      tpu.enqueue_dma source(%dma_start3A_15 : memref<632x128xf32, #tpu.memory_space<hbm>>) target(%dma_start3A_13 : memref<632x128xf32, #tpu.memory_space<vmem_shared>>) target_semaphore(%run_scoped3A : memref<!tpu.dma_semaphore, #tpu.memory_space<semaphore_mem>>)
      %dma_wait3A = arith.constant 0 : i32
      %dma_wait3A_16 = tpu.memref_slice %arg12[%mul3A_2, %dma_wait3A] : memref<10112x128xf32, #tpu.memory_space<vmem_shared>> -> memref<632x128xf32, #tpu.memory_space<vmem_shared>>
      %dma_wait3A_17 = arith.constant 0 : i32
      %dma_wait3A_18 = tpu.memref_slice %arg4[%mul3A_2, %dma_wait3A_17] : memref<10112x128xf32, #tpu.memory_space<hbm>> -> memref<632x128xf32, #tpu.memory_space<hbm>>
      tpu.wait_dma2 semaphore(%run_scoped3A : memref<!tpu.dma_semaphore, #tpu.memory_space<semaphore_mem>>) src(%dma_wait3A_18 : memref<632x128xf32, #tpu.memory_space<hbm>>) dst(%dma_wait3A_16 : memref<632x128xf32, #tpu.memory_space<vmem_shared>>)
      tpu.yield
    }) : () -> ()
    "tpu.region"() ({
      %run_scoped3A = tpu.sem_alloc : memref<!tpu.dma_semaphore, #tpu.memory_space<semaphore_mem>>
      %dma_start3A = arith.constant 0 : i32
      %dma_start3A_13 = arith.constant 0 : i32
      %dma_start3A_14 = tpu.memref_slice %arg4[%dma_start3A, %dma_start3A_13] : memref<10112x128xf32, #tpu.memory_space<hbm>> -> memref<128x128xf32, #tpu.memory_space<hbm>>
      %dma_start3A_15 = arith.constant 0 : i32
      %dma_start3A_16 = arith.constant 0 : i32
      %dma_start3A_17 = tpu.memref_slice %arg4[%dma_start3A_15, %dma_start3A_16] : memref<10112x128xf32, #tpu.memory_space<hbm>> -> memref<128x128xf32, #tpu.memory_space<hbm>>
      tpu.enqueue_dma source(%dma_start3A_17 : memref<128x128xf32, #tpu.memory_space<hbm>>) target(%arg10 : memref<128x128xf32, #tpu.memory_space<vmem>>) target_semaphore(%run_scoped3A : memref<!tpu.dma_semaphore, #tpu.memory_space<semaphore_mem>>)
      %dma_wait3A = arith.constant 0 : i32
      %dma_wait3A_18 = arith.constant 0 : i32
      %dma_wait3A_19 = tpu.memref_slice %arg4[%dma_wait3A, %dma_wait3A_18] : memref<10112x128xf32, #tpu.memory_space<hbm>> -> memref<128x128xf32, #tpu.memory_space<hbm>>
      %dma_wait3A_20 = arith.constant 0 : i32
      %dma_wait3A_21 = arith.constant 0 : i32
      %dma_wait3A_22 = tpu.memref_slice %arg4[%dma_wait3A_20, %dma_wait3A_21] : memref<10112x128xf32, #tpu.memory_space<hbm>> -> memref<128x128xf32, #tpu.memory_space<hbm>>
      tpu.wait_dma2 semaphore(%run_scoped3A : memref<!tpu.dma_semaphore, #tpu.memory_space<semaphore_mem>>) src(%dma_wait3A_22 : memref<128x128xf32, #tpu.memory_space<hbm>>) dst(%arg10 : memref<128x128xf32, #tpu.memory_space<vmem>>)
      tpu.yield
    }) : () -> ()
    %barrier3A = arith.constant 0 : index
    tpu.barrier barrier_id(%barrier3A)
    %add3A_3 = arith.constant 0 : i32
    %add3A_4 = arith.addi %add3A, %add3A_3 : i32
    %lt3A = arith.constant 2500 : i32
    %lt3A_5 = arith.cmpi slt, %add3A_4, %lt3A : i32
    %convert_element_type3A = arith.extui %lt3A_5 : i1 to i32
    %cond3A = arith.constant 0 : i32
    %cond3A_6 = arith.cmpi ne, %convert_element_type3A, %cond3A : i32
    scf.if %cond3A_6 {
      %mul3A_13 = arith.constant 128 : i32
      %mul3A_14 = arith.muli %add3A_4, %mul3A_13 : i32
      %dma_start3A = tpu.memref_slice %arg3[%mul3A_14] : memref<320000xi32, #tpu.memory_space<hbm>> -> memref<128xi32, #tpu.memory_space<hbm>>
      %dma_start3A_15 = tpu.memref_slice %arg3[%mul3A_14] : memref<320000xi32, #tpu.memory_space<hbm>> -> memref<128xi32, #tpu.memory_space<hbm>>
      tpu.enqueue_dma source(%dma_start3A_15 : memref<128xi32, #tpu.memory_space<hbm>>) target(%arg6 : memref<128xi32, #tpu.memory_space<vmem>>) target_semaphore(%arg13 : memref<!tpu.dma_semaphore, #tpu.memory_space<semaphore_mem>>)
      %mul3A_16 = arith.constant 128 : i32
      %mul3A_17 = arith.muli %add3A_4, %mul3A_16 : i32
      %dma_start3A_18 = arith.constant 0 : i32
      %dma_start3A_19 = tpu.memref_slice %arg2[%mul3A_17, %dma_start3A_18] : memref<320000x16xf32, #tpu.memory_space<hbm>> -> memref<128x16xf32, #tpu.memory_space<hbm>>
      %dma_start3A_20 = arith.constant 0 : i32
      %dma_start3A_21 = tpu.memref_slice %arg2[%mul3A_17, %dma_start3A_20] : memref<320000x16xf32, #tpu.memory_space<hbm>> -> memref<128x16xf32, #tpu.memory_space<hbm>>
      tpu.enqueue_dma source(%dma_start3A_21 : memref<128x16xf32, #tpu.memory_space<hbm>>) target(%arg8 : memref<128x16xf32, #tpu.memory_space<vmem>>) target_semaphore(%arg15 : memref<!tpu.dma_semaphore, #tpu.memory_space<semaphore_mem>>)
    } else {
    }
    %scan3A = arith.constant 0 : i32
    %scan3A_7 = arith.constant 0 : i32
    %scan3A_8 = arith.constant 40 : i32
    %scan3A_9 = arith.addi %scan3A_7, %scan3A_8 : i32
    %scan3A_10 = arith.constant 1 : i32
    scf.for %scan3A_13 = %scan3A_7 to %scan3A_9 step %scan3A_10  : i32 {
      %mul3A_14 = arith.constant 2 : i32
      %mul3A_15 = arith.muli %scan3A_13, %mul3A_14 : i32
      %add3A_16 = arith.constant 1 : i32
      %add3A_17 = arith.addi %mul3A_15, %add3A_16 : i32
      %mul3A_18 = arith.constant 32 : i32
      %mul3A_19 = arith.muli %add3A_17, %mul3A_18 : i32
      %add3A_20 = arith.addi %add3A, %mul3A_19 : i32
      %lt3A_21 = arith.constant 2500 : i32
      %lt3A_22 = arith.cmpi slt, %add3A_20, %lt3A_21 : i32
      %convert_element_type3A_23 = arith.extui %lt3A_22 : i1 to i32
      %cond3A_24 = arith.constant 0 : i32
      %cond3A_25 = arith.cmpi ne, %convert_element_type3A_23, %cond3A_24 : i32
      scf.if %cond3A_25 {
        %mul3A_54 = arith.constant 128 : i32
        %mul3A_55 = arith.muli %add3A_20, %mul3A_54 : i32
        %dma_start3A = tpu.memref_slice %arg3[%mul3A_55] : memref<320000xi32, #tpu.memory_space<hbm>> -> memref<128xi32, #tpu.memory_space<hbm>>
        %dma_start3A_56 = tpu.memref_slice %arg3[%mul3A_55] : memref<320000xi32, #tpu.memory_space<hbm>> -> memref<128xi32, #tpu.memory_space<hbm>>
        tpu.enqueue_dma source(%dma_start3A_56 : memref<128xi32, #tpu.memory_space<hbm>>) target(%arg7 : memref<128xi32, #tpu.memory_space<vmem>>) target_semaphore(%arg14 : memref<!tpu.dma_semaphore, #tpu.memory_space<semaphore_mem>>)
        %mul3A_57 = arith.constant 128 : i32
        %mul3A_58 = arith.muli %add3A_20, %mul3A_57 : i32
        %dma_start3A_59 = arith.constant 0 : i32
        %dma_start3A_60 = tpu.memref_slice %arg2[%mul3A_58, %dma_start3A_59] : memref<320000x16xf32, #tpu.memory_space<hbm>> -> memref<128x16xf32, #tpu.memory_space<hbm>>
        %dma_start3A_61 = arith.constant 0 : i32
        %dma_start3A_62 = tpu.memref_slice %arg2[%mul3A_58, %dma_start3A_61] : memref<320000x16xf32, #tpu.memory_space<hbm>> -> memref<128x16xf32, #tpu.memory_space<hbm>>
        tpu.enqueue_dma source(%dma_start3A_62 : memref<128x16xf32, #tpu.memory_space<hbm>>) target(%arg9 : memref<128x16xf32, #tpu.memory_space<vmem>>) target_semaphore(%arg16 : memref<!tpu.dma_semaphore, #tpu.memory_space<semaphore_mem>>)
      } else {
      }
      %mul3A_26 = arith.constant 32 : i32
      %mul3A_27 = arith.muli %mul3A_15, %mul3A_26 : i32
      %add3A_28 = arith.addi %add3A, %mul3A_27 : i32
      %lt3A_29 = arith.constant 2500 : i32
      %lt3A_30 = arith.cmpi slt, %add3A_28, %lt3A_29 : i32
      %convert_element_type3A_31 = arith.extui %lt3A_30 : i1 to i32
      %cond3A_32 = arith.constant 0 : i32
      %cond3A_33 = arith.cmpi ne, %convert_element_type3A_31, %cond3A_32 : i32
      scf.if %cond3A_33 {
        %mul3A_54 = arith.constant 128 : i32
        %mul3A_55 = arith.muli %add3A_28, %mul3A_54 : i32
        %dma_wait3A = tpu.memref_slice %arg3[%mul3A_55] : memref<320000xi32, #tpu.memory_space<hbm>> -> memref<128xi32, #tpu.memory_space<hbm>>
        %dma_wait3A_56 = tpu.memref_slice %arg3[%mul3A_55] : memref<320000xi32, #tpu.memory_space<hbm>> -> memref<128xi32, #tpu.memory_space<hbm>>
        tpu.wait_dma2 semaphore(%arg13 : memref<!tpu.dma_semaphore, #tpu.memory_space<semaphore_mem>>) src(%dma_wait3A_56 : memref<128xi32, #tpu.memory_space<hbm>>) dst(%arg6 : memref<128xi32, #tpu.memory_space<vmem>>)
        %mul3A_57 = arith.constant 128 : i32
        %mul3A_58 = arith.muli %add3A_28, %mul3A_57 : i32
        %dma_wait3A_59 = arith.constant 0 : i32
        %dma_wait3A_60 = tpu.memref_slice %arg2[%mul3A_58, %dma_wait3A_59] : memref<320000x16xf32, #tpu.memory_space<hbm>> -> memref<128x16xf32, #tpu.memory_space<hbm>>
        %dma_wait3A_61 = arith.constant 0 : i32
        %dma_wait3A_62 = tpu.memref_slice %arg2[%mul3A_58, %dma_wait3A_61] : memref<320000x16xf32, #tpu.memory_space<hbm>> -> memref<128x16xf32, #tpu.memory_space<hbm>>
        tpu.wait_dma2 semaphore(%arg15 : memref<!tpu.dma_semaphore, #tpu.memory_space<semaphore_mem>>) src(%dma_wait3A_62 : memref<128x16xf32, #tpu.memory_space<hbm>>) dst(%arg8 : memref<128x16xf32, #tpu.memory_space<vmem>>)
        %scan3A_63 = arith.constant 0 : i32
        %scan3A_64 = arith.constant 0 : i32
        %scan3A_65 = arith.constant 128 : i32
        %scan3A_66 = arith.addi %scan3A_64, %scan3A_65 : i32
        %scan3A_67 = arith.constant 1 : i32
        scf.for %scan3A_123 = %scan3A_64 to %scan3A_66 step %scan3A_67  : i32 {
          %get3A_124 = arith.index_cast %scan3A_123 : i32 to index
          %get3A_125 = arith.constant 0 : index
          %get3A_126 = tpu.vector_load %arg8[%get3A_124, %get3A_125] {strides = array<i32>} : memref<128x16xf32, #tpu.memory_space<vmem>>, vector<1x16xf32>,
          %get3A_127 = vector.shape_cast %get3A_126 : vector<1x16xf32> to vector<16xf32>
          %swap3A_128 = arith.index_cast %scan3A_123 : i32 to index
          %swap3A_129 = arith.constant 0 : index
          %swap3A_130 = tpu.vector_load %arg10[%swap3A_128, %swap3A_129] {strides = array<i32>} : memref<128x128xf32, #tpu.memory_space<vmem>>, vector<1x16xf32>,
          %swap3A_131 = vector.shape_cast %swap3A_130 : vector<1x16xf32> to vector<16xf32>
          %swap3A_132 = vector.shape_cast %get3A_127 : vector<16xf32> to vector<1x16xf32>
          tpu.vector_store %arg10[%swap3A_128, %swap3A_129], %swap3A_132 {strides = array<i32>} : memref<128x128xf32, #tpu.memory_space<vmem>>, vector<1x16xf32>,
        }
        %scan3A_68 = arith.constant 128 : i32
        %get3A = arith.constant 0 : index
        %get3A_69 = tpu.vector_load %arg6[%get3A] {strides = array<i32>} : memref<128xi32, #tpu.memory_space<vmem>>, vector<16xi32>,
        %get3A_70 = vector.shape_cast %get3A_69 : vector<16xi32> to vector<16xi32>
        %swap3A = arith.constant 0 : index
        %swap3A_71 = tpu.vector_load %arg11[%swap3A] {strides = array<i32>} : memref<128xi32, #tpu.memory_space<vmem>>, vector<16xi32>,
        %swap3A_72 = vector.shape_cast %swap3A_71 : vector<16xi32> to vector<16xi32>
        %swap3A_73 = vector.shape_cast %get3A_70 : vector<16xi32> to vector<16xi32>
        tpu.vector_store %arg11[%swap3A], %swap3A_73 {strides = array<i32>} : memref<128xi32, #tpu.memory_space<vmem>>, vector<16xi32>,
        %get3A_74 = arith.constant 16 : index
        %get3A_75 = tpu.vector_load %arg6[%get3A_74] {strides = array<i32>} : memref<128xi32, #tpu.memory_space<vmem>>, vector<16xi32>,
        %get3A_76 = vector.shape_cast %get3A_75 : vector<16xi32> to vector<16xi32>
        %swap3A_77 = arith.constant 16 : index
        %swap3A_78 = tpu.vector_load %arg11[%swap3A_77] {strides = array<i32>} : memref<128xi32, #tpu.memory_space<vmem>>, vector<16xi32>,
        %swap3A_79 = vector.shape_cast %swap3A_78 : vector<16xi32> to vector<16xi32>
        %swap3A_80 = vector.shape_cast %get3A_76 : vector<16xi32> to vector<16xi32>
        tpu.vector_store %arg11[%swap3A_77], %swap3A_80 {strides = array<i32>} : memref<128xi32, #tpu.memory_space<vmem>>, vector<16xi32>,
        %get3A_81 = arith.constant 32 : index
        %get3A_82 = tpu.vector_load %arg6[%get3A_81] {strides = array<i32>} : memref<128xi32, #tpu.memory_space<vmem>>, vector<16xi32>,
        %get3A_83 = vector.shape_cast %get3A_82 : vector<16xi32> to vector<16xi32>
        %swap3A_84 = arith.constant 32 : index
        %swap3A_85 = tpu.vector_load %arg11[%swap3A_84] {strides = array<i32>} : memref<128xi32, #tpu.memory_space<vmem>>, vector<16xi32>,
        %swap3A_86 = vector.shape_cast %swap3A_85 : vector<16xi32> to vector<16xi32>
        %swap3A_87 = vector.shape_cast %get3A_83 : vector<16xi32> to vector<16xi32>
        tpu.vector_store %arg11[%swap3A_84], %swap3A_87 {strides = array<i32>} : memref<128xi32, #tpu.memory_space<vmem>>, vector<16xi32>,
        %get3A_88 = arith.constant 48 : index
        %get3A_89 = tpu.vector_load %arg6[%get3A_88] {strides = array<i32>} : memref<128xi32, #tpu.memory_space<vmem>>, vector<16xi32>,
        %get3A_90 = vector.shape_cast %get3A_89 : vector<16xi32> to vector<16xi32>
        %swap3A_91 = arith.constant 48 : index
        %swap3A_92 = tpu.vector_load %arg11[%swap3A_91] {strides = array<i32>} : memref<128xi32, #tpu.memory_space<vmem>>, vector<16xi32>,
        %swap3A_93 = vector.shape_cast %swap3A_92 : vector<16xi32> to vector<16xi32>
        %swap3A_94 = vector.shape_cast %get3A_90 : vector<16xi32> to vector<16xi32>
        tpu.vector_store %arg11[%swap3A_91], %swap3A_94 {strides = array<i32>} : memref<128xi32, #tpu.memory_space<vmem>>, vector<16xi32>,
        %get3A_95 = arith.constant 64 : index
        %get3A_96 = tpu.vector_load %arg6[%get3A_95] {strides = array<i32>} : memref<128xi32, #tpu.memory_space<vmem>>, vector<16xi32>,
        %get3A_97 = vector.shape_cast %get3A_96 : vector<16xi32> to vector<16xi32>
        %swap3A_98 = arith.constant 64 : index
        %swap3A_99 = tpu.vector_load %arg11[%swap3A_98] {strides = array<i32>} : memref<128xi32, #tpu.memory_space<vmem>>, vector<16xi32>,
        %swap3A_100 = vector.shape_cast %swap3A_99 : vector<16xi32> to vector<16xi32>
        %swap3A_101 = vector.shape_cast %get3A_97 : vector<16xi32> to vector<16xi32>
        tpu.vector_store %arg11[%swap3A_98], %swap3A_101 {strides = array<i32>} : memref<128xi32, #tpu.memory_space<vmem>>, vector<16xi32>,
        %get3A_102 = arith.constant 80 : index
        %get3A_103 = tpu.vector_load %arg6[%get3A_102] {strides = array<i32>} : memref<128xi32, #tpu.memory_space<vmem>>, vector<16xi32>,
        %get3A_104 = vector.shape_cast %get3A_103 : vector<16xi32> to vector<16xi32>
        %swap3A_105 = arith.constant 80 : index
        %swap3A_106 = tpu.vector_load %arg11[%swap3A_105] {strides = array<i32>} : memref<128xi32, #tpu.memory_space<vmem>>, vector<16xi32>,
        %swap3A_107 = vector.shape_cast %swap3A_106 : vector<16xi32> to vector<16xi32>
        %swap3A_108 = vector.shape_cast %get3A_104 : vector<16xi32> to vector<16xi32>
        tpu.vector_store %arg11[%swap3A_105], %swap3A_108 {strides = array<i32>} : memref<128xi32, #tpu.memory_space<vmem>>, vector<16xi32>,
        %get3A_109 = arith.constant 96 : index
        %get3A_110 = tpu.vector_load %arg6[%get3A_109] {strides = array<i32>} : memref<128xi32, #tpu.memory_space<vmem>>, vector<16xi32>,
        %get3A_111 = vector.shape_cast %get3A_110 : vector<16xi32> to vector<16xi32>
        %swap3A_112 = arith.constant 96 : index
        %swap3A_113 = tpu.vector_load %arg11[%swap3A_112] {strides = array<i32>} : memref<128xi32, #tpu.memory_space<vmem>>, vector<16xi32>,
        %swap3A_114 = vector.shape_cast %swap3A_113 : vector<16xi32> to vector<16xi32>
        %swap3A_115 = vector.shape_cast %get3A_111 : vector<16xi32> to vector<16xi32>
        tpu.vector_store %arg11[%swap3A_112], %swap3A_115 {strides = array<i32>} : memref<128xi32, #tpu.memory_space<vmem>>, vector<16xi32>,
        %get3A_116 = arith.constant 112 : index
        %get3A_117 = tpu.vector_load %arg6[%get3A_116] {strides = array<i32>} : memref<128xi32, #tpu.memory_space<vmem>>, vector<16xi32>,
        %get3A_118 = vector.shape_cast %get3A_117 : vector<16xi32> to vector<16xi32>
        %swap3A_119 = arith.constant 112 : index
        %swap3A_120 = tpu.vector_load %arg11[%swap3A_119] {strides = array<i32>} : memref<128xi32, #tpu.memory_space<vmem>>, vector<16xi32>,
        %swap3A_121 = vector.shape_cast %swap3A_120 : vector<16xi32> to vector<16xi32>
        %swap3A_122 = vector.shape_cast %get3A_118 : vector<16xi32> to vector<16xi32>
        tpu.vector_store %arg11[%swap3A_119], %swap3A_122 {strides = array<i32>} : memref<128xi32, #tpu.memory_space<vmem>>, vector<16xi32>,
        "tpu.region"() ({
          %run_scoped3A = tpu.sem_alloc : memref<!tpu.dma_semaphore, #tpu.memory_space<semaphore_mem>>
          %dma_start3A = arith.constant 0 : i32
          %dma_start3A_123 = arith.constant 0 : i32
          %dma_start3A_124 = tpu.memref_slice %arg12[%dma_start3A, %dma_start3A_123] : memref<10112x128xf32, #tpu.memory_space<vmem_shared>> -> memref<10112x128xf32, #tpu.memory_space<vmem_shared>>
          tpu.enqueue_indirect_dma source(%arg10 : memref<128x128xf32, #tpu.memory_space<vmem>>) target(%dma_start3A_124 : memref<10112x128xf32, #tpu.memory_space<vmem_shared>>) offsets(%arg11 : memref<128xi32, #tpu.memory_space<vmem>>) semaphore(%run_scoped3A : memref<!tpu.dma_semaphore, #tpu.memory_space<semaphore_mem>>) {add = true}
          %dma_wait3A_125 = arith.constant 0 : i32
          %dma_wait3A_126 = arith.constant 0 : i32
          %dma_wait3A_127 = tpu.memref_slice %arg12[%dma_wait3A_125, %dma_wait3A_126] : memref<10112x128xf32, #tpu.memory_space<vmem_shared>> -> memref<10112x128xf32, #tpu.memory_space<vmem_shared>>
          tpu.wait_indirect_dma semaphore(%run_scoped3A : memref<!tpu.dma_semaphore, #tpu.memory_space<semaphore_mem>>) src(%arg10 : memref<128x128xf32, #tpu.memory_space<vmem>>) dst(%dma_wait3A_127 : memref<10112x128xf32, #tpu.memory_space<vmem_shared>>)
          tpu.yield
        }) : () -> ()
      } else {
      }
      %add3A_34 = arith.constant 2 : i32
      %add3A_35 = arith.addi %mul3A_15, %add3A_34 : i32
      %mul3A_36 = arith.constant 32 : i32
      %mul3A_37 = arith.muli %add3A_35, %mul3A_36 : i32
      %add3A_38 = arith.addi %add3A, %mul3A_37 : i32
      %lt3A_39 = arith.constant 2500 : i32
      %lt3A_40 = arith.cmpi slt, %add3A_38, %lt3A_39 : i32
      %convert_element_type3A_41 = arith.extui %lt3A_40 : i1 to i32
      %cond3A_42 = arith.constant 0 : i32
      %cond3A_43 = arith.cmpi ne, %convert_element_type3A_41, %cond3A_42 : i32
      scf.if %cond3A_43 {
        %mul3A_54 = arith.constant 128 : i32
        %mul3A_55 = arith.muli %add3A_38, %mul3A_54 : i32
        %dma_start3A = tpu.memref_slice %arg3[%mul3A_55] : memref<320000xi32, #tpu.memory_space<hbm>> -> memref<128xi32, #tpu.memory_space<hbm>>
        %dma_start3A_56 = tpu.memref_slice %arg3[%mul3A_55] : memref<320000xi32, #tpu.memory_space<hbm>> -> memref<128xi32, #tpu.memory_space<hbm>>
        tpu.enqueue_dma source(%dma_start3A_56 : memref<128xi32, #tpu.memory_space<hbm>>) target(%arg6 : memref<128xi32, #tpu.memory_space<vmem>>) target_semaphore(%arg13 : memref<!tpu.dma_semaphore, #tpu.memory_space<semaphore_mem>>)
        %mul3A_57 = arith.constant 128 : i32
        %mul3A_58 = arith.muli %add3A_38, %mul3A_57 : i32
        %dma_start3A_59 = arith.constant 0 : i32
        %dma_start3A_60 = tpu.memref_slice %arg2[%mul3A_58, %dma_start3A_59] : memref<320000x16xf32, #tpu.memory_space<hbm>> -> memref<128x16xf32, #tpu.memory_space<hbm>>
        %dma_start3A_61 = arith.constant 0 : i32
        %dma_start3A_62 = tpu.memref_slice %arg2[%mul3A_58, %dma_start3A_61] : memref<320000x16xf32, #tpu.memory_space<hbm>> -> memref<128x16xf32, #tpu.memory_space<hbm>>
        tpu.enqueue_dma source(%dma_start3A_62 : memref<128x16xf32, #tpu.memory_space<hbm>>) target(%arg8 : memref<128x16xf32, #tpu.memory_space<vmem>>) target_semaphore(%arg15 : memref<!tpu.dma_semaphore, #tpu.memory_space<semaphore_mem>>)
      } else {
      }
      %add3A_44 = arith.constant 1 : i32
      %add3A_45 = arith.addi %mul3A_15, %add3A_44 : i32
      %mul3A_46 = arith.constant 32 : i32
      %mul3A_47 = arith.muli %add3A_45, %mul3A_46 : i32
      %add3A_48 = arith.addi %add3A, %mul3A_47 : i32
      %lt3A_49 = arith.constant 2500 : i32
      %lt3A_50 = arith.cmpi slt, %add3A_48, %lt3A_49 : i32
      %convert_element_type3A_51 = arith.extui %lt3A_50 : i1 to i32
      %cond3A_52 = arith.constant 0 : i32
      %cond3A_53 = arith.cmpi ne, %convert_element_type3A_51, %cond3A_52 : i32
      scf.if %cond3A_53 {
        %mul3A_54 = arith.constant 128 : i32
        %mul3A_55 = arith.muli %add3A_48, %mul3A_54 : i32
        %dma_wait3A = tpu.memref_slice %arg3[%mul3A_55] : memref<320000xi32, #tpu.memory_space<hbm>> -> memref<128xi32, #tpu.memory_space<hbm>>
        %dma_wait3A_56 = tpu.memref_slice %arg3[%mul3A_55] : memref<320000xi32, #tpu.memory_space<hbm>> -> memref<128xi32, #tpu.memory_space<hbm>>
        tpu.wait_dma2 semaphore(%arg14 : memref<!tpu.dma_semaphore, #tpu.memory_space<semaphore_mem>>) src(%dma_wait3A_56 : memref<128xi32, #tpu.memory_space<hbm>>) dst(%arg7 : memref<128xi32, #tpu.memory_space<vmem>>)
        %mul3A_57 = arith.constant 128 : i32
        %mul3A_58 = arith.muli %add3A_48, %mul3A_57 : i32
        %dma_wait3A_59 = arith.constant 0 : i32
        %dma_wait3A_60 = tpu.memref_slice %arg2[%mul3A_58, %dma_wait3A_59] : memref<320000x16xf32, #tpu.memory_space<hbm>> -> memref<128x16xf32, #tpu.memory_space<hbm>>
        %dma_wait3A_61 = arith.constant 0 : i32
        %dma_wait3A_62 = tpu.memref_slice %arg2[%mul3A_58, %dma_wait3A_61] : memref<320000x16xf32, #tpu.memory_space<hbm>> -> memref<128x16xf32, #tpu.memory_space<hbm>>
        tpu.wait_dma2 semaphore(%arg16 : memref<!tpu.dma_semaphore, #tpu.memory_space<semaphore_mem>>) src(%dma_wait3A_62 : memref<128x16xf32, #tpu.memory_space<hbm>>) dst(%arg9 : memref<128x16xf32, #tpu.memory_space<vmem>>)
        %scan3A_63 = arith.constant 0 : i32
        %scan3A_64 = arith.constant 0 : i32
        %scan3A_65 = arith.constant 128 : i32
        %scan3A_66 = arith.addi %scan3A_64, %scan3A_65 : i32
        %scan3A_67 = arith.constant 1 : i32
        scf.for %scan3A_123 = %scan3A_64 to %scan3A_66 step %scan3A_67  : i32 {
          %get3A_124 = arith.index_cast %scan3A_123 : i32 to index
          %get3A_125 = arith.constant 0 : index
          %get3A_126 = tpu.vector_load %arg9[%get3A_124, %get3A_125] {strides = array<i32>} : memref<128x16xf32, #tpu.memory_space<vmem>>, vector<1x16xf32>,
          %get3A_127 = vector.shape_cast %get3A_126 : vector<1x16xf32> to vector<16xf32>
          %swap3A_128 = arith.index_cast %scan3A_123 : i32 to index
          %swap3A_129 = arith.constant 0 : index
          %swap3A_130 = tpu.vector_load %arg10[%swap3A_128, %swap3A_129] {strides = array<i32>} : memref<128x128xf32, #tpu.memory_space<vmem>>, vector<1x16xf32>,
          %swap3A_131 = vector.shape_cast %swap3A_130 : vector<1x16xf32> to vector<16xf32>
          %swap3A_132 = vector.shape_cast %get3A_127 : vector<16xf32> to vector<1x16xf32>
          tpu.vector_store %arg10[%swap3A_128, %swap3A_129], %swap3A_132 {strides = array<i32>} : memref<128x128xf32, #tpu.memory_space<vmem>>, vector<1x16xf32>,
        }
        %scan3A_68 = arith.constant 128 : i32
        %get3A = arith.constant 0 : index
        %get3A_69 = tpu.vector_load %arg7[%get3A] {strides = array<i32>} : memref<128xi32, #tpu.memory_space<vmem>>, vector<16xi32>,
        %get3A_70 = vector.shape_cast %get3A_69 : vector<16xi32> to vector<16xi32>
        %swap3A = arith.constant 0 : index
        %swap3A_71 = tpu.vector_load %arg11[%swap3A] {strides = array<i32>} : memref<128xi32, #tpu.memory_space<vmem>>, vector<16xi32>,
        %swap3A_72 = vector.shape_cast %swap3A_71 : vector<16xi32> to vector<16xi32>
        %swap3A_73 = vector.shape_cast %get3A_70 : vector<16xi32> to vector<16xi32>
        tpu.vector_store %arg11[%swap3A], %swap3A_73 {strides = array<i32>} : memref<128xi32, #tpu.memory_space<vmem>>, vector<16xi32>,
        %get3A_74 = arith.constant 16 : index
        %get3A_75 = tpu.vector_load %arg7[%get3A_74] {strides = array<i32>} : memref<128xi32, #tpu.memory_space<vmem>>, vector<16xi32>,
        %get3A_76 = vector.shape_cast %get3A_75 : vector<16xi32> to vector<16xi32>
        %swap3A_77 = arith.constant 16 : index
        %swap3A_78 = tpu.vector_load %arg11[%swap3A_77] {strides = array<i32>} : memref<128xi32, #tpu.memory_space<vmem>>, vector<16xi32>,
        %swap3A_79 = vector.shape_cast %swap3A_78 : vector<16xi32> to vector<16xi32>
        %swap3A_80 = vector.shape_cast %get3A_76 : vector<16xi32> to vector<16xi32>
        tpu.vector_store %arg11[%swap3A_77], %swap3A_80 {strides = array<i32>} : memref<128xi32, #tpu.memory_space<vmem>>, vector<16xi32>,
        %get3A_81 = arith.constant 32 : index
        %get3A_82 = tpu.vector_load %arg7[%get3A_81] {strides = array<i32>} : memref<128xi32, #tpu.memory_space<vmem>>, vector<16xi32>,
        %get3A_83 = vector.shape_cast %get3A_82 : vector<16xi32> to vector<16xi32>
        %swap3A_84 = arith.constant 32 : index
        %swap3A_85 = tpu.vector_load %arg11[%swap3A_84] {strides = array<i32>} : memref<128xi32, #tpu.memory_space<vmem>>, vector<16xi32>,
        %swap3A_86 = vector.shape_cast %swap3A_85 : vector<16xi32> to vector<16xi32>
        %swap3A_87 = vector.shape_cast %get3A_83 : vector<16xi32> to vector<16xi32>
        tpu.vector_store %arg11[%swap3A_84], %swap3A_87 {strides = array<i32>} : memref<128xi32, #tpu.memory_space<vmem>>, vector<16xi32>,
        %get3A_88 = arith.constant 48 : index
        %get3A_89 = tpu.vector_load %arg7[%get3A_88] {strides = array<i32>} : memref<128xi32, #tpu.memory_space<vmem>>, vector<16xi32>,
        %get3A_90 = vector.shape_cast %get3A_89 : vector<16xi32> to vector<16xi32>
        %swap3A_91 = arith.constant 48 : index
        %swap3A_92 = tpu.vector_load %arg11[%swap3A_91] {strides = array<i32>} : memref<128xi32, #tpu.memory_space<vmem>>, vector<16xi32>,
        %swap3A_93 = vector.shape_cast %swap3A_92 : vector<16xi32> to vector<16xi32>
        %swap3A_94 = vector.shape_cast %get3A_90 : vector<16xi32> to vector<16xi32>
        tpu.vector_store %arg11[%swap3A_91], %swap3A_94 {strides = array<i32>} : memref<128xi32, #tpu.memory_space<vmem>>, vector<16xi32>,
        %get3A_95 = arith.constant 64 : index
        %get3A_96 = tpu.vector_load %arg7[%get3A_95] {strides = array<i32>} : memref<128xi32, #tpu.memory_space<vmem>>, vector<16xi32>,
        %get3A_97 = vector.shape_cast %get3A_96 : vector<16xi32> to vector<16xi32>
        %swap3A_98 = arith.constant 64 : index
        %swap3A_99 = tpu.vector_load %arg11[%swap3A_98] {strides = array<i32>} : memref<128xi32, #tpu.memory_space<vmem>>, vector<16xi32>,
        %swap3A_100 = vector.shape_cast %swap3A_99 : vector<16xi32> to vector<16xi32>
        %swap3A_101 = vector.shape_cast %get3A_97 : vector<16xi32> to vector<16xi32>
        tpu.vector_store %arg11[%swap3A_98], %swap3A_101 {strides = array<i32>} : memref<128xi32, #tpu.memory_space<vmem>>, vector<16xi32>,
        %get3A_102 = arith.constant 80 : index
        %get3A_103 = tpu.vector_load %arg7[%get3A_102] {strides = array<i32>} : memref<128xi32, #tpu.memory_space<vmem>>, vector<16xi32>,
        %get3A_104 = vector.shape_cast %get3A_103 : vector<16xi32> to vector<16xi32>
        %swap3A_105 = arith.constant 80 : index
        %swap3A_106 = tpu.vector_load %arg11[%swap3A_105] {strides = array<i32>} : memref<128xi32, #tpu.memory_space<vmem>>, vector<16xi32>,
        %swap3A_107 = vector.shape_cast %swap3A_106 : vector<16xi32> to vector<16xi32>
        %swap3A_108 = vector.shape_cast %get3A_104 : vector<16xi32> to vector<16xi32>
        tpu.vector_store %arg11[%swap3A_105], %swap3A_108 {strides = array<i32>} : memref<128xi32, #tpu.memory_space<vmem>>, vector<16xi32>,
        %get3A_109 = arith.constant 96 : index
        %get3A_110 = tpu.vector_load %arg7[%get3A_109] {strides = array<i32>} : memref<128xi32, #tpu.memory_space<vmem>>, vector<16xi32>,
        %get3A_111 = vector.shape_cast %get3A_110 : vector<16xi32> to vector<16xi32>
        %swap3A_112 = arith.constant 96 : index
        %swap3A_113 = tpu.vector_load %arg11[%swap3A_112] {strides = array<i32>} : memref<128xi32, #tpu.memory_space<vmem>>, vector<16xi32>,
        %swap3A_114 = vector.shape_cast %swap3A_113 : vector<16xi32> to vector<16xi32>
        %swap3A_115 = vector.shape_cast %get3A_111 : vector<16xi32> to vector<16xi32>
        tpu.vector_store %arg11[%swap3A_112], %swap3A_115 {strides = array<i32>} : memref<128xi32, #tpu.memory_space<vmem>>, vector<16xi32>,
        %get3A_116 = arith.constant 112 : index
        %get3A_117 = tpu.vector_load %arg7[%get3A_116] {strides = array<i32>} : memref<128xi32, #tpu.memory_space<vmem>>, vector<16xi32>,
        %get3A_118 = vector.shape_cast %get3A_117 : vector<16xi32> to vector<16xi32>
        %swap3A_119 = arith.constant 112 : index
        %swap3A_120 = tpu.vector_load %arg11[%swap3A_119] {strides = array<i32>} : memref<128xi32, #tpu.memory_space<vmem>>, vector<16xi32>,
        %swap3A_121 = vector.shape_cast %swap3A_120 : vector<16xi32> to vector<16xi32>
        %swap3A_122 = vector.shape_cast %get3A_118 : vector<16xi32> to vector<16xi32>
        tpu.vector_store %arg11[%swap3A_119], %swap3A_122 {strides = array<i32>} : memref<128xi32, #tpu.memory_space<vmem>>, vector<16xi32>,
        "tpu.region"() ({
          %run_scoped3A = tpu.sem_alloc : memref<!tpu.dma_semaphore, #tpu.memory_space<semaphore_mem>>
          %dma_start3A = arith.constant 0 : i32
          %dma_start3A_123 = arith.constant 0 : i32
          %dma_start3A_124 = tpu.memref_slice %arg12[%dma_start3A, %dma_start3A_123] : memref<10112x128xf32, #tpu.memory_space<vmem_shared>> -> memref<10112x128xf32, #tpu.memory_space<vmem_shared>>
          tpu.enqueue_indirect_dma source(%arg10 : memref<128x128xf32, #tpu.memory_space<vmem>>) target(%dma_start3A_124 : memref<10112x128xf32, #tpu.memory_space<vmem_shared>>) offsets(%arg11 : memref<128xi32, #tpu.memory_space<vmem>>) semaphore(%run_scoped3A : memref<!tpu.dma_semaphore, #tpu.memory_space<semaphore_mem>>) {add = true}
          %dma_wait3A_125 = arith.constant 0 : i32
          %dma_wait3A_126 = arith.constant 0 : i32
          %dma_wait3A_127 = tpu.memref_slice %arg12[%dma_wait3A_125, %dma_wait3A_126] : memref<10112x128xf32, #tpu.memory_space<vmem_shared>> -> memref<10112x128xf32, #tpu.memory_space<vmem_shared>>
          tpu.wait_indirect_dma semaphore(%run_scoped3A : memref<!tpu.dma_semaphore, #tpu.memory_space<semaphore_mem>>) src(%arg10 : memref<128x128xf32, #tpu.memory_space<vmem>>) dst(%dma_wait3A_127 : memref<10112x128xf32, #tpu.memory_space<vmem_shared>>)
          tpu.yield
        }) : () -> ()
      } else {
      }
    }
    %scan3A_11 = arith.constant 40 : i32
    %barrier3A_12 = arith.constant 0 : index
    tpu.barrier barrier_id(%barrier3A_12)
    "tpu.region"() ({
      %run_scoped3A = tpu.sem_alloc : memref<!tpu.dma_semaphore, #tpu.memory_space<semaphore_mem>>
      %dma_start3A = arith.constant 0 : i32
      %dma_start3A_13 = arith.constant 0 : i32
      %dma_start3A_14 = tpu.memref_slice %arg5[%arg0, %dma_start3A, %dma_start3A_13] : memref<2x10112x128xf32, #tpu.memory_space<hbm>> -> memref<1x10112x128xf32, #tpu.memory_space<hbm>>
      %dma_start3A_15 = tpu.memref_squeeze %dma_start3A_14 : memref<1x10112x128xf32, #tpu.memory_space<hbm>> -> memref<10112x128xf32, #tpu.memory_space<hbm>>
      %dma_start3A_16 = arith.constant 0 : i32
      %dma_start3A_17 = tpu.memref_slice %dma_start3A_15[%mul3A_2, %dma_start3A_16] : memref<10112x128xf32, #tpu.memory_space<hbm>> -> memref<632x128xf32, #tpu.memory_space<hbm>>
      %dma_start3A_18 = arith.constant 0 : i32
      %dma_start3A_19 = tpu.memref_slice %arg12[%mul3A_2, %dma_start3A_18] : memref<10112x128xf32, #tpu.memory_space<vmem_shared>> -> memref<632x128xf32, #tpu.memory_space<vmem_shared>>
      tpu.enqueue_dma source(%dma_start3A_19 : memref<632x128xf32, #tpu.memory_space<vmem_shared>>) target(%dma_start3A_17 : memref<632x128xf32, #tpu.memory_space<hbm>>) target_semaphore(%run_scoped3A : memref<!tpu.dma_semaphore, #tpu.memory_space<semaphore_mem>>)
      %dma_wait3A = arith.constant 0 : i32
      %dma_wait3A_20 = arith.constant 0 : i32
      %dma_wait3A_21 = tpu.memref_slice %arg5[%arg0, %dma_wait3A, %dma_wait3A_20] : memref<2x10112x128xf32, #tpu.memory_space<hbm>> -> memref<1x10112x128xf32, #tpu.memory_space<hbm>>
      %dma_wait3A_22 = tpu.memref_squeeze %dma_wait3A_21 : memref<1x10112x128xf32, #tpu.memory_space<hbm>> -> memref<10112x128xf32, #tpu.memory_space<hbm>>
      %dma_wait3A_23 = arith.constant 0 : i32
      %dma_wait3A_24 = tpu.memref_slice %dma_wait3A_22[%mul3A_2, %dma_wait3A_23] : memref<10112x128xf32, #tpu.memory_space<hbm>> -> memref<632x128xf32, #tpu.memory_space<hbm>>
      %dma_wait3A_25 = arith.constant 0 : i32
      %dma_wait3A_26 = tpu.memref_slice %arg12[%mul3A_2, %dma_wait3A_25] : memref<10112x128xf32, #tpu.memory_space<vmem_shared>> -> memref<632x128xf32, #tpu.memory_space<vmem_shared>>
      tpu.wait_dma2 semaphore(%run_scoped3A : memref<!tpu.dma_semaphore, #tpu.memory_space<semaphore_mem>>) src(%dma_wait3A_26 : memref<632x128xf32, #tpu.memory_space<vmem_shared>>) dst(%dma_wait3A_24 : memref<632x128xf32, #tpu.memory_space<hbm>>)
      tpu.yield
    }) : () -> ()
    return
  }
}

#map = affine_map<(d0, d1) -> (0, 0)>
#map1 = affine_map<(d0, d1) -> (0)>
#map2 = affine_map<(d0, d1) -> (0, 0, 0)>
module attributes {stable_mosaic.version = 14 : i64} {
  func.func @body(%arg0: i32, %arg1: i32, %arg2: memref<320000x64xf32, #tpu.memory_space<hbm>>, %arg3: memref<320000xi32, #tpu.memory_space<hbm>>, %arg4: memref<10112x128xf32, #tpu.memory_space<hbm>>, %arg5: memref<2x10112x128xf32, #tpu.memory_space<hbm>>, %arg6: memref<128xi32, #tpu.memory_space<vmem>>, %arg7: memref<128xi32, #tpu.memory_space<vmem>>, %arg8: memref<128x64xf32, #tpu.memory_space<vmem>>, %arg9: memref<128x64xf32, #tpu.memory_space<vmem>>, %arg10: memref<128x128xf32, #tpu.memory_space<vmem>>, %arg11: memref<128xi32, #tpu.memory_space<vmem>>, %arg12: memref<10112x128xf32, #tpu.memory_space<vmem_shared>>, %arg13: memref<!tpu.dma_semaphore, #tpu.memory_space<semaphore_mem>>, %arg14: memref<!tpu.dma_semaphore, #tpu.memory_space<semaphore_mem>>, %arg15: memref<!tpu.dma_semaphore, #tpu.memory_space<semaphore_mem>>, %arg16: memref<!tpu.dma_semaphore, #tpu.memory_space<semaphore_mem>>) attributes {dimension_semantics = [#tpu.dimension_semantics<core_parallel>, #tpu.dimension_semantics<subcore_parallel>], iteration_bounds = array<i64: 2, 16>, scalar_prefetch = 0 : i64, scratch_operands = 11 : i64, tpu.core_type = #tpu.core_type<sc_vector_subcore>, window_params = [{transform_indices = #map}, {transform_indices = #map1}, {transform_indices = #map}, {transform_indices = #map2}]} {
    %mul3A = arith.constant 2 : i32
    %mul3A_0 = arith.muli %arg1, %mul3A : i32
    %add3A = arith.addi %mul3A_0, %arg0 : i32
    %mul3A_1 = arith.constant 632 : i32
    %mul3A_2 = arith.muli %arg1, %mul3A_1 : i32
    "tpu.region"() ({
      %run_scoped3A = tpu.sem_alloc : memref<!tpu.dma_semaphore, #tpu.memory_space<semaphore_mem>>
      %dma_start3A = arith.constant 0 : i32
      %dma_start3A_13 = tpu.memref_slice %arg12[%mul3A_2, %dma_start3A] : memref<10112x128xf32, #tpu.memory_space<vmem_shared>> -> memref<632x128xf32, #tpu.memory_space<vmem_shared>>
      %dma_start3A_14 = arith.constant 0 : i32
      %dma_start3A_15 = tpu.memref_slice %arg4[%mul3A_2, %dma_start3A_14] : memref<10112x128xf32, #tpu.memory_space<hbm>> -> memref<632x128xf32, #tpu.memory_space<hbm>>
      tpu.enqueue_dma source(%dma_start3A_15 : memref<632x128xf32, #tpu.memory_space<hbm>>) target(%dma_start3A_13 : memref<632x128xf32, #tpu.memory_space<vmem_shared>>) target_semaphore(%run_scoped3A : memref<!tpu.dma_semaphore, #tpu.memory_space<semaphore_mem>>)
      %dma_wait3A = arith.constant 0 : i32
      %dma_wait3A_16 = tpu.memref_slice %arg12[%mul3A_2, %dma_wait3A] : memref<10112x128xf32, #tpu.memory_space<vmem_shared>> -> memref<632x128xf32, #tpu.memory_space<vmem_shared>>
      %dma_wait3A_17 = arith.constant 0 : i32
      %dma_wait3A_18 = tpu.memref_slice %arg4[%mul3A_2, %dma_wait3A_17] : memref<10112x128xf32, #tpu.memory_space<hbm>> -> memref<632x128xf32, #tpu.memory_space<hbm>>
      tpu.wait_dma2 semaphore(%run_scoped3A : memref<!tpu.dma_semaphore, #tpu.memory_space<semaphore_mem>>) src(%dma_wait3A_18 : memref<632x128xf32, #tpu.memory_space<hbm>>) dst(%dma_wait3A_16 : memref<632x128xf32, #tpu.memory_space<vmem_shared>>)
      tpu.yield
    }) : () -> ()
    "tpu.region"() ({
      %run_scoped3A = tpu.sem_alloc : memref<!tpu.dma_semaphore, #tpu.memory_space<semaphore_mem>>
      %dma_start3A = arith.constant 0 : i32
      %dma_start3A_13 = arith.constant 0 : i32
      %dma_start3A_14 = tpu.memref_slice %arg4[%dma_start3A, %dma_start3A_13] : memref<10112x128xf32, #tpu.memory_space<hbm>> -> memref<128x128xf32, #tpu.memory_space<hbm>>
      %dma_start3A_15 = arith.constant 0 : i32
      %dma_start3A_16 = arith.constant 0 : i32
      %dma_start3A_17 = tpu.memref_slice %arg4[%dma_start3A_15, %dma_start3A_16] : memref<10112x128xf32, #tpu.memory_space<hbm>> -> memref<128x128xf32, #tpu.memory_space<hbm>>
      tpu.enqueue_dma source(%dma_start3A_17 : memref<128x128xf32, #tpu.memory_space<hbm>>) target(%arg10 : memref<128x128xf32, #tpu.memory_space<vmem>>) target_semaphore(%run_scoped3A : memref<!tpu.dma_semaphore, #tpu.memory_space<semaphore_mem>>)
      %dma_wait3A = arith.constant 0 : i32
      %dma_wait3A_18 = arith.constant 0 : i32
      %dma_wait3A_19 = tpu.memref_slice %arg4[%dma_wait3A, %dma_wait3A_18] : memref<10112x128xf32, #tpu.memory_space<hbm>> -> memref<128x128xf32, #tpu.memory_space<hbm>>
      %dma_wait3A_20 = arith.constant 0 : i32
      %dma_wait3A_21 = arith.constant 0 : i32
      %dma_wait3A_22 = tpu.memref_slice %arg4[%dma_wait3A_20, %dma_wait3A_21] : memref<10112x128xf32, #tpu.memory_space<hbm>> -> memref<128x128xf32, #tpu.memory_space<hbm>>
      tpu.wait_dma2 semaphore(%run_scoped3A : memref<!tpu.dma_semaphore, #tpu.memory_space<semaphore_mem>>) src(%dma_wait3A_22 : memref<128x128xf32, #tpu.memory_space<hbm>>) dst(%arg10 : memref<128x128xf32, #tpu.memory_space<vmem>>)
      tpu.yield
    }) : () -> ()
    %barrier3A = arith.constant 0 : index
    tpu.barrier barrier_id(%barrier3A)
    %add3A_3 = arith.constant 0 : i32
    %add3A_4 = arith.addi %add3A, %add3A_3 : i32
    %lt3A = arith.constant 2500 : i32
    %lt3A_5 = arith.cmpi slt, %add3A_4, %lt3A : i32
    %convert_element_type3A = arith.extui %lt3A_5 : i1 to i32
    %cond3A = arith.constant 0 : i32
    %cond3A_6 = arith.cmpi ne, %convert_element_type3A, %cond3A : i32
    scf.if %cond3A_6 {
      %mul3A_13 = arith.constant 128 : i32
      %mul3A_14 = arith.muli %add3A_4, %mul3A_13 : i32
      %dma_start3A = tpu.memref_slice %arg3[%mul3A_14] : memref<320000xi32, #tpu.memory_space<hbm>> -> memref<128xi32, #tpu.memory_space<hbm>>
      %dma_start3A_15 = tpu.memref_slice %arg3[%mul3A_14] : memref<320000xi32, #tpu.memory_space<hbm>> -> memref<128xi32, #tpu.memory_space<hbm>>
      tpu.enqueue_dma source(%dma_start3A_15 : memref<128xi32, #tpu.memory_space<hbm>>) target(%arg6 : memref<128xi32, #tpu.memory_space<vmem>>) target_semaphore(%arg13 : memref<!tpu.dma_semaphore, #tpu.memory_space<semaphore_mem>>)
      %mul3A_16 = arith.constant 128 : i32
      %mul3A_17 = arith.muli %add3A_4, %mul3A_16 : i32
      %dma_start3A_18 = arith.constant 0 : i32
      %dma_start3A_19 = tpu.memref_slice %arg2[%mul3A_17, %dma_start3A_18] : memref<320000x64xf32, #tpu.memory_space<hbm>> -> memref<128x64xf32, #tpu.memory_space<hbm>>
      %dma_start3A_20 = arith.constant 0 : i32
      %dma_start3A_21 = tpu.memref_slice %arg2[%mul3A_17, %dma_start3A_20] : memref<320000x64xf32, #tpu.memory_space<hbm>> -> memref<128x64xf32, #tpu.memory_space<hbm>>
      tpu.enqueue_dma source(%dma_start3A_21 : memref<128x64xf32, #tpu.memory_space<hbm>>) target(%arg8 : memref<128x64xf32, #tpu.memory_space<vmem>>) target_semaphore(%arg15 : memref<!tpu.dma_semaphore, #tpu.memory_space<semaphore_mem>>)
    } else {
    }
    %scan3A = arith.constant 0 : i32
    %scan3A_7 = arith.constant 0 : i32
    %scan3A_8 = arith.constant 40 : i32
    %scan3A_9 = arith.addi %scan3A_7, %scan3A_8 : i32
    %scan3A_10 = arith.constant 1 : i32
    scf.for %scan3A_13 = %scan3A_7 to %scan3A_9 step %scan3A_10  : i32 {
      %mul3A_14 = arith.constant 2 : i32
      %mul3A_15 = arith.muli %scan3A_13, %mul3A_14 : i32
      %add3A_16 = arith.constant 1 : i32
      %add3A_17 = arith.addi %mul3A_15, %add3A_16 : i32
      %mul3A_18 = arith.constant 32 : i32
      %mul3A_19 = arith.muli %add3A_17, %mul3A_18 : i32
      %add3A_20 = arith.addi %add3A, %mul3A_19 : i32
      %lt3A_21 = arith.constant 2500 : i32
      %lt3A_22 = arith.cmpi slt, %add3A_20, %lt3A_21 : i32
      %convert_element_type3A_23 = arith.extui %lt3A_22 : i1 to i32
      %cond3A_24 = arith.constant 0 : i32
      %cond3A_25 = arith.cmpi ne, %convert_element_type3A_23, %cond3A_24 : i32
      scf.if %cond3A_25 {
        %mul3A_54 = arith.constant 128 : i32
        %mul3A_55 = arith.muli %add3A_20, %mul3A_54 : i32
        %dma_start3A = tpu.memref_slice %arg3[%mul3A_55] : memref<320000xi32, #tpu.memory_space<hbm>> -> memref<128xi32, #tpu.memory_space<hbm>>
        %dma_start3A_56 = tpu.memref_slice %arg3[%mul3A_55] : memref<320000xi32, #tpu.memory_space<hbm>> -> memref<128xi32, #tpu.memory_space<hbm>>
        tpu.enqueue_dma source(%dma_start3A_56 : memref<128xi32, #tpu.memory_space<hbm>>) target(%arg7 : memref<128xi32, #tpu.memory_space<vmem>>) target_semaphore(%arg14 : memref<!tpu.dma_semaphore, #tpu.memory_space<semaphore_mem>>)
        %mul3A_57 = arith.constant 128 : i32
        %mul3A_58 = arith.muli %add3A_20, %mul3A_57 : i32
        %dma_start3A_59 = arith.constant 0 : i32
        %dma_start3A_60 = tpu.memref_slice %arg2[%mul3A_58, %dma_start3A_59] : memref<320000x64xf32, #tpu.memory_space<hbm>> -> memref<128x64xf32, #tpu.memory_space<hbm>>
        %dma_start3A_61 = arith.constant 0 : i32
        %dma_start3A_62 = tpu.memref_slice %arg2[%mul3A_58, %dma_start3A_61] : memref<320000x64xf32, #tpu.memory_space<hbm>> -> memref<128x64xf32, #tpu.memory_space<hbm>>
        tpu.enqueue_dma source(%dma_start3A_62 : memref<128x64xf32, #tpu.memory_space<hbm>>) target(%arg9 : memref<128x64xf32, #tpu.memory_space<vmem>>) target_semaphore(%arg16 : memref<!tpu.dma_semaphore, #tpu.memory_space<semaphore_mem>>)
      } else {
      }
      %mul3A_26 = arith.constant 32 : i32
      %mul3A_27 = arith.muli %mul3A_15, %mul3A_26 : i32
      %add3A_28 = arith.addi %add3A, %mul3A_27 : i32
      %lt3A_29 = arith.constant 2500 : i32
      %lt3A_30 = arith.cmpi slt, %add3A_28, %lt3A_29 : i32
      %convert_element_type3A_31 = arith.extui %lt3A_30 : i1 to i32
      %cond3A_32 = arith.constant 0 : i32
      %cond3A_33 = arith.cmpi ne, %convert_element_type3A_31, %cond3A_32 : i32
      scf.if %cond3A_33 {
        %mul3A_54 = arith.constant 128 : i32
        %mul3A_55 = arith.muli %add3A_28, %mul3A_54 : i32
        %dma_wait3A = tpu.memref_slice %arg3[%mul3A_55] : memref<320000xi32, #tpu.memory_space<hbm>> -> memref<128xi32, #tpu.memory_space<hbm>>
        %dma_wait3A_56 = tpu.memref_slice %arg3[%mul3A_55] : memref<320000xi32, #tpu.memory_space<hbm>> -> memref<128xi32, #tpu.memory_space<hbm>>
        tpu.wait_dma2 semaphore(%arg13 : memref<!tpu.dma_semaphore, #tpu.memory_space<semaphore_mem>>) src(%dma_wait3A_56 : memref<128xi32, #tpu.memory_space<hbm>>) dst(%arg6 : memref<128xi32, #tpu.memory_space<vmem>>)
        %mul3A_57 = arith.constant 128 : i32
        %mul3A_58 = arith.muli %add3A_28, %mul3A_57 : i32
        %dma_wait3A_59 = arith.constant 0 : i32
        %dma_wait3A_60 = tpu.memref_slice %arg2[%mul3A_58, %dma_wait3A_59] : memref<320000x64xf32, #tpu.memory_space<hbm>> -> memref<128x64xf32, #tpu.memory_space<hbm>>
        %dma_wait3A_61 = arith.constant 0 : i32
        %dma_wait3A_62 = tpu.memref_slice %arg2[%mul3A_58, %dma_wait3A_61] : memref<320000x64xf32, #tpu.memory_space<hbm>> -> memref<128x64xf32, #tpu.memory_space<hbm>>
        tpu.wait_dma2 semaphore(%arg15 : memref<!tpu.dma_semaphore, #tpu.memory_space<semaphore_mem>>) src(%dma_wait3A_62 : memref<128x64xf32, #tpu.memory_space<hbm>>) dst(%arg8 : memref<128x64xf32, #tpu.memory_space<vmem>>)
        %scan3A_63 = arith.constant 0 : i32
        %scan3A_64 = arith.constant 0 : i32
        %scan3A_65 = arith.constant 128 : i32
        %scan3A_66 = arith.addi %scan3A_64, %scan3A_65 : i32
        %scan3A_67 = arith.constant 1 : i32
        scf.for %scan3A_123 = %scan3A_64 to %scan3A_66 step %scan3A_67  : i32 {
          %get3A_124 = arith.index_cast %scan3A_123 : i32 to index
          %get3A_125 = arith.constant 0 : index
          %get3A_126 = tpu.vector_load %arg8[%get3A_124, %get3A_125] {strides = array<i32>} : memref<128x64xf32, #tpu.memory_space<vmem>>, vector<1x16xf32>,
          %get3A_127 = vector.shape_cast %get3A_126 : vector<1x16xf32> to vector<16xf32>
          %swap3A_128 = arith.index_cast %scan3A_123 : i32 to index
          %swap3A_129 = arith.constant 0 : index
          %swap3A_130 = tpu.vector_load %arg10[%swap3A_128, %swap3A_129] {strides = array<i32>} : memref<128x128xf32, #tpu.memory_space<vmem>>, vector<1x16xf32>,
          %swap3A_131 = vector.shape_cast %swap3A_130 : vector<1x16xf32> to vector<16xf32>
          %swap3A_132 = vector.shape_cast %get3A_127 : vector<16xf32> to vector<1x16xf32>
          tpu.vector_store %arg10[%swap3A_128, %swap3A_129], %swap3A_132 {strides = array<i32>} : memref<128x128xf32, #tpu.memory_space<vmem>>, vector<1x16xf32>,
          %get3A_133 = arith.index_cast %scan3A_123 : i32 to index
          %get3A_134 = arith.constant 16 : index
          %get3A_135 = tpu.vector_load %arg8[%get3A_133, %get3A_134] {strides = array<i32>} : memref<128x64xf32, #tpu.memory_space<vmem>>, vector<1x16xf32>,
          %get3A_136 = vector.shape_cast %get3A_135 : vector<1x16xf32> to vector<16xf32>
          %swap3A_137 = arith.index_cast %scan3A_123 : i32 to index
          %swap3A_138 = arith.constant 16 : index
          %swap3A_139 = tpu.vector_load %arg10[%swap3A_137, %swap3A_138] {strides = array<i32>} : memref<128x128xf32, #tpu.memory_space<vmem>>, vector<1x16xf32>,
          %swap3A_140 = vector.shape_cast %swap3A_139 : vector<1x16xf32> to vector<16xf32>
          %swap3A_141 = vector.shape_cast %get3A_136 : vector<16xf32> to vector<1x16xf32>
          tpu.vector_store %arg10[%swap3A_137, %swap3A_138], %swap3A_141 {strides = array<i32>} : memref<128x128xf32, #tpu.memory_space<vmem>>, vector<1x16xf32>,
          %get3A_142 = arith.index_cast %scan3A_123 : i32 to index
          %get3A_143 = arith.constant 32 : index
          %get3A_144 = tpu.vector_load %arg8[%get3A_142, %get3A_143] {strides = array<i32>} : memref<128x64xf32, #tpu.memory_space<vmem>>, vector<1x16xf32>,
          %get3A_145 = vector.shape_cast %get3A_144 : vector<1x16xf32> to vector<16xf32>
          %swap3A_146 = arith.index_cast %scan3A_123 : i32 to index
          %swap3A_147 = arith.constant 32 : index
          %swap3A_148 = tpu.vector_load %arg10[%swap3A_146, %swap3A_147] {strides = array<i32>} : memref<128x128xf32, #tpu.memory_space<vmem>>, vector<1x16xf32>,
          %swap3A_149 = vector.shape_cast %swap3A_148 : vector<1x16xf32> to vector<16xf32>
          %swap3A_150 = vector.shape_cast %get3A_145 : vector<16xf32> to vector<1x16xf32>
          tpu.vector_store %arg10[%swap3A_146, %swap3A_147], %swap3A_150 {strides = array<i32>} : memref<128x128xf32, #tpu.memory_space<vmem>>, vector<1x16xf32>,
          %get3A_151 = arith.index_cast %scan3A_123 : i32 to index
          %get3A_152 = arith.constant 48 : index
          %get3A_153 = tpu.vector_load %arg8[%get3A_151, %get3A_152] {strides = array<i32>} : memref<128x64xf32, #tpu.memory_space<vmem>>, vector<1x16xf32>,
          %get3A_154 = vector.shape_cast %get3A_153 : vector<1x16xf32> to vector<16xf32>
          %swap3A_155 = arith.index_cast %scan3A_123 : i32 to index
          %swap3A_156 = arith.constant 48 : index
          %swap3A_157 = tpu.vector_load %arg10[%swap3A_155, %swap3A_156] {strides = array<i32>} : memref<128x128xf32, #tpu.memory_space<vmem>>, vector<1x16xf32>,
          %swap3A_158 = vector.shape_cast %swap3A_157 : vector<1x16xf32> to vector<16xf32>
          %swap3A_159 = vector.shape_cast %get3A_154 : vector<16xf32> to vector<1x16xf32>
          tpu.vector_store %arg10[%swap3A_155, %swap3A_156], %swap3A_159 {strides = array<i32>} : memref<128x128xf32, #tpu.memory_space<vmem>>, vector<1x16xf32>,
        }
        %scan3A_68 = arith.constant 128 : i32
        %get3A = arith.constant 0 : index
        %get3A_69 = tpu.vector_load %arg6[%get3A] {strides = array<i32>} : memref<128xi32, #tpu.memory_space<vmem>>, vector<16xi32>,
        %get3A_70 = vector.shape_cast %get3A_69 : vector<16xi32> to vector<16xi32>
        %swap3A = arith.constant 0 : index
        %swap3A_71 = tpu.vector_load %arg11[%swap3A] {strides = array<i32>} : memref<128xi32, #tpu.memory_space<vmem>>, vector<16xi32>,
        %swap3A_72 = vector.shape_cast %swap3A_71 : vector<16xi32> to vector<16xi32>
        %swap3A_73 = vector.shape_cast %get3A_70 : vector<16xi32> to vector<16xi32>
        tpu.vector_store %arg11[%swap3A], %swap3A_73 {strides = array<i32>} : memref<128xi32, #tpu.memory_space<vmem>>, vector<16xi32>,
        %get3A_74 = arith.constant 16 : index
        %get3A_75 = tpu.vector_load %arg6[%get3A_74] {strides = array<i32>} : memref<128xi32, #tpu.memory_space<vmem>>, vector<16xi32>,
        %get3A_76 = vector.shape_cast %get3A_75 : vector<16xi32> to vector<16xi32>
        %swap3A_77 = arith.constant 16 : index
        %swap3A_78 = tpu.vector_load %arg11[%swap3A_77] {strides = array<i32>} : memref<128xi32, #tpu.memory_space<vmem>>, vector<16xi32>,
        %swap3A_79 = vector.shape_cast %swap3A_78 : vector<16xi32> to vector<16xi32>
        %swap3A_80 = vector.shape_cast %get3A_76 : vector<16xi32> to vector<16xi32>
        tpu.vector_store %arg11[%swap3A_77], %swap3A_80 {strides = array<i32>} : memref<128xi32, #tpu.memory_space<vmem>>, vector<16xi32>,
        %get3A_81 = arith.constant 32 : index
        %get3A_82 = tpu.vector_load %arg6[%get3A_81] {strides = array<i32>} : memref<128xi32, #tpu.memory_space<vmem>>, vector<16xi32>,
        %get3A_83 = vector.shape_cast %get3A_82 : vector<16xi32> to vector<16xi32>
        %swap3A_84 = arith.constant 32 : index
        %swap3A_85 = tpu.vector_load %arg11[%swap3A_84] {strides = array<i32>} : memref<128xi32, #tpu.memory_space<vmem>>, vector<16xi32>,
        %swap3A_86 = vector.shape_cast %swap3A_85 : vector<16xi32> to vector<16xi32>
        %swap3A_87 = vector.shape_cast %get3A_83 : vector<16xi32> to vector<16xi32>
        tpu.vector_store %arg11[%swap3A_84], %swap3A_87 {strides = array<i32>} : memref<128xi32, #tpu.memory_space<vmem>>, vector<16xi32>,
        %get3A_88 = arith.constant 48 : index
        %get3A_89 = tpu.vector_load %arg6[%get3A_88] {strides = array<i32>} : memref<128xi32, #tpu.memory_space<vmem>>, vector<16xi32>,
        %get3A_90 = vector.shape_cast %get3A_89 : vector<16xi32> to vector<16xi32>
        %swap3A_91 = arith.constant 48 : index
        %swap3A_92 = tpu.vector_load %arg11[%swap3A_91] {strides = array<i32>} : memref<128xi32, #tpu.memory_space<vmem>>, vector<16xi32>,
        %swap3A_93 = vector.shape_cast %swap3A_92 : vector<16xi32> to vector<16xi32>
        %swap3A_94 = vector.shape_cast %get3A_90 : vector<16xi32> to vector<16xi32>
        tpu.vector_store %arg11[%swap3A_91], %swap3A_94 {strides = array<i32>} : memref<128xi32, #tpu.memory_space<vmem>>, vector<16xi32>,
        %get3A_95 = arith.constant 64 : index
        %get3A_96 = tpu.vector_load %arg6[%get3A_95] {strides = array<i32>} : memref<128xi32, #tpu.memory_space<vmem>>, vector<16xi32>,
        %get3A_97 = vector.shape_cast %get3A_96 : vector<16xi32> to vector<16xi32>
        %swap3A_98 = arith.constant 64 : index
        %swap3A_99 = tpu.vector_load %arg11[%swap3A_98] {strides = array<i32>} : memref<128xi32, #tpu.memory_space<vmem>>, vector<16xi32>,
        %swap3A_100 = vector.shape_cast %swap3A_99 : vector<16xi32> to vector<16xi32>
        %swap3A_101 = vector.shape_cast %get3A_97 : vector<16xi32> to vector<16xi32>
        tpu.vector_store %arg11[%swap3A_98], %swap3A_101 {strides = array<i32>} : memref<128xi32, #tpu.memory_space<vmem>>, vector<16xi32>,
        %get3A_102 = arith.constant 80 : index
        %get3A_103 = tpu.vector_load %arg6[%get3A_102] {strides = array<i32>} : memref<128xi32, #tpu.memory_space<vmem>>, vector<16xi32>,
        %get3A_104 = vector.shape_cast %get3A_103 : vector<16xi32> to vector<16xi32>
        %swap3A_105 = arith.constant 80 : index
        %swap3A_106 = tpu.vector_load %arg11[%swap3A_105] {strides = array<i32>} : memref<128xi32, #tpu.memory_space<vmem>>, vector<16xi32>,
        %swap3A_107 = vector.shape_cast %swap3A_106 : vector<16xi32> to vector<16xi32>
        %swap3A_108 = vector.shape_cast %get3A_104 : vector<16xi32> to vector<16xi32>
        tpu.vector_store %arg11[%swap3A_105], %swap3A_108 {strides = array<i32>} : memref<128xi32, #tpu.memory_space<vmem>>, vector<16xi32>,
        %get3A_109 = arith.constant 96 : index
        %get3A_110 = tpu.vector_load %arg6[%get3A_109] {strides = array<i32>} : memref<128xi32, #tpu.memory_space<vmem>>, vector<16xi32>,
        %get3A_111 = vector.shape_cast %get3A_110 : vector<16xi32> to vector<16xi32>
        %swap3A_112 = arith.constant 96 : index
        %swap3A_113 = tpu.vector_load %arg11[%swap3A_112] {strides = array<i32>} : memref<128xi32, #tpu.memory_space<vmem>>, vector<16xi32>,
        %swap3A_114 = vector.shape_cast %swap3A_113 : vector<16xi32> to vector<16xi32>
        %swap3A_115 = vector.shape_cast %get3A_111 : vector<16xi32> to vector<16xi32>
        tpu.vector_store %arg11[%swap3A_112], %swap3A_115 {strides = array<i32>} : memref<128xi32, #tpu.memory_space<vmem>>, vector<16xi32>,
        %get3A_116 = arith.constant 112 : index
        %get3A_117 = tpu.vector_load %arg6[%get3A_116] {strides = array<i32>} : memref<128xi32, #tpu.memory_space<vmem>>, vector<16xi32>,
        %get3A_118 = vector.shape_cast %get3A_117 : vector<16xi32> to vector<16xi32>
        %swap3A_119 = arith.constant 112 : index
        %swap3A_120 = tpu.vector_load %arg11[%swap3A_119] {strides = array<i32>} : memref<128xi32, #tpu.memory_space<vmem>>, vector<16xi32>,
        %swap3A_121 = vector.shape_cast %swap3A_120 : vector<16xi32> to vector<16xi32>
        %swap3A_122 = vector.shape_cast %get3A_118 : vector<16xi32> to vector<16xi32>
        tpu.vector_store %arg11[%swap3A_119], %swap3A_122 {strides = array<i32>} : memref<128xi32, #tpu.memory_space<vmem>>, vector<16xi32>,
        "tpu.region"() ({
          %run_scoped3A = tpu.sem_alloc : memref<!tpu.dma_semaphore, #tpu.memory_space<semaphore_mem>>
          %dma_start3A = arith.constant 0 : i32
          %dma_start3A_123 = arith.constant 0 : i32
          %dma_start3A_124 = tpu.memref_slice %arg12[%dma_start3A, %dma_start3A_123] : memref<10112x128xf32, #tpu.memory_space<vmem_shared>> -> memref<10112x128xf32, #tpu.memory_space<vmem_shared>>
          tpu.enqueue_indirect_dma source(%arg10 : memref<128x128xf32, #tpu.memory_space<vmem>>) target(%dma_start3A_124 : memref<10112x128xf32, #tpu.memory_space<vmem_shared>>) offsets(%arg11 : memref<128xi32, #tpu.memory_space<vmem>>) semaphore(%run_scoped3A : memref<!tpu.dma_semaphore, #tpu.memory_space<semaphore_mem>>) {add = true}
          %dma_wait3A_125 = arith.constant 0 : i32
          %dma_wait3A_126 = arith.constant 0 : i32
          %dma_wait3A_127 = tpu.memref_slice %arg12[%dma_wait3A_125, %dma_wait3A_126] : memref<10112x128xf32, #tpu.memory_space<vmem_shared>> -> memref<10112x128xf32, #tpu.memory_space<vmem_shared>>
          tpu.wait_indirect_dma semaphore(%run_scoped3A : memref<!tpu.dma_semaphore, #tpu.memory_space<semaphore_mem>>) src(%arg10 : memref<128x128xf32, #tpu.memory_space<vmem>>) dst(%dma_wait3A_127 : memref<10112x128xf32, #tpu.memory_space<vmem_shared>>)
          tpu.yield
        }) : () -> ()
      } else {
      }
      %add3A_34 = arith.constant 2 : i32
      %add3A_35 = arith.addi %mul3A_15, %add3A_34 : i32
      %mul3A_36 = arith.constant 32 : i32
      %mul3A_37 = arith.muli %add3A_35, %mul3A_36 : i32
      %add3A_38 = arith.addi %add3A, %mul3A_37 : i32
      %lt3A_39 = arith.constant 2500 : i32
      %lt3A_40 = arith.cmpi slt, %add3A_38, %lt3A_39 : i32
      %convert_element_type3A_41 = arith.extui %lt3A_40 : i1 to i32
      %cond3A_42 = arith.constant 0 : i32
      %cond3A_43 = arith.cmpi ne, %convert_element_type3A_41, %cond3A_42 : i32
      scf.if %cond3A_43 {
        %mul3A_54 = arith.constant 128 : i32
        %mul3A_55 = arith.muli %add3A_38, %mul3A_54 : i32
        %dma_start3A = tpu.memref_slice %arg3[%mul3A_55] : memref<320000xi32, #tpu.memory_space<hbm>> -> memref<128xi32, #tpu.memory_space<hbm>>
        %dma_start3A_56 = tpu.memref_slice %arg3[%mul3A_55] : memref<320000xi32, #tpu.memory_space<hbm>> -> memref<128xi32, #tpu.memory_space<hbm>>
        tpu.enqueue_dma source(%dma_start3A_56 : memref<128xi32, #tpu.memory_space<hbm>>) target(%arg6 : memref<128xi32, #tpu.memory_space<vmem>>) target_semaphore(%arg13 : memref<!tpu.dma_semaphore, #tpu.memory_space<semaphore_mem>>)
        %mul3A_57 = arith.constant 128 : i32
        %mul3A_58 = arith.muli %add3A_38, %mul3A_57 : i32
        %dma_start3A_59 = arith.constant 0 : i32
        %dma_start3A_60 = tpu.memref_slice %arg2[%mul3A_58, %dma_start3A_59] : memref<320000x64xf32, #tpu.memory_space<hbm>> -> memref<128x64xf32, #tpu.memory_space<hbm>>
        %dma_start3A_61 = arith.constant 0 : i32
        %dma_start3A_62 = tpu.memref_slice %arg2[%mul3A_58, %dma_start3A_61] : memref<320000x64xf32, #tpu.memory_space<hbm>> -> memref<128x64xf32, #tpu.memory_space<hbm>>
        tpu.enqueue_dma source(%dma_start3A_62 : memref<128x64xf32, #tpu.memory_space<hbm>>) target(%arg8 : memref<128x64xf32, #tpu.memory_space<vmem>>) target_semaphore(%arg15 : memref<!tpu.dma_semaphore, #tpu.memory_space<semaphore_mem>>)
      } else {
      }
      %add3A_44 = arith.constant 1 : i32
      %add3A_45 = arith.addi %mul3A_15, %add3A_44 : i32
      %mul3A_46 = arith.constant 32 : i32
      %mul3A_47 = arith.muli %add3A_45, %mul3A_46 : i32
      %add3A_48 = arith.addi %add3A, %mul3A_47 : i32
      %lt3A_49 = arith.constant 2500 : i32
      %lt3A_50 = arith.cmpi slt, %add3A_48, %lt3A_49 : i32
      %convert_element_type3A_51 = arith.extui %lt3A_50 : i1 to i32
      %cond3A_52 = arith.constant 0 : i32
      %cond3A_53 = arith.cmpi ne, %convert_element_type3A_51, %cond3A_52 : i32
      scf.if %cond3A_53 {
        %mul3A_54 = arith.constant 128 : i32
        %mul3A_55 = arith.muli %add3A_48, %mul3A_54 : i32
        %dma_wait3A = tpu.memref_slice %arg3[%mul3A_55] : memref<320000xi32, #tpu.memory_space<hbm>> -> memref<128xi32, #tpu.memory_space<hbm>>
        %dma_wait3A_56 = tpu.memref_slice %arg3[%mul3A_55] : memref<320000xi32, #tpu.memory_space<hbm>> -> memref<128xi32, #tpu.memory_space<hbm>>
        tpu.wait_dma2 semaphore(%arg14 : memref<!tpu.dma_semaphore, #tpu.memory_space<semaphore_mem>>) src(%dma_wait3A_56 : memref<128xi32, #tpu.memory_space<hbm>>) dst(%arg7 : memref<128xi32, #tpu.memory_space<vmem>>)
        %mul3A_57 = arith.constant 128 : i32
        %mul3A_58 = arith.muli %add3A_48, %mul3A_57 : i32
        %dma_wait3A_59 = arith.constant 0 : i32
        %dma_wait3A_60 = tpu.memref_slice %arg2[%mul3A_58, %dma_wait3A_59] : memref<320000x64xf32, #tpu.memory_space<hbm>> -> memref<128x64xf32, #tpu.memory_space<hbm>>
        %dma_wait3A_61 = arith.constant 0 : i32
        %dma_wait3A_62 = tpu.memref_slice %arg2[%mul3A_58, %dma_wait3A_61] : memref<320000x64xf32, #tpu.memory_space<hbm>> -> memref<128x64xf32, #tpu.memory_space<hbm>>
        tpu.wait_dma2 semaphore(%arg16 : memref<!tpu.dma_semaphore, #tpu.memory_space<semaphore_mem>>) src(%dma_wait3A_62 : memref<128x64xf32, #tpu.memory_space<hbm>>) dst(%arg9 : memref<128x64xf32, #tpu.memory_space<vmem>>)
        %scan3A_63 = arith.constant 0 : i32
        %scan3A_64 = arith.constant 0 : i32
        %scan3A_65 = arith.constant 128 : i32
        %scan3A_66 = arith.addi %scan3A_64, %scan3A_65 : i32
        %scan3A_67 = arith.constant 1 : i32
        scf.for %scan3A_123 = %scan3A_64 to %scan3A_66 step %scan3A_67  : i32 {
          %get3A_124 = arith.index_cast %scan3A_123 : i32 to index
          %get3A_125 = arith.constant 0 : index
          %get3A_126 = tpu.vector_load %arg9[%get3A_124, %get3A_125] {strides = array<i32>} : memref<128x64xf32, #tpu.memory_space<vmem>>, vector<1x16xf32>,
          %get3A_127 = vector.shape_cast %get3A_126 : vector<1x16xf32> to vector<16xf32>
          %swap3A_128 = arith.index_cast %scan3A_123 : i32 to index
          %swap3A_129 = arith.constant 0 : index
          %swap3A_130 = tpu.vector_load %arg10[%swap3A_128, %swap3A_129] {strides = array<i32>} : memref<128x128xf32, #tpu.memory_space<vmem>>, vector<1x16xf32>,
          %swap3A_131 = vector.shape_cast %swap3A_130 : vector<1x16xf32> to vector<16xf32>
          %swap3A_132 = vector.shape_cast %get3A_127 : vector<16xf32> to vector<1x16xf32>
          tpu.vector_store %arg10[%swap3A_128, %swap3A_129], %swap3A_132 {strides = array<i32>} : memref<128x128xf32, #tpu.memory_space<vmem>>, vector<1x16xf32>,
          %get3A_133 = arith.index_cast %scan3A_123 : i32 to index
          %get3A_134 = arith.constant 16 : index
          %get3A_135 = tpu.vector_load %arg9[%get3A_133, %get3A_134] {strides = array<i32>} : memref<128x64xf32, #tpu.memory_space<vmem>>, vector<1x16xf32>,
          %get3A_136 = vector.shape_cast %get3A_135 : vector<1x16xf32> to vector<16xf32>
          %swap3A_137 = arith.index_cast %scan3A_123 : i32 to index
          %swap3A_138 = arith.constant 16 : index
          %swap3A_139 = tpu.vector_load %arg10[%swap3A_137, %swap3A_138] {strides = array<i32>} : memref<128x128xf32, #tpu.memory_space<vmem>>, vector<1x16xf32>,
          %swap3A_140 = vector.shape_cast %swap3A_139 : vector<1x16xf32> to vector<16xf32>
          %swap3A_141 = vector.shape_cast %get3A_136 : vector<16xf32> to vector<1x16xf32>
          tpu.vector_store %arg10[%swap3A_137, %swap3A_138], %swap3A_141 {strides = array<i32>} : memref<128x128xf32, #tpu.memory_space<vmem>>, vector<1x16xf32>,
          %get3A_142 = arith.index_cast %scan3A_123 : i32 to index
          %get3A_143 = arith.constant 32 : index
          %get3A_144 = tpu.vector_load %arg9[%get3A_142, %get3A_143] {strides = array<i32>} : memref<128x64xf32, #tpu.memory_space<vmem>>, vector<1x16xf32>,
          %get3A_145 = vector.shape_cast %get3A_144 : vector<1x16xf32> to vector<16xf32>
          %swap3A_146 = arith.index_cast %scan3A_123 : i32 to index
          %swap3A_147 = arith.constant 32 : index
          %swap3A_148 = tpu.vector_load %arg10[%swap3A_146, %swap3A_147] {strides = array<i32>} : memref<128x128xf32, #tpu.memory_space<vmem>>, vector<1x16xf32>,
          %swap3A_149 = vector.shape_cast %swap3A_148 : vector<1x16xf32> to vector<16xf32>
          %swap3A_150 = vector.shape_cast %get3A_145 : vector<16xf32> to vector<1x16xf32>
          tpu.vector_store %arg10[%swap3A_146, %swap3A_147], %swap3A_150 {strides = array<i32>} : memref<128x128xf32, #tpu.memory_space<vmem>>, vector<1x16xf32>,
          %get3A_151 = arith.index_cast %scan3A_123 : i32 to index
          %get3A_152 = arith.constant 48 : index
          %get3A_153 = tpu.vector_load %arg9[%get3A_151, %get3A_152] {strides = array<i32>} : memref<128x64xf32, #tpu.memory_space<vmem>>, vector<1x16xf32>,
          %get3A_154 = vector.shape_cast %get3A_153 : vector<1x16xf32> to vector<16xf32>
          %swap3A_155 = arith.index_cast %scan3A_123 : i32 to index
          %swap3A_156 = arith.constant 48 : index
          %swap3A_157 = tpu.vector_load %arg10[%swap3A_155, %swap3A_156] {strides = array<i32>} : memref<128x128xf32, #tpu.memory_space<vmem>>, vector<1x16xf32>,
          %swap3A_158 = vector.shape_cast %swap3A_157 : vector<1x16xf32> to vector<16xf32>
          %swap3A_159 = vector.shape_cast %get3A_154 : vector<16xf32> to vector<1x16xf32>
          tpu.vector_store %arg10[%swap3A_155, %swap3A_156], %swap3A_159 {strides = array<i32>} : memref<128x128xf32, #tpu.memory_space<vmem>>, vector<1x16xf32>,
        }
        %scan3A_68 = arith.constant 128 : i32
        %get3A = arith.constant 0 : index
        %get3A_69 = tpu.vector_load %arg7[%get3A] {strides = array<i32>} : memref<128xi32, #tpu.memory_space<vmem>>, vector<16xi32>,
        %get3A_70 = vector.shape_cast %get3A_69 : vector<16xi32> to vector<16xi32>
        %swap3A = arith.constant 0 : index
        %swap3A_71 = tpu.vector_load %arg11[%swap3A] {strides = array<i32>} : memref<128xi32, #tpu.memory_space<vmem>>, vector<16xi32>,
        %swap3A_72 = vector.shape_cast %swap3A_71 : vector<16xi32> to vector<16xi32>
        %swap3A_73 = vector.shape_cast %get3A_70 : vector<16xi32> to vector<16xi32>
        tpu.vector_store %arg11[%swap3A], %swap3A_73 {strides = array<i32>} : memref<128xi32, #tpu.memory_space<vmem>>, vector<16xi32>,
        %get3A_74 = arith.constant 16 : index
        %get3A_75 = tpu.vector_load %arg7[%get3A_74] {strides = array<i32>} : memref<128xi32, #tpu.memory_space<vmem>>, vector<16xi32>,
        %get3A_76 = vector.shape_cast %get3A_75 : vector<16xi32> to vector<16xi32>
        %swap3A_77 = arith.constant 16 : index
        %swap3A_78 = tpu.vector_load %arg11[%swap3A_77] {strides = array<i32>} : memref<128xi32, #tpu.memory_space<vmem>>, vector<16xi32>,
        %swap3A_79 = vector.shape_cast %swap3A_78 : vector<16xi32> to vector<16xi32>
        %swap3A_80 = vector.shape_cast %get3A_76 : vector<16xi32> to vector<16xi32>
        tpu.vector_store %arg11[%swap3A_77], %swap3A_80 {strides = array<i32>} : memref<128xi32, #tpu.memory_space<vmem>>, vector<16xi32>,
        %get3A_81 = arith.constant 32 : index
        %get3A_82 = tpu.vector_load %arg7[%get3A_81] {strides = array<i32>} : memref<128xi32, #tpu.memory_space<vmem>>, vector<16xi32>,
        %get3A_83 = vector.shape_cast %get3A_82 : vector<16xi32> to vector<16xi32>
        %swap3A_84 = arith.constant 32 : index
        %swap3A_85 = tpu.vector_load %arg11[%swap3A_84] {strides = array<i32>} : memref<128xi32, #tpu.memory_space<vmem>>, vector<16xi32>,
        %swap3A_86 = vector.shape_cast %swap3A_85 : vector<16xi32> to vector<16xi32>
        %swap3A_87 = vector.shape_cast %get3A_83 : vector<16xi32> to vector<16xi32>
        tpu.vector_store %arg11[%swap3A_84], %swap3A_87 {strides = array<i32>} : memref<128xi32, #tpu.memory_space<vmem>>, vector<16xi32>,
        %get3A_88 = arith.constant 48 : index
        %get3A_89 = tpu.vector_load %arg7[%get3A_88] {strides = array<i32>} : memref<128xi32, #tpu.memory_space<vmem>>, vector<16xi32>,
        %get3A_90 = vector.shape_cast %get3A_89 : vector<16xi32> to vector<16xi32>
        %swap3A_91 = arith.constant 48 : index
        %swap3A_92 = tpu.vector_load %arg11[%swap3A_91] {strides = array<i32>} : memref<128xi32, #tpu.memory_space<vmem>>, vector<16xi32>,
        %swap3A_93 = vector.shape_cast %swap3A_92 : vector<16xi32> to vector<16xi32>
        %swap3A_94 = vector.shape_cast %get3A_90 : vector<16xi32> to vector<16xi32>
        tpu.vector_store %arg11[%swap3A_91], %swap3A_94 {strides = array<i32>} : memref<128xi32, #tpu.memory_space<vmem>>, vector<16xi32>,
        %get3A_95 = arith.constant 64 : index
        %get3A_96 = tpu.vector_load %arg7[%get3A_95] {strides = array<i32>} : memref<128xi32, #tpu.memory_space<vmem>>, vector<16xi32>,
        %get3A_97 = vector.shape_cast %get3A_96 : vector<16xi32> to vector<16xi32>
        %swap3A_98 = arith.constant 64 : index
        %swap3A_99 = tpu.vector_load %arg11[%swap3A_98] {strides = array<i32>} : memref<128xi32, #tpu.memory_space<vmem>>, vector<16xi32>,
        %swap3A_100 = vector.shape_cast %swap3A_99 : vector<16xi32> to vector<16xi32>
        %swap3A_101 = vector.shape_cast %get3A_97 : vector<16xi32> to vector<16xi32>
        tpu.vector_store %arg11[%swap3A_98], %swap3A_101 {strides = array<i32>} : memref<128xi32, #tpu.memory_space<vmem>>, vector<16xi32>,
        %get3A_102 = arith.constant 80 : index
        %get3A_103 = tpu.vector_load %arg7[%get3A_102] {strides = array<i32>} : memref<128xi32, #tpu.memory_space<vmem>>, vector<16xi32>,
        %get3A_104 = vector.shape_cast %get3A_103 : vector<16xi32> to vector<16xi32>
        %swap3A_105 = arith.constant 80 : index
        %swap3A_106 = tpu.vector_load %arg11[%swap3A_105] {strides = array<i32>} : memref<128xi32, #tpu.memory_space<vmem>>, vector<16xi32>,
        %swap3A_107 = vector.shape_cast %swap3A_106 : vector<16xi32> to vector<16xi32>
        %swap3A_108 = vector.shape_cast %get3A_104 : vector<16xi32> to vector<16xi32>
        tpu.vector_store %arg11[%swap3A_105], %swap3A_108 {strides = array<i32>} : memref<128xi32, #tpu.memory_space<vmem>>, vector<16xi32>,
        %get3A_109 = arith.constant 96 : index
        %get3A_110 = tpu.vector_load %arg7[%get3A_109] {strides = array<i32>} : memref<128xi32, #tpu.memory_space<vmem>>, vector<16xi32>,
        %get3A_111 = vector.shape_cast %get3A_110 : vector<16xi32> to vector<16xi32>
        %swap3A_112 = arith.constant 96 : index
        %swap3A_113 = tpu.vector_load %arg11[%swap3A_112] {strides = array<i32>} : memref<128xi32, #tpu.memory_space<vmem>>, vector<16xi32>,
        %swap3A_114 = vector.shape_cast %swap3A_113 : vector<16xi32> to vector<16xi32>
        %swap3A_115 = vector.shape_cast %get3A_111 : vector<16xi32> to vector<16xi32>
        tpu.vector_store %arg11[%swap3A_112], %swap3A_115 {strides = array<i32>} : memref<128xi32, #tpu.memory_space<vmem>>, vector<16xi32>,
        %get3A_116 = arith.constant 112 : index
        %get3A_117 = tpu.vector_load %arg7[%get3A_116] {strides = array<i32>} : memref<128xi32, #tpu.memory_space<vmem>>, vector<16xi32>,
        %get3A_118 = vector.shape_cast %get3A_117 : vector<16xi32> to vector<16xi32>
        %swap3A_119 = arith.constant 112 : index
        %swap3A_120 = tpu.vector_load %arg11[%swap3A_119] {strides = array<i32>} : memref<128xi32, #tpu.memory_space<vmem>>, vector<16xi32>,
        %swap3A_121 = vector.shape_cast %swap3A_120 : vector<16xi32> to vector<16xi32>
        %swap3A_122 = vector.shape_cast %get3A_118 : vector<16xi32> to vector<16xi32>
        tpu.vector_store %arg11[%swap3A_119], %swap3A_122 {strides = array<i32>} : memref<128xi32, #tpu.memory_space<vmem>>, vector<16xi32>,
        "tpu.region"() ({
          %run_scoped3A = tpu.sem_alloc : memref<!tpu.dma_semaphore, #tpu.memory_space<semaphore_mem>>
          %dma_start3A = arith.constant 0 : i32
          %dma_start3A_123 = arith.constant 0 : i32
          %dma_start3A_124 = tpu.memref_slice %arg12[%dma_start3A, %dma_start3A_123] : memref<10112x128xf32, #tpu.memory_space<vmem_shared>> -> memref<10112x128xf32, #tpu.memory_space<vmem_shared>>
          tpu.enqueue_indirect_dma source(%arg10 : memref<128x128xf32, #tpu.memory_space<vmem>>) target(%dma_start3A_124 : memref<10112x128xf32, #tpu.memory_space<vmem_shared>>) offsets(%arg11 : memref<128xi32, #tpu.memory_space<vmem>>) semaphore(%run_scoped3A : memref<!tpu.dma_semaphore, #tpu.memory_space<semaphore_mem>>) {add = true}
          %dma_wait3A_125 = arith.constant 0 : i32
          %dma_wait3A_126 = arith.constant 0 : i32
          %dma_wait3A_127 = tpu.memref_slice %arg12[%dma_wait3A_125, %dma_wait3A_126] : memref<10112x128xf32, #tpu.memory_space<vmem_shared>> -> memref<10112x128xf32, #tpu.memory_space<vmem_shared>>
          tpu.wait_indirect_dma semaphore(%run_scoped3A : memref<!tpu.dma_semaphore, #tpu.memory_space<semaphore_mem>>) src(%arg10 : memref<128x128xf32, #tpu.memory_space<vmem>>) dst(%dma_wait3A_127 : memref<10112x128xf32, #tpu.memory_space<vmem_shared>>)
          tpu.yield
        }) : () -> ()
      } else {
      }
    }
    %scan3A_11 = arith.constant 40 : i32
    %barrier3A_12 = arith.constant 0 : index
    tpu.barrier barrier_id(%barrier3A_12)
    "tpu.region"() ({
      %run_scoped3A = tpu.sem_alloc : memref<!tpu.dma_semaphore, #tpu.memory_space<semaphore_mem>>
      %dma_start3A = arith.constant 0 : i32
      %dma_start3A_13 = arith.constant 0 : i32
      %dma_start3A_14 = tpu.memref_slice %arg5[%arg0, %dma_start3A, %dma_start3A_13] : memref<2x10112x128xf32, #tpu.memory_space<hbm>> -> memref<1x10112x128xf32, #tpu.memory_space<hbm>>
      %dma_start3A_15 = tpu.memref_squeeze %dma_start3A_14 : memref<1x10112x128xf32, #tpu.memory_space<hbm>> -> memref<10112x128xf32, #tpu.memory_space<hbm>>
      %dma_start3A_16 = arith.constant 0 : i32
      %dma_start3A_17 = tpu.memref_slice %dma_start3A_15[%mul3A_2, %dma_start3A_16] : memref<10112x128xf32, #tpu.memory_space<hbm>> -> memref<632x128xf32, #tpu.memory_space<hbm>>
      %dma_start3A_18 = arith.constant 0 : i32
      %dma_start3A_19 = tpu.memref_slice %arg12[%mul3A_2, %dma_start3A_18] : memref<10112x128xf32, #tpu.memory_space<vmem_shared>> -> memref<632x128xf32, #tpu.memory_space<vmem_shared>>
      tpu.enqueue_dma source(%dma_start3A_19 : memref<632x128xf32, #tpu.memory_space<vmem_shared>>) target(%dma_start3A_17 : memref<632x128xf32, #tpu.memory_space<hbm>>) target_semaphore(%run_scoped3A : memref<!tpu.dma_semaphore, #tpu.memory_space<semaphore_mem>>)
      %dma_wait3A = arith.constant 0 : i32
      %dma_wait3A_20 = arith.constant 0 : i32
      %dma_wait3A_21 = tpu.memref_slice %arg5[%arg0, %dma_wait3A, %dma_wait3A_20] : memref<2x10112x128xf32, #tpu.memory_space<hbm>> -> memref<1x10112x128xf32, #tpu.memory_space<hbm>>
      %dma_wait3A_22 = tpu.memref_squeeze %dma_wait3A_21 : memref<1x10112x128xf32, #tpu.memory_space<hbm>> -> memref<10112x128xf32, #tpu.memory_space<hbm>>
      %dma_wait3A_23 = arith.constant 0 : i32
      %dma_wait3A_24 = tpu.memref_slice %dma_wait3A_22[%mul3A_2, %dma_wait3A_23] : memref<10112x128xf32, #tpu.memory_space<hbm>> -> memref<632x128xf32, #tpu.memory_space<hbm>>
      %dma_wait3A_25 = arith.constant 0 : i32
      %dma_wait3A_26 = tpu.memref_slice %arg12[%mul3A_2, %dma_wait3A_25] : memref<10112x128xf32, #tpu.memory_space<vmem_shared>> -> memref<632x128xf32, #tpu.memory_space<vmem_shared>>
      tpu.wait_dma2 semaphore(%run_scoped3A : memref<!tpu.dma_semaphore, #tpu.memory_space<semaphore_mem>>) src(%dma_wait3A_26 : memref<632x128xf32, #tpu.memory_space<vmem_shared>>) dst(%dma_wait3A_24 : memref<632x128xf32, #tpu.memory_space<hbm>>)
      tpu.yield
    }) : () -> ()
    return
  }
}

#map = affine_map<(d0, d1) -> (0, 0)>
#map1 = affine_map<(d0, d1) -> (0)>
module attributes {stable_mosaic.version = 14 : i64} {
  func.func @body(%arg0: i32, %arg1: i32, %arg2: memref<10000x128xf32, #tpu.memory_space<hbm>>, %arg3: memref<10000x128xf32, #tpu.memory_space<hbm>>, %arg4: memref<320000xi32, #tpu.memory_space<hbm>>, %arg5: memref<320000xi32, #tpu.memory_space<hbm>>, %arg6: memref<320000x128xf32, #tpu.memory_space<hbm>>, %arg7: memref<128xi32, #tpu.memory_space<vmem>>, %arg8: memref<128xi32, #tpu.memory_space<vmem>>, %arg9: memref<128xi32, #tpu.memory_space<vmem>>, %arg10: memref<128xi32, #tpu.memory_space<vmem>>, %arg11: memref<128x128xf32, #tpu.memory_space<vmem>>, %arg12: memref<128x128xf32, #tpu.memory_space<vmem>>, %arg13: memref<128x128xf32, #tpu.memory_space<vmem>>, %arg14: memref<128x128xf32, #tpu.memory_space<vmem>>, %arg15: memref<!tpu.dma_semaphore, #tpu.memory_space<semaphore_mem>>, %arg16: memref<!tpu.dma_semaphore, #tpu.memory_space<semaphore_mem>>, %arg17: memref<!tpu.dma_semaphore, #tpu.memory_space<semaphore_mem>>, %arg18: memref<!tpu.dma_semaphore, #tpu.memory_space<semaphore_mem>>) attributes {dimension_semantics = [#tpu.dimension_semantics<core_parallel>, #tpu.dimension_semantics<subcore_parallel>], iteration_bounds = array<i64: 2, 16>, scalar_prefetch = 0 : i64, scratch_operands = 12 : i64, tpu.core_type = #tpu.core_type<sc_vector_subcore>, window_params = [{transform_indices = #map}, {transform_indices = #map}, {transform_indices = #map1}, {transform_indices = #map1}, {transform_indices = #map}]} {
    %mul3A = arith.constant 2 : i32
    %mul3A_0 = arith.muli %arg1, %mul3A : i32
    %add3A = arith.addi %mul3A_0, %arg0 : i32
    %add3A_1 = arith.constant 0 : i32
    %add3A_2 = arith.addi %add3A, %add3A_1 : i32
    %lt3A = arith.constant 2500 : i32
    %lt3A_3 = arith.cmpi slt, %add3A_2, %lt3A : i32
    %convert_element_type3A = arith.extui %lt3A_3 : i1 to i32
    %cond3A = arith.constant 0 : i32
    %cond3A_4 = arith.cmpi ne, %convert_element_type3A, %cond3A : i32
    scf.if %cond3A_4 {
      %mul3A_10 = arith.constant 128 : i32
      %mul3A_11 = arith.muli %add3A_2, %mul3A_10 : i32
      "tpu.region"() ({
        %run_scoped3A = tpu.sem_alloc : memref<!tpu.dma_semaphore, #tpu.memory_space<semaphore_mem>>
        %dma_start3A_19 = tpu.memref_slice %arg4[%mul3A_11] : memref<320000xi32, #tpu.memory_space<hbm>> -> memref<128xi32, #tpu.memory_space<hbm>>
        %dma_start3A_20 = tpu.memref_slice %arg4[%mul3A_11] : memref<320000xi32, #tpu.memory_space<hbm>> -> memref<128xi32, #tpu.memory_space<hbm>>
        tpu.enqueue_dma source(%dma_start3A_20 : memref<128xi32, #tpu.memory_space<hbm>>) target(%arg7 : memref<128xi32, #tpu.memory_space<vmem>>) target_semaphore(%run_scoped3A : memref<!tpu.dma_semaphore, #tpu.memory_space<semaphore_mem>>)
        %dma_wait3A = tpu.memref_slice %arg4[%mul3A_11] : memref<320000xi32, #tpu.memory_space<hbm>> -> memref<128xi32, #tpu.memory_space<hbm>>
        %dma_wait3A_21 = tpu.memref_slice %arg4[%mul3A_11] : memref<320000xi32, #tpu.memory_space<hbm>> -> memref<128xi32, #tpu.memory_space<hbm>>
        tpu.wait_dma2 semaphore(%run_scoped3A : memref<!tpu.dma_semaphore, #tpu.memory_space<semaphore_mem>>) src(%dma_wait3A_21 : memref<128xi32, #tpu.memory_space<hbm>>) dst(%arg7 : memref<128xi32, #tpu.memory_space<vmem>>)
        tpu.yield
      }) : () -> ()
      %mul3A_12 = arith.constant 128 : i32
      %mul3A_13 = arith.muli %add3A_2, %mul3A_12 : i32
      "tpu.region"() ({
        %run_scoped3A = tpu.sem_alloc : memref<!tpu.dma_semaphore, #tpu.memory_space<semaphore_mem>>
        %dma_start3A_19 = tpu.memref_slice %arg5[%mul3A_13] : memref<320000xi32, #tpu.memory_space<hbm>> -> memref<128xi32, #tpu.memory_space<hbm>>
        %dma_start3A_20 = tpu.memref_slice %arg5[%mul3A_13] : memref<320000xi32, #tpu.memory_space<hbm>> -> memref<128xi32, #tpu.memory_space<hbm>>
        tpu.enqueue_dma source(%dma_start3A_20 : memref<128xi32, #tpu.memory_space<hbm>>) target(%arg9 : memref<128xi32, #tpu.memory_space<vmem>>) target_semaphore(%run_scoped3A : memref<!tpu.dma_semaphore, #tpu.memory_space<semaphore_mem>>)
        %dma_wait3A = tpu.memref_slice %arg5[%mul3A_13] : memref<320000xi32, #tpu.memory_space<hbm>> -> memref<128xi32, #tpu.memory_space<hbm>>
        %dma_wait3A_21 = tpu.memref_slice %arg5[%mul3A_13] : memref<320000xi32, #tpu.memory_space<hbm>> -> memref<128xi32, #tpu.memory_space<hbm>>
        tpu.wait_dma2 semaphore(%run_scoped3A : memref<!tpu.dma_semaphore, #tpu.memory_space<semaphore_mem>>) src(%dma_wait3A_21 : memref<128xi32, #tpu.memory_space<hbm>>) dst(%arg9 : memref<128xi32, #tpu.memory_space<vmem>>)
        tpu.yield
      }) : () -> ()
      %dma_start3A = arith.constant 0 : i32
      %dma_start3A_14 = arith.constant 0 : i32
      %dma_start3A_15 = tpu.memref_slice %arg2[%dma_start3A, %dma_start3A_14] : memref<10000x128xf32, #tpu.memory_space<hbm>> -> memref<10000x128xf32, #tpu.memory_space<hbm>>
      tpu.enqueue_indirect_dma source(%dma_start3A_15 : memref<10000x128xf32, #tpu.memory_space<hbm>>) target(%arg11 : memref<128x128xf32, #tpu.memory_space<vmem>>) offsets(%arg7 : memref<128xi32, #tpu.memory_space<vmem>>) semaphore(%arg15 : memref<!tpu.dma_semaphore, #tpu.memory_space<semaphore_mem>>)
      %dma_start3A_16 = arith.constant 0 : i32
      %dma_start3A_17 = arith.constant 0 : i32
      %dma_start3A_18 = tpu.memref_slice %arg3[%dma_start3A_16, %dma_start3A_17] : memref<10000x128xf32, #tpu.memory_space<hbm>> -> memref<10000x128xf32, #tpu.memory_space<hbm>>
      tpu.enqueue_indirect_dma source(%dma_start3A_18 : memref<10000x128xf32, #tpu.memory_space<hbm>>) target(%arg13 : memref<128x128xf32, #tpu.memory_space<vmem>>) offsets(%arg9 : memref<128xi32, #tpu.memory_space<vmem>>) semaphore(%arg17 : memref<!tpu.dma_semaphore, #tpu.memory_space<semaphore_mem>>)
    } else {
    }
    %scan3A = arith.constant 0 : i32
    %scan3A_5 = arith.constant 0 : i32
    %scan3A_6 = arith.constant 40 : i32
    %scan3A_7 = arith.addi %scan3A_5, %scan3A_6 : i32
    %scan3A_8 = arith.constant 1 : i32
    scf.for %scan3A_10 = %scan3A_5 to %scan3A_7 step %scan3A_8  : i32 {
      %mul3A_11 = arith.constant 2 : i32
      %mul3A_12 = arith.muli %scan3A_10, %mul3A_11 : i32
      %add3A_13 = arith.constant 1 : i32
      %add3A_14 = arith.addi %mul3A_12, %add3A_13 : i32
      %mul3A_15 = arith.constant 32 : i32
      %mul3A_16 = arith.muli %add3A_14, %mul3A_15 : i32
      %add3A_17 = arith.addi %add3A, %mul3A_16 : i32
      %lt3A_18 = arith.constant 2500 : i32
      %lt3A_19 = arith.cmpi slt, %add3A_17, %lt3A_18 : i32
      %convert_element_type3A_20 = arith.extui %lt3A_19 : i1 to i32
      %cond3A_21 = arith.constant 0 : i32
      %cond3A_22 = arith.cmpi ne, %convert_element_type3A_20, %cond3A_21 : i32
      scf.if %cond3A_22 {
        %mul3A_51 = arith.constant 128 : i32
        %mul3A_52 = arith.muli %add3A_17, %mul3A_51 : i32
        "tpu.region"() ({
          %run_scoped3A = tpu.sem_alloc : memref<!tpu.dma_semaphore, #tpu.memory_space<semaphore_mem>>
          %dma_start3A_60 = tpu.memref_slice %arg4[%mul3A_52] : memref<320000xi32, #tpu.memory_space<hbm>> -> memref<128xi32, #tpu.memory_space<hbm>>
          %dma_start3A_61 = tpu.memref_slice %arg4[%mul3A_52] : memref<320000xi32, #tpu.memory_space<hbm>> -> memref<128xi32, #tpu.memory_space<hbm>>
          tpu.enqueue_dma source(%dma_start3A_61 : memref<128xi32, #tpu.memory_space<hbm>>) target(%arg8 : memref<128xi32, #tpu.memory_space<vmem>>) target_semaphore(%run_scoped3A : memref<!tpu.dma_semaphore, #tpu.memory_space<semaphore_mem>>)
          %dma_wait3A = tpu.memref_slice %arg4[%mul3A_52] : memref<320000xi32, #tpu.memory_space<hbm>> -> memref<128xi32, #tpu.memory_space<hbm>>
          %dma_wait3A_62 = tpu.memref_slice %arg4[%mul3A_52] : memref<320000xi32, #tpu.memory_space<hbm>> -> memref<128xi32, #tpu.memory_space<hbm>>
          tpu.wait_dma2 semaphore(%run_scoped3A : memref<!tpu.dma_semaphore, #tpu.memory_space<semaphore_mem>>) src(%dma_wait3A_62 : memref<128xi32, #tpu.memory_space<hbm>>) dst(%arg8 : memref<128xi32, #tpu.memory_space<vmem>>)
          tpu.yield
        }) : () -> ()
        %mul3A_53 = arith.constant 128 : i32
        %mul3A_54 = arith.muli %add3A_17, %mul3A_53 : i32
        "tpu.region"() ({
          %run_scoped3A = tpu.sem_alloc : memref<!tpu.dma_semaphore, #tpu.memory_space<semaphore_mem>>
          %dma_start3A_60 = tpu.memref_slice %arg5[%mul3A_54] : memref<320000xi32, #tpu.memory_space<hbm>> -> memref<128xi32, #tpu.memory_space<hbm>>
          %dma_start3A_61 = tpu.memref_slice %arg5[%mul3A_54] : memref<320000xi32, #tpu.memory_space<hbm>> -> memref<128xi32, #tpu.memory_space<hbm>>
          tpu.enqueue_dma source(%dma_start3A_61 : memref<128xi32, #tpu.memory_space<hbm>>) target(%arg10 : memref<128xi32, #tpu.memory_space<vmem>>) target_semaphore(%run_scoped3A : memref<!tpu.dma_semaphore, #tpu.memory_space<semaphore_mem>>)
          %dma_wait3A = tpu.memref_slice %arg5[%mul3A_54] : memref<320000xi32, #tpu.memory_space<hbm>> -> memref<128xi32, #tpu.memory_space<hbm>>
          %dma_wait3A_62 = tpu.memref_slice %arg5[%mul3A_54] : memref<320000xi32, #tpu.memory_space<hbm>> -> memref<128xi32, #tpu.memory_space<hbm>>
          tpu.wait_dma2 semaphore(%run_scoped3A : memref<!tpu.dma_semaphore, #tpu.memory_space<semaphore_mem>>) src(%dma_wait3A_62 : memref<128xi32, #tpu.memory_space<hbm>>) dst(%arg10 : memref<128xi32, #tpu.memory_space<vmem>>)
          tpu.yield
        }) : () -> ()
        %dma_start3A = arith.constant 0 : i32
        %dma_start3A_55 = arith.constant 0 : i32
        %dma_start3A_56 = tpu.memref_slice %arg2[%dma_start3A, %dma_start3A_55] : memref<10000x128xf32, #tpu.memory_space<hbm>> -> memref<10000x128xf32, #tpu.memory_space<hbm>>
        tpu.enqueue_indirect_dma source(%dma_start3A_56 : memref<10000x128xf32, #tpu.memory_space<hbm>>) target(%arg12 : memref<128x128xf32, #tpu.memory_space<vmem>>) offsets(%arg8 : memref<128xi32, #tpu.memory_space<vmem>>) semaphore(%arg16 : memref<!tpu.dma_semaphore, #tpu.memory_space<semaphore_mem>>)
        %dma_start3A_57 = arith.constant 0 : i32
        %dma_start3A_58 = arith.constant 0 : i32
        %dma_start3A_59 = tpu.memref_slice %arg3[%dma_start3A_57, %dma_start3A_58] : memref<10000x128xf32, #tpu.memory_space<hbm>> -> memref<10000x128xf32, #tpu.memory_space<hbm>>
        tpu.enqueue_indirect_dma source(%dma_start3A_59 : memref<10000x128xf32, #tpu.memory_space<hbm>>) target(%arg14 : memref<128x128xf32, #tpu.memory_space<vmem>>) offsets(%arg10 : memref<128xi32, #tpu.memory_space<vmem>>) semaphore(%arg18 : memref<!tpu.dma_semaphore, #tpu.memory_space<semaphore_mem>>)
      } else {
      }
      %mul3A_23 = arith.constant 32 : i32
      %mul3A_24 = arith.muli %mul3A_12, %mul3A_23 : i32
      %add3A_25 = arith.addi %add3A, %mul3A_24 : i32
      %lt3A_26 = arith.constant 2500 : i32
      %lt3A_27 = arith.cmpi slt, %add3A_25, %lt3A_26 : i32
      %convert_element_type3A_28 = arith.extui %lt3A_27 : i1 to i32
      %cond3A_29 = arith.constant 0 : i32
      %cond3A_30 = arith.cmpi ne, %convert_element_type3A_28, %cond3A_29 : i32
      scf.if %cond3A_30 {
        %dma_wait3A = arith.constant 0 : i32
        %dma_wait3A_51 = arith.constant 0 : i32
        %dma_wait3A_52 = tpu.memref_slice %arg2[%dma_wait3A, %dma_wait3A_51] : memref<10000x128xf32, #tpu.memory_space<hbm>> -> memref<10000x128xf32, #tpu.memory_space<hbm>>
        tpu.wait_indirect_dma semaphore(%arg15 : memref<!tpu.dma_semaphore, #tpu.memory_space<semaphore_mem>>) src(%dma_wait3A_52 : memref<10000x128xf32, #tpu.memory_space<hbm>>) dst(%arg11 : memref<128x128xf32, #tpu.memory_space<vmem>>)
        %dma_wait3A_53 = arith.constant 0 : i32
        %dma_wait3A_54 = arith.constant 0 : i32
        %dma_wait3A_55 = tpu.memref_slice %arg3[%dma_wait3A_53, %dma_wait3A_54] : memref<10000x128xf32, #tpu.memory_space<hbm>> -> memref<10000x128xf32, #tpu.memory_space<hbm>>
        tpu.wait_indirect_dma semaphore(%arg17 : memref<!tpu.dma_semaphore, #tpu.memory_space<semaphore_mem>>) src(%dma_wait3A_55 : memref<10000x128xf32, #tpu.memory_space<hbm>>) dst(%arg13 : memref<128x128xf32, #tpu.memory_space<vmem>>)
        %scan3A_56 = arith.constant 0 : i32
        %scan3A_57 = arith.constant 0 : i32
        %scan3A_58 = arith.constant 128 : i32
        %scan3A_59 = arith.addi %scan3A_57, %scan3A_58 : i32
        %scan3A_60 = arith.constant 1 : i32
        scf.for %scan3A_64 = %scan3A_57 to %scan3A_59 step %scan3A_60  : i32 {
          %get3A = arith.index_cast %scan3A_64 : i32 to index
          %get3A_65 = arith.constant 0 : index
          %get3A_66 = tpu.vector_load %arg11[%get3A, %get3A_65] {strides = array<i32>} : memref<128x128xf32, #tpu.memory_space<vmem>>, vector<1x16xf32>,
          %get3A_67 = vector.shape_cast %get3A_66 : vector<1x16xf32> to vector<16xf32>
          %get3A_68 = arith.index_cast %scan3A_64 : i32 to index
          %get3A_69 = arith.constant 0 : index
          %get3A_70 = tpu.vector_load %arg13[%get3A_68, %get3A_69] {strides = array<i32>} : memref<128x128xf32, #tpu.memory_space<vmem>>, vector<1x16xf32>,
          %get3A_71 = vector.shape_cast %get3A_70 : vector<1x16xf32> to vector<16xf32>
          %add3A_72 = arith.addf %get3A_67, %get3A_71 : vector<16xf32>
          %swap3A = arith.index_cast %scan3A_64 : i32 to index
          %swap3A_73 = arith.constant 0 : index
          %swap3A_74 = tpu.vector_load %arg11[%swap3A, %swap3A_73] {strides = array<i32>} : memref<128x128xf32, #tpu.memory_space<vmem>>, vector<1x16xf32>,
          %swap3A_75 = vector.shape_cast %swap3A_74 : vector<1x16xf32> to vector<16xf32>
          %swap3A_76 = vector.shape_cast %add3A_72 : vector<16xf32> to vector<1x16xf32>
          tpu.vector_store %arg11[%swap3A, %swap3A_73], %swap3A_76 {strides = array<i32>} : memref<128x128xf32, #tpu.memory_space<vmem>>, vector<1x16xf32>,
          %get3A_77 = arith.index_cast %scan3A_64 : i32 to index
          %get3A_78 = arith.constant 16 : index
          %get3A_79 = tpu.vector_load %arg11[%get3A_77, %get3A_78] {strides = array<i32>} : memref<128x128xf32, #tpu.memory_space<vmem>>, vector<1x16xf32>,
          %get3A_80 = vector.shape_cast %get3A_79 : vector<1x16xf32> to vector<16xf32>
          %get3A_81 = arith.index_cast %scan3A_64 : i32 to index
          %get3A_82 = arith.constant 16 : index
          %get3A_83 = tpu.vector_load %arg13[%get3A_81, %get3A_82] {strides = array<i32>} : memref<128x128xf32, #tpu.memory_space<vmem>>, vector<1x16xf32>,
          %get3A_84 = vector.shape_cast %get3A_83 : vector<1x16xf32> to vector<16xf32>
          %add3A_85 = arith.addf %get3A_80, %get3A_84 : vector<16xf32>
          %swap3A_86 = arith.index_cast %scan3A_64 : i32 to index
          %swap3A_87 = arith.constant 16 : index
          %swap3A_88 = tpu.vector_load %arg11[%swap3A_86, %swap3A_87] {strides = array<i32>} : memref<128x128xf32, #tpu.memory_space<vmem>>, vector<1x16xf32>,
          %swap3A_89 = vector.shape_cast %swap3A_88 : vector<1x16xf32> to vector<16xf32>
          %swap3A_90 = vector.shape_cast %add3A_85 : vector<16xf32> to vector<1x16xf32>
          tpu.vector_store %arg11[%swap3A_86, %swap3A_87], %swap3A_90 {strides = array<i32>} : memref<128x128xf32, #tpu.memory_space<vmem>>, vector<1x16xf32>,
          %get3A_91 = arith.index_cast %scan3A_64 : i32 to index
          %get3A_92 = arith.constant 32 : index
          %get3A_93 = tpu.vector_load %arg11[%get3A_91, %get3A_92] {strides = array<i32>} : memref<128x128xf32, #tpu.memory_space<vmem>>, vector<1x16xf32>,
          %get3A_94 = vector.shape_cast %get3A_93 : vector<1x16xf32> to vector<16xf32>
          %get3A_95 = arith.index_cast %scan3A_64 : i32 to index
          %get3A_96 = arith.constant 32 : index
          %get3A_97 = tpu.vector_load %arg13[%get3A_95, %get3A_96] {strides = array<i32>} : memref<128x128xf32, #tpu.memory_space<vmem>>, vector<1x16xf32>,
          %get3A_98 = vector.shape_cast %get3A_97 : vector<1x16xf32> to vector<16xf32>
          %add3A_99 = arith.addf %get3A_94, %get3A_98 : vector<16xf32>
          %swap3A_100 = arith.index_cast %scan3A_64 : i32 to index
          %swap3A_101 = arith.constant 32 : index
          %swap3A_102 = tpu.vector_load %arg11[%swap3A_100, %swap3A_101] {strides = array<i32>} : memref<128x128xf32, #tpu.memory_space<vmem>>, vector<1x16xf32>,
          %swap3A_103 = vector.shape_cast %swap3A_102 : vector<1x16xf32> to vector<16xf32>
          %swap3A_104 = vector.shape_cast %add3A_99 : vector<16xf32> to vector<1x16xf32>
          tpu.vector_store %arg11[%swap3A_100, %swap3A_101], %swap3A_104 {strides = array<i32>} : memref<128x128xf32, #tpu.memory_space<vmem>>, vector<1x16xf32>,
          %get3A_105 = arith.index_cast %scan3A_64 : i32 to index
          %get3A_106 = arith.constant 48 : index
          %get3A_107 = tpu.vector_load %arg11[%get3A_105, %get3A_106] {strides = array<i32>} : memref<128x128xf32, #tpu.memory_space<vmem>>, vector<1x16xf32>,
          %get3A_108 = vector.shape_cast %get3A_107 : vector<1x16xf32> to vector<16xf32>
          %get3A_109 = arith.index_cast %scan3A_64 : i32 to index
          %get3A_110 = arith.constant 48 : index
          %get3A_111 = tpu.vector_load %arg13[%get3A_109, %get3A_110] {strides = array<i32>} : memref<128x128xf32, #tpu.memory_space<vmem>>, vector<1x16xf32>,
          %get3A_112 = vector.shape_cast %get3A_111 : vector<1x16xf32> to vector<16xf32>
          %add3A_113 = arith.addf %get3A_108, %get3A_112 : vector<16xf32>
          %swap3A_114 = arith.index_cast %scan3A_64 : i32 to index
          %swap3A_115 = arith.constant 48 : index
          %swap3A_116 = tpu.vector_load %arg11[%swap3A_114, %swap3A_115] {strides = array<i32>} : memref<128x128xf32, #tpu.memory_space<vmem>>, vector<1x16xf32>,
          %swap3A_117 = vector.shape_cast %swap3A_116 : vector<1x16xf32> to vector<16xf32>
          %swap3A_118 = vector.shape_cast %add3A_113 : vector<16xf32> to vector<1x16xf32>
          tpu.vector_store %arg11[%swap3A_114, %swap3A_115], %swap3A_118 {strides = array<i32>} : memref<128x128xf32, #tpu.memory_space<vmem>>, vector<1x16xf32>,
          %get3A_119 = arith.index_cast %scan3A_64 : i32 to index
          %get3A_120 = arith.constant 64 : index
          %get3A_121 = tpu.vector_load %arg11[%get3A_119, %get3A_120] {strides = array<i32>} : memref<128x128xf32, #tpu.memory_space<vmem>>, vector<1x16xf32>,
          %get3A_122 = vector.shape_cast %get3A_121 : vector<1x16xf32> to vector<16xf32>
          %get3A_123 = arith.index_cast %scan3A_64 : i32 to index
          %get3A_124 = arith.constant 64 : index
          %get3A_125 = tpu.vector_load %arg13[%get3A_123, %get3A_124] {strides = array<i32>} : memref<128x128xf32, #tpu.memory_space<vmem>>, vector<1x16xf32>,
          %get3A_126 = vector.shape_cast %get3A_125 : vector<1x16xf32> to vector<16xf32>
          %add3A_127 = arith.addf %get3A_122, %get3A_126 : vector<16xf32>
          %swap3A_128 = arith.index_cast %scan3A_64 : i32 to index
          %swap3A_129 = arith.constant 64 : index
          %swap3A_130 = tpu.vector_load %arg11[%swap3A_128, %swap3A_129] {strides = array<i32>} : memref<128x128xf32, #tpu.memory_space<vmem>>, vector<1x16xf32>,
          %swap3A_131 = vector.shape_cast %swap3A_130 : vector<1x16xf32> to vector<16xf32>
          %swap3A_132 = vector.shape_cast %add3A_127 : vector<16xf32> to vector<1x16xf32>
          tpu.vector_store %arg11[%swap3A_128, %swap3A_129], %swap3A_132 {strides = array<i32>} : memref<128x128xf32, #tpu.memory_space<vmem>>, vector<1x16xf32>,
        }
        %scan3A_61 = arith.constant 128 : i32
        %mul3A_62 = arith.constant 128 : i32
        %mul3A_63 = arith.muli %add3A_25, %mul3A_62 : i32
        "tpu.region"() ({
          %run_scoped3A = tpu.sem_alloc : memref<!tpu.dma_semaphore, #tpu.memory_space<semaphore_mem>>
          %dma_start3A = arith.constant 0 : i32
          %dma_start3A_64 = tpu.memref_slice %arg6[%mul3A_63, %dma_start3A] : memref<320000x128xf32, #tpu.memory_space<hbm>> -> memref<128x128xf32, #tpu.memory_space<hbm>>
          %dma_start3A_65 = arith.constant 0 : i32
          %dma_start3A_66 = tpu.memref_slice %arg6[%mul3A_63, %dma_start3A_65] : memref<320000x128xf32, #tpu.memory_space<hbm>> -> memref<128x128xf32, #tpu.memory_space<hbm>>
          tpu.enqueue_dma source(%arg11 : memref<128x128xf32, #tpu.memory_space<vmem>>) target(%dma_start3A_66 : memref<128x128xf32, #tpu.memory_space<hbm>>) target_semaphore(%run_scoped3A : memref<!tpu.dma_semaphore, #tpu.memory_space<semaphore_mem>>)
          %dma_wait3A_67 = arith.constant 0 : i32
          %dma_wait3A_68 = tpu.memref_slice %arg6[%mul3A_63, %dma_wait3A_67] : memref<320000x128xf32, #tpu.memory_space<hbm>> -> memref<128x128xf32, #tpu.memory_space<hbm>>
          %dma_wait3A_69 = arith.constant 0 : i32
          %dma_wait3A_70 = tpu.memref_slice %arg6[%mul3A_63, %dma_wait3A_69] : memref<320000x128xf32, #tpu.memory_space<hbm>> -> memref<128x128xf32, #tpu.memory_space<hbm>>
          tpu.wait_dma2 semaphore(%run_scoped3A : memref<!tpu.dma_semaphore, #tpu.memory_space<semaphore_mem>>) src(%arg11 : memref<128x128xf32, #tpu.memory_space<vmem>>) dst(%dma_wait3A_70 : memref<128x128xf32, #tpu.memory_space<hbm>>)
          tpu.yield
        }) : () -> ()
      } else {
      }
      %add3A_31 = arith.constant 2 : i32
      %add3A_32 = arith.addi %mul3A_12, %add3A_31 : i32
      %mul3A_33 = arith.constant 32 : i32
      %mul3A_34 = arith.muli %add3A_32, %mul3A_33 : i32
      %add3A_35 = arith.addi %add3A, %mul3A_34 : i32
      %lt3A_36 = arith.constant 2500 : i32
      %lt3A_37 = arith.cmpi slt, %add3A_35, %lt3A_36 : i32
      %convert_element_type3A_38 = arith.extui %lt3A_37 : i1 to i32
      %cond3A_39 = arith.constant 0 : i32
      %cond3A_40 = arith.cmpi ne, %convert_element_type3A_38, %cond3A_39 : i32
      scf.if %cond3A_40 {
        %mul3A_51 = arith.constant 128 : i32
        %mul3A_52 = arith.muli %add3A_35, %mul3A_51 : i32
        "tpu.region"() ({
          %run_scoped3A = tpu.sem_alloc : memref<!tpu.dma_semaphore, #tpu.memory_space<semaphore_mem>>
          %dma_start3A_60 = tpu.memref_slice %arg4[%mul3A_52] : memref<320000xi32, #tpu.memory_space<hbm>> -> memref<128xi32, #tpu.memory_space<hbm>>
          %dma_start3A_61 = tpu.memref_slice %arg4[%mul3A_52] : memref<320000xi32, #tpu.memory_space<hbm>> -> memref<128xi32, #tpu.memory_space<hbm>>
          tpu.enqueue_dma source(%dma_start3A_61 : memref<128xi32, #tpu.memory_space<hbm>>) target(%arg7 : memref<128xi32, #tpu.memory_space<vmem>>) target_semaphore(%run_scoped3A : memref<!tpu.dma_semaphore, #tpu.memory_space<semaphore_mem>>)
          %dma_wait3A = tpu.memref_slice %arg4[%mul3A_52] : memref<320000xi32, #tpu.memory_space<hbm>> -> memref<128xi32, #tpu.memory_space<hbm>>
          %dma_wait3A_62 = tpu.memref_slice %arg4[%mul3A_52] : memref<320000xi32, #tpu.memory_space<hbm>> -> memref<128xi32, #tpu.memory_space<hbm>>
          tpu.wait_dma2 semaphore(%run_scoped3A : memref<!tpu.dma_semaphore, #tpu.memory_space<semaphore_mem>>) src(%dma_wait3A_62 : memref<128xi32, #tpu.memory_space<hbm>>) dst(%arg7 : memref<128xi32, #tpu.memory_space<vmem>>)
          tpu.yield
        }) : () -> ()
        %mul3A_53 = arith.constant 128 : i32
        %mul3A_54 = arith.muli %add3A_35, %mul3A_53 : i32
        "tpu.region"() ({
          %run_scoped3A = tpu.sem_alloc : memref<!tpu.dma_semaphore, #tpu.memory_space<semaphore_mem>>
          %dma_start3A_60 = tpu.memref_slice %arg5[%mul3A_54] : memref<320000xi32, #tpu.memory_space<hbm>> -> memref<128xi32, #tpu.memory_space<hbm>>
          %dma_start3A_61 = tpu.memref_slice %arg5[%mul3A_54] : memref<320000xi32, #tpu.memory_space<hbm>> -> memref<128xi32, #tpu.memory_space<hbm>>
          tpu.enqueue_dma source(%dma_start3A_61 : memref<128xi32, #tpu.memory_space<hbm>>) target(%arg9 : memref<128xi32, #tpu.memory_space<vmem>>) target_semaphore(%run_scoped3A : memref<!tpu.dma_semaphore, #tpu.memory_space<semaphore_mem>>)
          %dma_wait3A = tpu.memref_slice %arg5[%mul3A_54] : memref<320000xi32, #tpu.memory_space<hbm>> -> memref<128xi32, #tpu.memory_space<hbm>>
          %dma_wait3A_62 = tpu.memref_slice %arg5[%mul3A_54] : memref<320000xi32, #tpu.memory_space<hbm>> -> memref<128xi32, #tpu.memory_space<hbm>>
          tpu.wait_dma2 semaphore(%run_scoped3A : memref<!tpu.dma_semaphore, #tpu.memory_space<semaphore_mem>>) src(%dma_wait3A_62 : memref<128xi32, #tpu.memory_space<hbm>>) dst(%arg9 : memref<128xi32, #tpu.memory_space<vmem>>)
          tpu.yield
        }) : () -> ()
        %dma_start3A = arith.constant 0 : i32
        %dma_start3A_55 = arith.constant 0 : i32
        %dma_start3A_56 = tpu.memref_slice %arg2[%dma_start3A, %dma_start3A_55] : memref<10000x128xf32, #tpu.memory_space<hbm>> -> memref<10000x128xf32, #tpu.memory_space<hbm>>
        tpu.enqueue_indirect_dma source(%dma_start3A_56 : memref<10000x128xf32, #tpu.memory_space<hbm>>) target(%arg11 : memref<128x128xf32, #tpu.memory_space<vmem>>) offsets(%arg7 : memref<128xi32, #tpu.memory_space<vmem>>) semaphore(%arg15 : memref<!tpu.dma_semaphore, #tpu.memory_space<semaphore_mem>>)
        %dma_start3A_57 = arith.constant 0 : i32
        %dma_start3A_58 = arith.constant 0 : i32
        %dma_start3A_59 = tpu.memref_slice %arg3[%dma_start3A_57, %dma_start3A_58] : memref<10000x128xf32, #tpu.memory_space<hbm>> -> memref<10000x128xf32, #tpu.memory_space<hbm>>
        tpu.enqueue_indirect_dma source(%dma_start3A_59 : memref<10000x128xf32, #tpu.memory_space<hbm>>) target(%arg13 : memref<128x128xf32, #tpu.memory_space<vmem>>) offsets(%arg9 : memref<128xi32, #tpu.memory_space<vmem>>) semaphore(%arg17 : memref<!tpu.dma_semaphore, #tpu.memory_space<semaphore_mem>>)
      } else {
      }
      %add3A_41 = arith.constant 1 : i32
      %add3A_42 = arith.addi %mul3A_12, %add3A_41 : i32
      %mul3A_43 = arith.constant 32 : i32
      %mul3A_44 = arith.muli %add3A_42, %mul3A_43 : i32
      %add3A_45 = arith.addi %add3A, %mul3A_44 : i32
      %lt3A_46 = arith.constant 2500 : i32
      %lt3A_47 = arith.cmpi slt, %add3A_45, %lt3A_46 : i32
      %convert_element_type3A_48 = arith.extui %lt3A_47 : i1 to i32
      %cond3A_49 = arith.constant 0 : i32
      %cond3A_50 = arith.cmpi ne, %convert_element_type3A_48, %cond3A_49 : i32
      scf.if %cond3A_50 {
        %dma_wait3A = arith.constant 0 : i32
        %dma_wait3A_51 = arith.constant 0 : i32
        %dma_wait3A_52 = tpu.memref_slice %arg2[%dma_wait3A, %dma_wait3A_51] : memref<10000x128xf32, #tpu.memory_space<hbm>> -> memref<10000x128xf32, #tpu.memory_space<hbm>>
        tpu.wait_indirect_dma semaphore(%arg16 : memref<!tpu.dma_semaphore, #tpu.memory_space<semaphore_mem>>) src(%dma_wait3A_52 : memref<10000x128xf32, #tpu.memory_space<hbm>>) dst(%arg12 : memref<128x128xf32, #tpu.memory_space<vmem>>)
        %dma_wait3A_53 = arith.constant 0 : i32
        %dma_wait3A_54 = arith.constant 0 : i32
        %dma_wait3A_55 = tpu.memref_slice %arg3[%dma_wait3A_53, %dma_wait3A_54] : memref<10000x128xf32, #tpu.memory_space<hbm>> -> memref<10000x128xf32, #tpu.memory_space<hbm>>
        tpu.wait_indirect_dma semaphore(%arg18 : memref<!tpu.dma_semaphore, #tpu.memory_space<semaphore_mem>>) src(%dma_wait3A_55 : memref<10000x128xf32, #tpu.memory_space<hbm>>) dst(%arg14 : memref<128x128xf32, #tpu.memory_space<vmem>>)
        %scan3A_56 = arith.constant 0 : i32
        %scan3A_57 = arith.constant 0 : i32
        %scan3A_58 = arith.constant 128 : i32
        %scan3A_59 = arith.addi %scan3A_57, %scan3A_58 : i32
        %scan3A_60 = arith.constant 1 : i32
        scf.for %scan3A_64 = %scan3A_57 to %scan3A_59 step %scan3A_60  : i32 {
          %get3A = arith.index_cast %scan3A_64 : i32 to index
          %get3A_65 = arith.constant 0 : index
          %get3A_66 = tpu.vector_load %arg12[%get3A, %get3A_65] {strides = array<i32>} : memref<128x128xf32, #tpu.memory_space<vmem>>, vector<1x16xf32>,
          %get3A_67 = vector.shape_cast %get3A_66 : vector<1x16xf32> to vector<16xf32>
          %get3A_68 = arith.index_cast %scan3A_64 : i32 to index
          %get3A_69 = arith.constant 0 : index
          %get3A_70 = tpu.vector_load %arg14[%get3A_68, %get3A_69] {strides = array<i32>} : memref<128x128xf32, #tpu.memory_space<vmem>>, vector<1x16xf32>,
          %get3A_71 = vector.shape_cast %get3A_70 : vector<1x16xf32> to vector<16xf32>
          %add3A_72 = arith.addf %get3A_67, %get3A_71 : vector<16xf32>
          %swap3A = arith.index_cast %scan3A_64 : i32 to index
          %swap3A_73 = arith.constant 0 : index
          %swap3A_74 = tpu.vector_load %arg12[%swap3A, %swap3A_73] {strides = array<i32>} : memref<128x128xf32, #tpu.memory_space<vmem>>, vector<1x16xf32>,
          %swap3A_75 = vector.shape_cast %swap3A_74 : vector<1x16xf32> to vector<16xf32>
          %swap3A_76 = vector.shape_cast %add3A_72 : vector<16xf32> to vector<1x16xf32>
          tpu.vector_store %arg12[%swap3A, %swap3A_73], %swap3A_76 {strides = array<i32>} : memref<128x128xf32, #tpu.memory_space<vmem>>, vector<1x16xf32>,
          %get3A_77 = arith.index_cast %scan3A_64 : i32 to index
          %get3A_78 = arith.constant 16 : index
          %get3A_79 = tpu.vector_load %arg12[%get3A_77, %get3A_78] {strides = array<i32>} : memref<128x128xf32, #tpu.memory_space<vmem>>, vector<1x16xf32>,
          %get3A_80 = vector.shape_cast %get3A_79 : vector<1x16xf32> to vector<16xf32>
          %get3A_81 = arith.index_cast %scan3A_64 : i32 to index
          %get3A_82 = arith.constant 16 : index
          %get3A_83 = tpu.vector_load %arg14[%get3A_81, %get3A_82] {strides = array<i32>} : memref<128x128xf32, #tpu.memory_space<vmem>>, vector<1x16xf32>,
          %get3A_84 = vector.shape_cast %get3A_83 : vector<1x16xf32> to vector<16xf32>
          %add3A_85 = arith.addf %get3A_80, %get3A_84 : vector<16xf32>
          %swap3A_86 = arith.index_cast %scan3A_64 : i32 to index
          %swap3A_87 = arith.constant 16 : index
          %swap3A_88 = tpu.vector_load %arg12[%swap3A_86, %swap3A_87] {strides = array<i32>} : memref<128x128xf32, #tpu.memory_space<vmem>>, vector<1x16xf32>,
          %swap3A_89 = vector.shape_cast %swap3A_88 : vector<1x16xf32> to vector<16xf32>
          %swap3A_90 = vector.shape_cast %add3A_85 : vector<16xf32> to vector<1x16xf32>
          tpu.vector_store %arg12[%swap3A_86, %swap3A_87], %swap3A_90 {strides = array<i32>} : memref<128x128xf32, #tpu.memory_space<vmem>>, vector<1x16xf32>,
          %get3A_91 = arith.index_cast %scan3A_64 : i32 to index
          %get3A_92 = arith.constant 32 : index
          %get3A_93 = tpu.vector_load %arg12[%get3A_91, %get3A_92] {strides = array<i32>} : memref<128x128xf32, #tpu.memory_space<vmem>>, vector<1x16xf32>,
          %get3A_94 = vector.shape_cast %get3A_93 : vector<1x16xf32> to vector<16xf32>
          %get3A_95 = arith.index_cast %scan3A_64 : i32 to index
          %get3A_96 = arith.constant 32 : index
          %get3A_97 = tpu.vector_load %arg14[%get3A_95, %get3A_96] {strides = array<i32>} : memref<128x128xf32, #tpu.memory_space<vmem>>, vector<1x16xf32>,
          %get3A_98 = vector.shape_cast %get3A_97 : vector<1x16xf32> to vector<16xf32>
          %add3A_99 = arith.addf %get3A_94, %get3A_98 : vector<16xf32>
          %swap3A_100 = arith.index_cast %scan3A_64 : i32 to index
          %swap3A_101 = arith.constant 32 : index
          %swap3A_102 = tpu.vector_load %arg12[%swap3A_100, %swap3A_101] {strides = array<i32>} : memref<128x128xf32, #tpu.memory_space<vmem>>, vector<1x16xf32>,
          %swap3A_103 = vector.shape_cast %swap3A_102 : vector<1x16xf32> to vector<16xf32>
          %swap3A_104 = vector.shape_cast %add3A_99 : vector<16xf32> to vector<1x16xf32>
          tpu.vector_store %arg12[%swap3A_100, %swap3A_101], %swap3A_104 {strides = array<i32>} : memref<128x128xf32, #tpu.memory_space<vmem>>, vector<1x16xf32>,
          %get3A_105 = arith.index_cast %scan3A_64 : i32 to index
          %get3A_106 = arith.constant 48 : index
          %get3A_107 = tpu.vector_load %arg12[%get3A_105, %get3A_106] {strides = array<i32>} : memref<128x128xf32, #tpu.memory_space<vmem>>, vector<1x16xf32>,
          %get3A_108 = vector.shape_cast %get3A_107 : vector<1x16xf32> to vector<16xf32>
          %get3A_109 = arith.index_cast %scan3A_64 : i32 to index
          %get3A_110 = arith.constant 48 : index
          %get3A_111 = tpu.vector_load %arg14[%get3A_109, %get3A_110] {strides = array<i32>} : memref<128x128xf32, #tpu.memory_space<vmem>>, vector<1x16xf32>,
          %get3A_112 = vector.shape_cast %get3A_111 : vector<1x16xf32> to vector<16xf32>
          %add3A_113 = arith.addf %get3A_108, %get3A_112 : vector<16xf32>
          %swap3A_114 = arith.index_cast %scan3A_64 : i32 to index
          %swap3A_115 = arith.constant 48 : index
          %swap3A_116 = tpu.vector_load %arg12[%swap3A_114, %swap3A_115] {strides = array<i32>} : memref<128x128xf32, #tpu.memory_space<vmem>>, vector<1x16xf32>,
          %swap3A_117 = vector.shape_cast %swap3A_116 : vector<1x16xf32> to vector<16xf32>
          %swap3A_118 = vector.shape_cast %add3A_113 : vector<16xf32> to vector<1x16xf32>
          tpu.vector_store %arg12[%swap3A_114, %swap3A_115], %swap3A_118 {strides = array<i32>} : memref<128x128xf32, #tpu.memory_space<vmem>>, vector<1x16xf32>,
          %get3A_119 = arith.index_cast %scan3A_64 : i32 to index
          %get3A_120 = arith.constant 64 : index
          %get3A_121 = tpu.vector_load %arg12[%get3A_119, %get3A_120] {strides = array<i32>} : memref<128x128xf32, #tpu.memory_space<vmem>>, vector<1x16xf32>,
          %get3A_122 = vector.shape_cast %get3A_121 : vector<1x16xf32> to vector<16xf32>
          %get3A_123 = arith.index_cast %scan3A_64 : i32 to index
          %get3A_124 = arith.constant 64 : index
          %get3A_125 = tpu.vector_load %arg14[%get3A_123, %get3A_124] {strides = array<i32>} : memref<128x128xf32, #tpu.memory_space<vmem>>, vector<1x16xf32>,
          %get3A_126 = vector.shape_cast %get3A_125 : vector<1x16xf32> to vector<16xf32>
          %add3A_127 = arith.addf %get3A_122, %get3A_126 : vector<16xf32>
          %swap3A_128 = arith.index_cast %scan3A_64 : i32 to index
          %swap3A_129 = arith.constant 64 : index
          %swap3A_130 = tpu.vector_load %arg12[%swap3A_128, %swap3A_129] {strides = array<i32>} : memref<128x128xf32, #tpu.memory_space<vmem>>, vector<1x16xf32>,
          %swap3A_131 = vector.shape_cast %swap3A_130 : vector<1x16xf32> to vector<16xf32>
          %swap3A_132 = vector.shape_cast %add3A_127 : vector<16xf32> to vector<1x16xf32>
          tpu.vector_store %arg12[%swap3A_128, %swap3A_129], %swap3A_132 {strides = array<i32>} : memref<128x128xf32, #tpu.memory_space<vmem>>, vector<1x16xf32>,
        }
        %scan3A_61 = arith.constant 128 : i32
        %mul3A_62 = arith.constant 128 : i32
        %mul3A_63 = arith.muli %add3A_45, %mul3A_62 : i32
        "tpu.region"() ({
          %run_scoped3A = tpu.sem_alloc : memref<!tpu.dma_semaphore, #tpu.memory_space<semaphore_mem>>
          %dma_start3A = arith.constant 0 : i32
          %dma_start3A_64 = tpu.memref_slice %arg6[%mul3A_63, %dma_start3A] : memref<320000x128xf32, #tpu.memory_space<hbm>> -> memref<128x128xf32, #tpu.memory_space<hbm>>
          %dma_start3A_65 = arith.constant 0 : i32
          %dma_start3A_66 = tpu.memref_slice %arg6[%mul3A_63, %dma_start3A_65] : memref<320000x128xf32, #tpu.memory_space<hbm>> -> memref<128x128xf32, #tpu.memory_space<hbm>>
          tpu.enqueue_dma source(%arg12 : memref<128x128xf32, #tpu.memory_space<vmem>>) target(%dma_start3A_66 : memref<128x128xf32, #tpu.memory_space<hbm>>) target_semaphore(%run_scoped3A : memref<!tpu.dma_semaphore, #tpu.memory_space<semaphore_mem>>)
          %dma_wait3A_67 = arith.constant 0 : i32
          %dma_wait3A_68 = tpu.memref_slice %arg6[%mul3A_63, %dma_wait3A_67] : memref<320000x128xf32, #tpu.memory_space<hbm>> -> memref<128x128xf32, #tpu.memory_space<hbm>>
          %dma_wait3A_69 = arith.constant 0 : i32
          %dma_wait3A_70 = tpu.memref_slice %arg6[%mul3A_63, %dma_wait3A_69] : memref<320000x128xf32, #tpu.memory_space<hbm>> -> memref<128x128xf32, #tpu.memory_space<hbm>>
          tpu.wait_dma2 semaphore(%run_scoped3A : memref<!tpu.dma_semaphore, #tpu.memory_space<semaphore_mem>>) src(%arg12 : memref<128x128xf32, #tpu.memory_space<vmem>>) dst(%dma_wait3A_70 : memref<128x128xf32, #tpu.memory_space<hbm>>)
          tpu.yield
        }) : () -> ()
      } else {
      }
    }
    %scan3A_9 = arith.constant 40 : i32
    return
  }
}

module attributes {stable_mosaic.version = 14 : i64} {
  func.func @body(%arg0: i32, %arg1: memref<2000x128xf32, #tpu.memory_space<vmem>>, %arg2: memref<2000x3xf32, #tpu.memory_space<vmem>>, %arg3: memref<2x2000x128xf32, #tpu.memory_space<vmem>>, %arg4: memref<144x64xf32, #tpu.memory_space<vmem>>, %arg5: memref<1x64xf32, #tpu.memory_space<vmem>>, %arg6: memref<64x64xf32, #tpu.memory_space<vmem>>, %arg7: memref<1x64xf32, #tpu.memory_space<vmem>>, %arg8: memref<64x128xf32, #tpu.memory_space<vmem>>, %arg9: memref<1x128xf32, #tpu.memory_space<vmem>>, %arg10: memref<1x128xf32, #tpu.memory_space<vmem>>, %arg11: memref<1x128xf32, #tpu.memory_space<vmem>>, %arg12: memref<128x64xf32, #tpu.memory_space<vmem>>, %arg13: memref<128x64xf32, #tpu.memory_space<vmem>>, %arg14: memref<2000x128xf32, #tpu.memory_space<vmem>>, %arg15: memref<2000x128xf32, #tpu.memory_space<vmem>>, %arg16: memref<2000x128xf32, #tpu.memory_space<vmem>>) attributes {dimension_semantics = [#tpu.dimension_semantics<arbitrary>], iteration_bounds = array<i64: 5>, scalar_prefetch = 0 : i64, scratch_operands = 0 : i64, tpu.core_type = #tpu.core_type<tc>, window_params = [{transform_indices = @transform_0, window_bounds = array<i64: 2000, 128>}, {transform_indices = @transform_1, window_bounds = array<i64: 2000, 3>}, {transform_indices = @transform_2, window_bounds = array<i64: 2, 2000, 128>}, {pipeline_mode = #tpu.pipeline_mode<synchronous>, transform_indices = @transform_3, window_bounds = array<i64: 144, 64>}, {pipeline_mode = #tpu.pipeline_mode<synchronous>, transform_indices = @transform_4, window_bounds = array<i64: 1, 64>}, {pipeline_mode = #tpu.pipeline_mode<synchronous>, transform_indices = @transform_5, window_bounds = array<i64: 64, 64>}, {pipeline_mode = #tpu.pipeline_mode<synchronous>, transform_indices = @transform_6, window_bounds = array<i64: 1, 64>}, {pipeline_mode = #tpu.pipeline_mode<synchronous>, transform_indices = @transform_7, window_bounds = array<i64: 64, 128>}, {pipeline_mode = #tpu.pipeline_mode<synchronous>, transform_indices = @transform_8, window_bounds = array<i64: 1, 128>}, {pipeline_mode = #tpu.pipeline_mode<synchronous>, transform_indices = @transform_9, window_bounds = array<i64: 1, 128>}, {pipeline_mode = #tpu.pipeline_mode<synchronous>, transform_indices = @transform_10, window_bounds = array<i64: 1, 128>}, {pipeline_mode = #tpu.pipeline_mode<synchronous>, transform_indices = @transform_11, window_bounds = array<i64: 128, 64>}, {pipeline_mode = #tpu.pipeline_mode<synchronous>, transform_indices = @transform_12, window_bounds = array<i64: 128, 64>}, {transform_indices = @transform_13, window_bounds = array<i64: 2000, 128>}, {transform_indices = @transform_14, window_bounds = array<i64: 2000, 128>}, {transform_indices = @transform_15, window_bounds = array<i64: 2000, 128>}]} {
    %get3A = arith.constant 0 : index
    %get3A_0 = arith.constant 0 : index
    %get3A_1 = arith.constant 0 : index
    %get3A_2 = vector.load %arg3[%get3A, %get3A_0, %get3A_1] : memref<2x2000x128xf32, #tpu.memory_space<vmem>>, vector<1x2000x128xf32>
    %get3A_3 = vector.shape_cast %get3A_2 : vector<1x2000x128xf32> to vector<2000x128xf32>
    %get3A_4 = arith.constant 1 : index
    %get3A_5 = arith.constant 0 : index
    %get3A_6 = arith.constant 0 : index
    %get3A_7 = vector.load %arg3[%get3A_4, %get3A_5, %get3A_6] : memref<2x2000x128xf32, #tpu.memory_space<vmem>>, vector<1x2000x128xf32>
    %get3A_8 = vector.shape_cast %get3A_7 : vector<1x2000x128xf32> to vector<2000x128xf32>
    %add3A = arith.addf %get3A_3, %get3A_8 : vector<2000x128xf32>
    %slice3A = vector.extract_strided_slice %add3A {offsets = [0, 0], sizes = [2000, 16], strides = [1, 1]} : vector<2000x128xf32> to vector<2000x16xf32>
    %get3A_9 = arith.constant 0 : index
    %get3A_10 = arith.constant 0 : index
    %get3A_11 = vector.load %arg1[%get3A_9, %get3A_10] : memref<2000x128xf32, #tpu.memory_space<vmem>>, vector<2000x128xf32>
    %get3A_12 = arith.constant 0 : index
    %get3A_13 = arith.constant 0 : index
    %get3A_14 = vector.load %arg4[%get3A_12, %get3A_13] : memref<144x64xf32, #tpu.memory_space<vmem>>, vector<144x64xf32>
    %slice3A_15 = vector.extract_strided_slice %get3A_14 {offsets = [0, 0], sizes = [128, 64], strides = [1, 1]} : vector<144x64xf32> to vector<128x64xf32>
    %dot_general3A = arith.constant dense<0.000000e+00> : vector<2000x64xf32>
    %dot_general3A_16 = tpu.matmul %get3A_11, %slice3A_15, %dot_general3A {dimension_numbers = #tpu.dot_dimension_numbers<[1], [0], [0], [1], [0, 0, 1, 1], [], []>, transpose_lhs_hint = false} : vector<2000x128xf32>, vector<128x64xf32>, vector<2000x64xf32> -> vector<2000x64xf32>
    %slice3A_17 = vector.extract_strided_slice %get3A_14 {offsets = [128, 0], sizes = [16, 64], strides = [1, 1]} : vector<144x64xf32> to vector<16x64xf32>
    %dot_general3A_18 = arith.constant dense<0.000000e+00> : vector<2000x64xf32>
    %dot_general3A_19 = tpu.matmul %slice3A, %slice3A_17, %dot_general3A_18 {dimension_numbers = #tpu.dot_dimension_numbers<[1], [0], [0], [1], [0, 0, 1, 1], [], []>, transpose_lhs_hint = false} : vector<2000x16xf32>, vector<16x64xf32>, vector<2000x64xf32> -> vector<2000x64xf32>
    %add3A_20 = arith.addf %dot_general3A_16, %dot_general3A_19 : vector<2000x64xf32>
    %get3A_21 = arith.constant 0 : index
    %get3A_22 = arith.constant 0 : index
    %get3A_23 = vector.load %arg5[%get3A_21, %get3A_22] : memref<1x64xf32, #tpu.memory_space<vmem>>, vector<1x64xf32>
    %add3A_24 = vector.broadcast %get3A_23 : vector<1x64xf32> to vector<2000x64xf32>
    %add3A_25 = arith.addf %add3A_20, %add3A_24 : vector<2000x64xf32>
    %logistic3A = arith.negf %add3A_25 : vector<2000x64xf32>
    %logistic3A_26 = math.exp %logistic3A : vector<2000x64xf32>
    %logistic3A_27 = arith.constant 1.000000e+00 : f32
    %logistic3A_28 = vector.broadcast %logistic3A_27 : f32 to vector<2000x64xf32>
    %logistic3A_29 = arith.addf %logistic3A_28, %logistic3A_26 : vector<2000x64xf32>
    %logistic3A_30 = arith.divf %logistic3A_28, %logistic3A_29 : vector<2000x64xf32>
    %mul3A = arith.mulf %add3A_25, %logistic3A_30 : vector<2000x64xf32>
    %get3A_31 = arith.constant 0 : index
    %get3A_32 = arith.constant 0 : index
    %get3A_33 = vector.load %arg6[%get3A_31, %get3A_32] : memref<64x64xf32, #tpu.memory_space<vmem>>, vector<64x64xf32>
    %dot_general3A_34 = arith.constant dense<0.000000e+00> : vector<2000x64xf32>
    %dot_general3A_35 = tpu.matmul %mul3A, %get3A_33, %dot_general3A_34 {dimension_numbers = #tpu.dot_dimension_numbers<[1], [0], [0], [1], [0, 0, 1, 1], [], []>, transpose_lhs_hint = false} : vector<2000x64xf32>, vector<64x64xf32>, vector<2000x64xf32> -> vector<2000x64xf32>
    %get3A_36 = arith.constant 0 : index
    %get3A_37 = arith.constant 0 : index
    %get3A_38 = vector.load %arg7[%get3A_36, %get3A_37] : memref<1x64xf32, #tpu.memory_space<vmem>>, vector<1x64xf32>
    %add3A_39 = vector.broadcast %get3A_38 : vector<1x64xf32> to vector<2000x64xf32>
    %add3A_40 = arith.addf %dot_general3A_35, %add3A_39 : vector<2000x64xf32>
    %logistic3A_41 = arith.negf %add3A_40 : vector<2000x64xf32>
    %logistic3A_42 = math.exp %logistic3A_41 : vector<2000x64xf32>
    %logistic3A_43 = arith.constant 1.000000e+00 : f32
    %logistic3A_44 = vector.broadcast %logistic3A_43 : f32 to vector<2000x64xf32>
    %logistic3A_45 = arith.addf %logistic3A_44, %logistic3A_42 : vector<2000x64xf32>
    %logistic3A_46 = arith.divf %logistic3A_44, %logistic3A_45 : vector<2000x64xf32>
    %mul3A_47 = arith.mulf %add3A_40, %logistic3A_46 : vector<2000x64xf32>
    %get3A_48 = arith.constant 0 : index
    %get3A_49 = arith.constant 0 : index
    %get3A_50 = vector.load %arg8[%get3A_48, %get3A_49] : memref<64x128xf32, #tpu.memory_space<vmem>>, vector<64x128xf32>
    %dot_general3A_51 = arith.constant dense<0.000000e+00> : vector<2000x128xf32>
    %dot_general3A_52 = tpu.matmul %mul3A_47, %get3A_50, %dot_general3A_51 {dimension_numbers = #tpu.dot_dimension_numbers<[1], [0], [0], [1], [0, 0, 1, 1], [], []>, transpose_lhs_hint = false} : vector<2000x64xf32>, vector<64x128xf32>, vector<2000x128xf32> -> vector<2000x128xf32>
    %get3A_53 = arith.constant 0 : index
    %get3A_54 = arith.constant 0 : index
    %get3A_55 = vector.load %arg9[%get3A_53, %get3A_54] : memref<1x128xf32, #tpu.memory_space<vmem>>, vector<1x128xf32>
    %add3A_56 = vector.broadcast %get3A_55 : vector<1x128xf32> to vector<2000x128xf32>
    %add3A_57 = arith.addf %dot_general3A_52, %add3A_56 : vector<2000x128xf32>
    %get3A_58 = arith.constant 0 : index
    %get3A_59 = arith.constant 0 : index
    %get3A_60 = vector.load %arg10[%get3A_58, %get3A_59] : memref<1x128xf32, #tpu.memory_space<vmem>>, vector<1x128xf32>
    %get3A_61 = arith.constant 0 : index
    %get3A_62 = arith.constant 0 : index
    %get3A_63 = vector.load %arg11[%get3A_61, %get3A_62] : memref<1x128xf32, #tpu.memory_space<vmem>>, vector<1x128xf32>
    %reduce_sum3A = arith.constant dense<0.000000e+00> : vector<2000xf32>
    %reduce_sum3A_64 = vector.multi_reduction <add>, %add3A_57, %reduce_sum3A [1] : vector<2000x128xf32> to vector<2000xf32>
    %broadcast_in_dim3A = vector.shape_cast %reduce_sum3A_64 : vector<2000xf32> to vector<2000x1xf32>
    %div3A = arith.constant 1.280000e+02 : f32
    %div3A_65 = vector.broadcast %div3A : f32 to vector<2000x1xf32>
    %div3A_66 = arith.divf %broadcast_in_dim3A, %div3A_65 : vector<2000x1xf32>
    %sub3A = vector.broadcast %div3A_66 : vector<2000x1xf32> to vector<2000x128xf32>
    %sub3A_67 = arith.subf %add3A_57, %sub3A : vector<2000x128xf32>
    %sub3A_68 = vector.broadcast %div3A_66 : vector<2000x1xf32> to vector<2000x128xf32>
    %sub3A_69 = arith.subf %add3A_57, %sub3A_68 : vector<2000x128xf32>
    %mul3A_70 = arith.mulf %sub3A_67, %sub3A_69 : vector<2000x128xf32>
    %reduce_sum3A_71 = arith.constant dense<0.000000e+00> : vector<2000xf32>
    %reduce_sum3A_72 = vector.multi_reduction <add>, %mul3A_70, %reduce_sum3A_71 [1] : vector<2000x128xf32> to vector<2000xf32>
    %broadcast_in_dim3A_73 = vector.shape_cast %reduce_sum3A_72 : vector<2000xf32> to vector<2000x1xf32>
    %div3A_74 = arith.constant 1.280000e+02 : f32
    %div3A_75 = vector.broadcast %div3A_74 : f32 to vector<2000x1xf32>
    %div3A_76 = arith.divf %broadcast_in_dim3A_73, %div3A_75 : vector<2000x1xf32>
    %sub3A_77 = vector.broadcast %div3A_66 : vector<2000x1xf32> to vector<2000x128xf32>
    %sub3A_78 = arith.subf %add3A_57, %sub3A_77 : vector<2000x128xf32>
    %add3A_79 = arith.constant 9.99999974E-6 : f32
    %add3A_80 = vector.broadcast %add3A_79 : f32 to vector<2000x1xf32>
    %add3A_81 = arith.addf %div3A_76, %add3A_80 : vector<2000x1xf32>
    %sqrt3A = math.sqrt %add3A_81 : vector<2000x1xf32>
    %div3A_82 = vector.broadcast %sqrt3A : vector<2000x1xf32> to vector<2000x128xf32>
    %div3A_83 = arith.divf %sub3A_78, %div3A_82 : vector<2000x128xf32>
    %mul3A_84 = vector.broadcast %get3A_60 : vector<1x128xf32> to vector<2000x128xf32>
    %mul3A_85 = arith.mulf %div3A_83, %mul3A_84 : vector<2000x128xf32>
    %add3A_86 = vector.broadcast %get3A_63 : vector<1x128xf32> to vector<2000x128xf32>
    %add3A_87 = arith.addf %mul3A_85, %add3A_86 : vector<2000x128xf32>
    %add3A_88 = arith.addf %add3A_87, %get3A_11 : vector<2000x128xf32>
    %swap3A = arith.constant 0 : index
    %swap3A_89 = arith.constant 0 : index
    %swap3A_90 = vector.load %arg14[%swap3A, %swap3A_89] : memref<2000x128xf32, #tpu.memory_space<vmem>>, vector<2000x128xf32>
    tpu.vector_store %arg14[%swap3A, %swap3A_89], %add3A_88 {strides = array<i32>} : memref<2000x128xf32, #tpu.memory_space<vmem>>, vector<2000x128xf32>,
    %get3A_91 = arith.constant 0 : index
    %get3A_92 = arith.constant 0 : index
    %get3A_93 = vector.load %arg2[%get3A_91, %get3A_92] : memref<2000x3xf32, #tpu.memory_space<vmem>>, vector<2000x3xf32>
    %broadcast_in_dim3A_94 = arith.constant 0.000000e+00 : f32
    %broadcast_in_dim3A_95 = vector.broadcast %broadcast_in_dim3A_94 : f32 to vector<2000x61xf32>
    %concatenate3A = tpu.concatenate %get3A_93, %broadcast_in_dim3A_95 in 1 : vector<2000x3xf32>, vector<2000x61xf32> -> vector<2000x64xf32>
    %get3A_96 = arith.constant 0 : index
    %get3A_97 = arith.constant 0 : index
    %get3A_98 = vector.load %arg12[%get3A_96, %get3A_97] : memref<128x64xf32, #tpu.memory_space<vmem>>, vector<128x64xf32>
    %dot_general3A_99 = arith.constant dense<0.000000e+00> : vector<2000x64xf32>
    %dot_general3A_100 = tpu.matmul %add3A_88, %get3A_98, %dot_general3A_99 {dimension_numbers = #tpu.dot_dimension_numbers<[1], [0], [0], [1], [0, 0, 1, 1], [], []>, transpose_lhs_hint = false} : vector<2000x128xf32>, vector<128x64xf32>, vector<2000x64xf32> -> vector<2000x64xf32>
    %neg3A = arith.constant 0.000000e+00 : f32
    %neg3A_101 = vector.broadcast %neg3A : f32 to vector<2000x64xf32>
    %neg3A_102 = arith.subf %neg3A_101, %concatenate3A : vector<2000x64xf32>
    %concatenate3A_103 = tpu.concatenate %dot_general3A_100, %neg3A_102 in 1 : vector<2000x64xf32>, vector<2000x64xf32> -> vector<2000x128xf32>
    %swap3A_104 = arith.constant 0 : index
    %swap3A_105 = arith.constant 0 : index
    %swap3A_106 = vector.load %arg15[%swap3A_104, %swap3A_105] : memref<2000x128xf32, #tpu.memory_space<vmem>>, vector<2000x128xf32>
    tpu.vector_store %arg15[%swap3A_104, %swap3A_105], %concatenate3A_103 {strides = array<i32>} : memref<2000x128xf32, #tpu.memory_space<vmem>>, vector<2000x128xf32>,
    %get3A_107 = arith.constant 0 : index
    %get3A_108 = arith.constant 0 : index
    %get3A_109 = vector.load %arg13[%get3A_107, %get3A_108] : memref<128x64xf32, #tpu.memory_space<vmem>>, vector<128x64xf32>
    %dot_general3A_110 = arith.constant dense<0.000000e+00> : vector<2000x64xf32>
    %dot_general3A_111 = tpu.matmul %add3A_88, %get3A_109, %dot_general3A_110 {dimension_numbers = #tpu.dot_dimension_numbers<[1], [0], [0], [1], [0, 0, 1, 1], [], []>, transpose_lhs_hint = false} : vector<2000x128xf32>, vector<128x64xf32>, vector<2000x64xf32> -> vector<2000x64xf32>
    %concatenate3A_112 = tpu.concatenate %dot_general3A_111, %concatenate3A in 1 : vector<2000x64xf32>, vector<2000x64xf32> -> vector<2000x128xf32>
    %swap3A_113 = arith.constant 0 : index
    %swap3A_114 = arith.constant 0 : index
    %swap3A_115 = vector.load %arg16[%swap3A_113, %swap3A_114] : memref<2000x128xf32, #tpu.memory_space<vmem>>, vector<2000x128xf32>
    tpu.vector_store %arg16[%swap3A_113, %swap3A_114], %concatenate3A_112 {strides = array<i32>} : memref<2000x128xf32, #tpu.memory_space<vmem>>, vector<2000x128xf32>,
    return
  }
  func.func @transform_0(%arg0: i32) -> (i32, i32) {
    %c0_i32 = arith.constant 0 : i32
    %c0_i32_0 = arith.constant 0 : i32
    return %arg0, %c0_i32 : i32, i32
  }
  func.func @transform_1(%arg0: i32) -> (i32, i32) {
    %c0_i32 = arith.constant 0 : i32
    %c0_i32_0 = arith.constant 0 : i32
    return %arg0, %c0_i32 : i32, i32
  }
  func.func @transform_2(%arg0: i32) -> (i32, i32, i32) {
    %c0_i32 = arith.constant 0 : i32
    %c0_i32_0 = arith.constant 0 : i32
    %c0_i32_1 = arith.constant 0 : i32
    return %c0_i32, %arg0, %c0_i32_0 : i32, i32, i32
  }
  func.func @transform_3(%arg0: i32) -> (i32, i32) {
    %c0_i32 = arith.constant 0 : i32
    %c0_i32_0 = arith.constant 0 : i32
    %c0_i32_1 = arith.constant 0 : i32
    return %c0_i32, %c0_i32_0 : i32, i32
  }
  func.func @transform_4(%arg0: i32) -> (i32, i32) {
    %c0_i32 = arith.constant 0 : i32
    %c0_i32_0 = arith.constant 0 : i32
    %c0_i32_1 = arith.constant 0 : i32
    return %c0_i32, %c0_i32_0 : i32, i32
  }
  func.func @transform_5(%arg0: i32) -> (i32, i32) {
    %c0_i32 = arith.constant 0 : i32
    %c0_i32_0 = arith.constant 0 : i32
    %c0_i32_1 = arith.constant 0 : i32
    return %c0_i32, %c0_i32_0 : i32, i32
  }
  func.func @transform_6(%arg0: i32) -> (i32, i32) {
    %c0_i32 = arith.constant 0 : i32
    %c0_i32_0 = arith.constant 0 : i32
    %c0_i32_1 = arith.constant 0 : i32
    return %c0_i32, %c0_i32_0 : i32, i32
  }
  func.func @transform_7(%arg0: i32) -> (i32, i32) {
    %c0_i32 = arith.constant 0 : i32
    %c0_i32_0 = arith.constant 0 : i32
    %c0_i32_1 = arith.constant 0 : i32
    return %c0_i32, %c0_i32_0 : i32, i32
  }
  func.func @transform_8(%arg0: i32) -> (i32, i32) {
    %c0_i32 = arith.constant 0 : i32
    %c0_i32_0 = arith.constant 0 : i32
    %c0_i32_1 = arith.constant 0 : i32
    return %c0_i32, %c0_i32_0 : i32, i32
  }
  func.func @transform_9(%arg0: i32) -> (i32, i32) {
    %c0_i32 = arith.constant 0 : i32
    %c0_i32_0 = arith.constant 0 : i32
    %c0_i32_1 = arith.constant 0 : i32
    return %c0_i32, %c0_i32_0 : i32, i32
  }
  func.func @transform_10(%arg0: i32) -> (i32, i32) {
    %c0_i32 = arith.constant 0 : i32
    %c0_i32_0 = arith.constant 0 : i32
    %c0_i32_1 = arith.constant 0 : i32
    return %c0_i32, %c0_i32_0 : i32, i32
  }
  func.func @transform_11(%arg0: i32) -> (i32, i32) {
    %c0_i32 = arith.constant 0 : i32
    %c0_i32_0 = arith.constant 0 : i32
    %c0_i32_1 = arith.constant 0 : i32
    return %c0_i32, %c0_i32_0 : i32, i32
  }
  func.func @transform_12(%arg0: i32) -> (i32, i32) {
    %c0_i32 = arith.constant 0 : i32
    %c0_i32_0 = arith.constant 0 : i32
    %c0_i32_1 = arith.constant 0 : i32
    return %c0_i32, %c0_i32_0 : i32, i32
  }
  func.func @transform_13(%arg0: i32) -> (i32, i32) {
    %c0_i32 = arith.constant 0 : i32
    %c0_i32_0 = arith.constant 0 : i32
    return %arg0, %c0_i32 : i32, i32
  }
  func.func @transform_14(%arg0: i32) -> (i32, i32) {
    %c0_i32 = arith.constant 0 : i32
    %c0_i32_0 = arith.constant 0 : i32
    return %arg0, %c0_i32 : i32, i32
  }
  func.func @transform_15(%arg0: i32) -> (i32, i32) {
    %c0_i32 = arith.constant 0 : i32
    %c0_i32_0 = arith.constant 0 : i32
    return %arg0, %c0_i32 : i32, i32
  }
}

module attributes {stable_mosaic.version = 14 : i64} {
  func.func @body(%arg0: i32, %arg1: memref<3200x128xf32, #tpu.memory_space<vmem>>, %arg2: memref<3200x16xf32, #tpu.memory_space<vmem>>, %arg3: memref<32x128xf32, #tpu.memory_space<vmem>>, %arg4: memref<1x128xf32, #tpu.memory_space<vmem>>, %arg5: memref<128x128xf32, #tpu.memory_space<vmem>>, %arg6: memref<1x128xf32, #tpu.memory_space<vmem>>, %arg7: memref<128x128xf32, #tpu.memory_space<vmem>>, %arg8: memref<1x128xf32, #tpu.memory_space<vmem>>, %arg9: memref<1x64xf32, #tpu.memory_space<vmem>>, %arg10: memref<1x64xf32, #tpu.memory_space<vmem>>, %arg11: memref<1x64xf32, #tpu.memory_space<vmem>>, %arg12: memref<1x64xf32, #tpu.memory_space<vmem>>, %arg13: memref<128x64xf32, #tpu.memory_space<vmem>>, %arg14: memref<1x64xf32, #tpu.memory_space<vmem>>, %arg15: memref<3200x64xf32, #tpu.memory_space<vmem>>) attributes {dimension_semantics = [#tpu.dimension_semantics<arbitrary>], iteration_bounds = array<i64: 100>, scalar_prefetch = 0 : i64, scratch_operands = 0 : i64, tpu.core_type = #tpu.core_type<tc>, window_params = [{transform_indices = @transform_0, window_bounds = array<i64: 3200, 128>}, {transform_indices = @transform_1, window_bounds = array<i64: 3200, 16>}, {pipeline_mode = #tpu.pipeline_mode<synchronous>, transform_indices = @transform_2, window_bounds = array<i64: 32, 128>}, {pipeline_mode = #tpu.pipeline_mode<synchronous>, transform_indices = @transform_3, window_bounds = array<i64: 1, 128>}, {pipeline_mode = #tpu.pipeline_mode<synchronous>, transform_indices = @transform_4, window_bounds = array<i64: 128, 128>}, {pipeline_mode = #tpu.pipeline_mode<synchronous>, transform_indices = @transform_5, window_bounds = array<i64: 1, 128>}, {pipeline_mode = #tpu.pipeline_mode<synchronous>, transform_indices = @transform_6, window_bounds = array<i64: 128, 128>}, {pipeline_mode = #tpu.pipeline_mode<synchronous>, transform_indices = @transform_7, window_bounds = array<i64: 1, 128>}, {pipeline_mode = #tpu.pipeline_mode<synchronous>, transform_indices = @transform_8, window_bounds = array<i64: 1, 64>}, {pipeline_mode = #tpu.pipeline_mode<synchronous>, transform_indices = @transform_9, window_bounds = array<i64: 1, 64>}, {pipeline_mode = #tpu.pipeline_mode<synchronous>, transform_indices = @transform_10, window_bounds = array<i64: 1, 64>}, {pipeline_mode = #tpu.pipeline_mode<synchronous>, transform_indices = @transform_11, window_bounds = array<i64: 1, 64>}, {pipeline_mode = #tpu.pipeline_mode<synchronous>, transform_indices = @transform_12, window_bounds = array<i64: 128, 64>}, {pipeline_mode = #tpu.pipeline_mode<synchronous>, transform_indices = @transform_13, window_bounds = array<i64: 1, 64>}, {transform_indices = @transform_14, window_bounds = array<i64: 3200, 64>}]} {
    %get3A = arith.constant 0 : index
    %get3A_0 = arith.constant 0 : index
    %get3A_1 = vector.load %arg1[%get3A, %get3A_0] : memref<3200x128xf32, #tpu.memory_space<vmem>>, vector<3200x128xf32>
    %slice3A = vector.extract_strided_slice %get3A_1 {offsets = [0, 0], sizes = [3200, 64], strides = [1, 1]} : vector<3200x128xf32> to vector<3200x64xf32>
    %slice3A_2 = vector.extract_strided_slice %get3A_1 {offsets = [0, 64], sizes = [3200, 16], strides = [1, 1]} : vector<3200x128xf32> to vector<3200x16xf32>
    %get3A_3 = arith.constant 0 : index
    %get3A_4 = arith.constant 0 : index
    %get3A_5 = vector.load %arg3[%get3A_3, %get3A_4] : memref<32x128xf32, #tpu.memory_space<vmem>>, vector<32x128xf32>
    %slice3A_6 = vector.extract_strided_slice %get3A_5 {offsets = [0, 0], sizes = [16, 64], strides = [1, 1]} : vector<32x128xf32> to vector<16x64xf32>
    %get3A_7 = arith.constant 0 : index
    %get3A_8 = arith.constant 0 : index
    %get3A_9 = vector.load %arg3[%get3A_7, %get3A_8] : memref<32x128xf32, #tpu.memory_space<vmem>>, vector<32x128xf32>
    %slice3A_10 = vector.extract_strided_slice %get3A_9 {offsets = [16, 64], sizes = [16, 64], strides = [1, 1]} : vector<32x128xf32> to vector<16x64xf32>
    %get3A_11 = arith.constant 0 : index
    %get3A_12 = arith.constant 0 : index
    %get3A_13 = vector.load %arg2[%get3A_11, %get3A_12] : memref<3200x16xf32, #tpu.memory_space<vmem>>, vector<3200x16xf32>
    %dot_general3A = arith.constant dense<0.000000e+00> : vector<3200x64xf32>
    %dot_general3A_14 = tpu.matmul %get3A_13, %slice3A_6, %dot_general3A {dimension_numbers = #tpu.dot_dimension_numbers<[1], [0], [0], [1], [0, 0, 1, 1], [], []>, transpose_lhs_hint = false} : vector<3200x16xf32>, vector<16x64xf32>, vector<3200x64xf32> -> vector<3200x64xf32>
    %add3A = arith.addf %slice3A, %dot_general3A_14 : vector<3200x64xf32>
    %get3A_15 = arith.constant 0 : index
    %get3A_16 = arith.constant 0 : index
    %get3A_17 = vector.load %arg4[%get3A_15, %get3A_16] : memref<1x128xf32, #tpu.memory_space<vmem>>, vector<1x128xf32>
    %slice3A_18 = vector.extract_strided_slice %get3A_17 {offsets = [0, 0], sizes = [1, 64], strides = [1, 1]} : vector<1x128xf32> to vector<1x64xf32>
    %add3A_19 = vector.broadcast %slice3A_18 : vector<1x64xf32> to vector<3200x64xf32>
    %add3A_20 = arith.addf %add3A, %add3A_19 : vector<3200x64xf32>
    %logistic3A = arith.negf %add3A_20 : vector<3200x64xf32>
    %logistic3A_21 = math.exp %logistic3A : vector<3200x64xf32>
    %logistic3A_22 = arith.constant 1.000000e+00 : f32
    %logistic3A_23 = vector.broadcast %logistic3A_22 : f32 to vector<3200x64xf32>
    %logistic3A_24 = arith.addf %logistic3A_23, %logistic3A_21 : vector<3200x64xf32>
    %logistic3A_25 = arith.divf %logistic3A_23, %logistic3A_24 : vector<3200x64xf32>
    %mul3A = arith.mulf %add3A_20, %logistic3A_25 : vector<3200x64xf32>
    %get3A_26 = arith.constant 0 : index
    %get3A_27 = arith.constant 0 : index
    %get3A_28 = vector.load %arg5[%get3A_26, %get3A_27] : memref<128x128xf32, #tpu.memory_space<vmem>>, vector<128x128xf32>
    %slice3A_29 = vector.extract_strided_slice %get3A_28 {offsets = [0, 0], sizes = [64, 64], strides = [1, 1]} : vector<128x128xf32> to vector<64x64xf32>
    %dot_general3A_30 = arith.constant dense<0.000000e+00> : vector<3200x64xf32>
    %dot_general3A_31 = tpu.matmul %mul3A, %slice3A_29, %dot_general3A_30 {dimension_numbers = #tpu.dot_dimension_numbers<[1], [0], [0], [1], [0, 0, 1, 1], [], []>, transpose_lhs_hint = false} : vector<3200x64xf32>, vector<64x64xf32>, vector<3200x64xf32> -> vector<3200x64xf32>
    %get3A_32 = arith.constant 0 : index
    %get3A_33 = arith.constant 0 : index
    %get3A_34 = vector.load %arg6[%get3A_32, %get3A_33] : memref<1x128xf32, #tpu.memory_space<vmem>>, vector<1x128xf32>
    %slice3A_35 = vector.extract_strided_slice %get3A_34 {offsets = [0, 0], sizes = [1, 64], strides = [1, 1]} : vector<1x128xf32> to vector<1x64xf32>
    %add3A_36 = vector.broadcast %slice3A_35 : vector<1x64xf32> to vector<3200x64xf32>
    %add3A_37 = arith.addf %dot_general3A_31, %add3A_36 : vector<3200x64xf32>
    %logistic3A_38 = arith.negf %add3A_37 : vector<3200x64xf32>
    %logistic3A_39 = math.exp %logistic3A_38 : vector<3200x64xf32>
    %logistic3A_40 = arith.constant 1.000000e+00 : f32
    %logistic3A_41 = vector.broadcast %logistic3A_40 : f32 to vector<3200x64xf32>
    %logistic3A_42 = arith.addf %logistic3A_41, %logistic3A_39 : vector<3200x64xf32>
    %logistic3A_43 = arith.divf %logistic3A_41, %logistic3A_42 : vector<3200x64xf32>
    %mul3A_44 = arith.mulf %add3A_37, %logistic3A_43 : vector<3200x64xf32>
    %get3A_45 = arith.constant 0 : index
    %get3A_46 = arith.constant 0 : index
    %get3A_47 = vector.load %arg7[%get3A_45, %get3A_46] : memref<128x128xf32, #tpu.memory_space<vmem>>, vector<128x128xf32>
    %slice3A_48 = vector.extract_strided_slice %get3A_47 {offsets = [0, 0], sizes = [64, 64], strides = [1, 1]} : vector<128x128xf32> to vector<64x64xf32>
    %dot_general3A_49 = arith.constant dense<0.000000e+00> : vector<3200x64xf32>
    %dot_general3A_50 = tpu.matmul %mul3A_44, %slice3A_48, %dot_general3A_49 {dimension_numbers = #tpu.dot_dimension_numbers<[1], [0], [0], [1], [0, 0, 1, 1], [], []>, transpose_lhs_hint = false} : vector<3200x64xf32>, vector<64x64xf32>, vector<3200x64xf32> -> vector<3200x64xf32>
    %get3A_51 = arith.constant 0 : index
    %get3A_52 = arith.constant 0 : index
    %get3A_53 = vector.load %arg8[%get3A_51, %get3A_52] : memref<1x128xf32, #tpu.memory_space<vmem>>, vector<1x128xf32>
    %slice3A_54 = vector.extract_strided_slice %get3A_53 {offsets = [0, 0], sizes = [1, 64], strides = [1, 1]} : vector<1x128xf32> to vector<1x64xf32>
    %add3A_55 = vector.broadcast %slice3A_54 : vector<1x64xf32> to vector<3200x64xf32>
    %add3A_56 = arith.addf %dot_general3A_50, %add3A_55 : vector<3200x64xf32>
    %get3A_57 = arith.constant 0 : index
    %get3A_58 = arith.constant 0 : index
    %get3A_59 = vector.load %arg9[%get3A_57, %get3A_58] : memref<1x64xf32, #tpu.memory_space<vmem>>, vector<1x64xf32>
    %get3A_60 = arith.constant 0 : index
    %get3A_61 = arith.constant 0 : index
    %get3A_62 = vector.load %arg10[%get3A_60, %get3A_61] : memref<1x64xf32, #tpu.memory_space<vmem>>, vector<1x64xf32>
    %reduce_sum3A = arith.constant dense<0.000000e+00> : vector<3200xf32>
    %reduce_sum3A_63 = vector.multi_reduction <add>, %add3A_56, %reduce_sum3A [1] : vector<3200x64xf32> to vector<3200xf32>
    %broadcast_in_dim3A = vector.shape_cast %reduce_sum3A_63 : vector<3200xf32> to vector<3200x1xf32>
    %div3A = arith.constant 6.400000e+01 : f32
    %div3A_64 = vector.broadcast %div3A : f32 to vector<3200x1xf32>
    %div3A_65 = arith.divf %broadcast_in_dim3A, %div3A_64 : vector<3200x1xf32>
    %sub3A = vector.broadcast %div3A_65 : vector<3200x1xf32> to vector<3200x64xf32>
    %sub3A_66 = arith.subf %add3A_56, %sub3A : vector<3200x64xf32>
    %sub3A_67 = vector.broadcast %div3A_65 : vector<3200x1xf32> to vector<3200x64xf32>
    %sub3A_68 = arith.subf %add3A_56, %sub3A_67 : vector<3200x64xf32>
    %mul3A_69 = arith.mulf %sub3A_66, %sub3A_68 : vector<3200x64xf32>
    %reduce_sum3A_70 = arith.constant dense<0.000000e+00> : vector<3200xf32>
    %reduce_sum3A_71 = vector.multi_reduction <add>, %mul3A_69, %reduce_sum3A_70 [1] : vector<3200x64xf32> to vector<3200xf32>
    %broadcast_in_dim3A_72 = vector.shape_cast %reduce_sum3A_71 : vector<3200xf32> to vector<3200x1xf32>
    %div3A_73 = arith.constant 6.400000e+01 : f32
    %div3A_74 = vector.broadcast %div3A_73 : f32 to vector<3200x1xf32>
    %div3A_75 = arith.divf %broadcast_in_dim3A_72, %div3A_74 : vector<3200x1xf32>
    %sub3A_76 = vector.broadcast %div3A_65 : vector<3200x1xf32> to vector<3200x64xf32>
    %sub3A_77 = arith.subf %add3A_56, %sub3A_76 : vector<3200x64xf32>
    %add3A_78 = arith.constant 9.99999974E-6 : f32
    %add3A_79 = vector.broadcast %add3A_78 : f32 to vector<3200x1xf32>
    %add3A_80 = arith.addf %div3A_75, %add3A_79 : vector<3200x1xf32>
    %sqrt3A = math.sqrt %add3A_80 : vector<3200x1xf32>
    %div3A_81 = vector.broadcast %sqrt3A : vector<3200x1xf32> to vector<3200x64xf32>
    %div3A_82 = arith.divf %sub3A_77, %div3A_81 : vector<3200x64xf32>
    %mul3A_83 = vector.broadcast %get3A_59 : vector<1x64xf32> to vector<3200x64xf32>
    %mul3A_84 = arith.mulf %div3A_82, %mul3A_83 : vector<3200x64xf32>
    %add3A_85 = vector.broadcast %get3A_62 : vector<1x64xf32> to vector<3200x64xf32>
    %add3A_86 = arith.addf %mul3A_84, %add3A_85 : vector<3200x64xf32>
    %mul3A_87 = arith.mulf %slice3A_2, %slice3A_2 : vector<3200x16xf32>
    %reduce_sum3A_88 = arith.constant dense<0.000000e+00> : vector<3200xf32>
    %reduce_sum3A_89 = vector.multi_reduction <add>, %mul3A_87, %reduce_sum3A_88 [1] : vector<3200x16xf32> to vector<3200xf32>
    %broadcast_in_dim3A_90 = vector.shape_cast %reduce_sum3A_89 : vector<3200xf32> to vector<3200x1xf32>
    %add3A_91 = arith.constant 9.99999996E-13 : f32
    %add3A_92 = vector.broadcast %add3A_91 : f32 to vector<3200x1xf32>
    %add3A_93 = arith.addf %broadcast_in_dim3A_90, %add3A_92 : vector<3200x1xf32>
    %sqrt3A_94 = math.sqrt %add3A_93 : vector<3200x1xf32>
    %iota3A = tpu.iota {dimensions = array<i32: 1>} : vector<3200x16xi32>
    %eq3A = arith.constant 3 : i32
    %eq3A_95 = vector.broadcast %eq3A : i32 to vector<3200x16xi32>
    %eq3A_96 = arith.cmpi eq, %iota3A, %eq3A_95 : vector<3200x16xi32>
    %broadcast_in_dim3A_97 = vector.shape_cast %sqrt3A_94 : vector<3200x1xf32> to vector<3200x1xf32>
    %broadcast_in_dim3A_98 = vector.broadcast %broadcast_in_dim3A_97 : vector<3200x1xf32> to vector<3200x16xf32>
    %select_n3A = arith.select %eq3A_96, %broadcast_in_dim3A_98, %slice3A_2 : vector<3200x16xi1>, vector<3200x16xf32>
    %dot_general3A_99 = arith.constant dense<0.000000e+00> : vector<3200x64xf32>
    %dot_general3A_100 = tpu.matmul %select_n3A, %slice3A_10, %dot_general3A_99 {dimension_numbers = #tpu.dot_dimension_numbers<[1], [0], [0], [1], [0, 0, 1, 1], [], []>, transpose_lhs_hint = false} : vector<3200x16xf32>, vector<16x64xf32>, vector<3200x64xf32> -> vector<3200x64xf32>
    %get3A_101 = arith.constant 0 : index
    %get3A_102 = arith.constant 0 : index
    %get3A_103 = vector.load %arg4[%get3A_101, %get3A_102] : memref<1x128xf32, #tpu.memory_space<vmem>>, vector<1x128xf32>
    %slice3A_104 = vector.extract_strided_slice %get3A_103 {offsets = [0, 64], sizes = [1, 64], strides = [1, 1]} : vector<1x128xf32> to vector<1x64xf32>
    %add3A_105 = vector.broadcast %slice3A_104 : vector<1x64xf32> to vector<3200x64xf32>
    %add3A_106 = arith.addf %dot_general3A_100, %add3A_105 : vector<3200x64xf32>
    %logistic3A_107 = arith.negf %add3A_106 : vector<3200x64xf32>
    %logistic3A_108 = math.exp %logistic3A_107 : vector<3200x64xf32>
    %logistic3A_109 = arith.constant 1.000000e+00 : f32
    %logistic3A_110 = vector.broadcast %logistic3A_109 : f32 to vector<3200x64xf32>
    %logistic3A_111 = arith.addf %logistic3A_110, %logistic3A_108 : vector<3200x64xf32>
    %logistic3A_112 = arith.divf %logistic3A_110, %logistic3A_111 : vector<3200x64xf32>
    %mul3A_113 = arith.mulf %add3A_106, %logistic3A_112 : vector<3200x64xf32>
    %get3A_114 = arith.constant 0 : index
    %get3A_115 = arith.constant 0 : index
    %get3A_116 = vector.load %arg5[%get3A_114, %get3A_115] : memref<128x128xf32, #tpu.memory_space<vmem>>, vector<128x128xf32>
    %slice3A_117 = vector.extract_strided_slice %get3A_116 {offsets = [64, 64], sizes = [64, 64], strides = [1, 1]} : vector<128x128xf32> to vector<64x64xf32>
    %dot_general3A_118 = arith.constant dense<0.000000e+00> : vector<3200x64xf32>
    %dot_general3A_119 = tpu.matmul %mul3A_113, %slice3A_117, %dot_general3A_118 {dimension_numbers = #tpu.dot_dimension_numbers<[1], [0], [0], [1], [0, 0, 1, 1], [], []>, transpose_lhs_hint = false} : vector<3200x64xf32>, vector<64x64xf32>, vector<3200x64xf32> -> vector<3200x64xf32>
    %get3A_120 = arith.constant 0 : index
    %get3A_121 = arith.constant 0 : index
    %get3A_122 = vector.load %arg6[%get3A_120, %get3A_121] : memref<1x128xf32, #tpu.memory_space<vmem>>, vector<1x128xf32>
    %slice3A_123 = vector.extract_strided_slice %get3A_122 {offsets = [0, 64], sizes = [1, 64], strides = [1, 1]} : vector<1x128xf32> to vector<1x64xf32>
    %add3A_124 = vector.broadcast %slice3A_123 : vector<1x64xf32> to vector<3200x64xf32>
    %add3A_125 = arith.addf %dot_general3A_119, %add3A_124 : vector<3200x64xf32>
    %logistic3A_126 = arith.negf %add3A_125 : vector<3200x64xf32>
    %logistic3A_127 = math.exp %logistic3A_126 : vector<3200x64xf32>
    %logistic3A_128 = arith.constant 1.000000e+00 : f32
    %logistic3A_129 = vector.broadcast %logistic3A_128 : f32 to vector<3200x64xf32>
    %logistic3A_130 = arith.addf %logistic3A_129, %logistic3A_127 : vector<3200x64xf32>
    %logistic3A_131 = arith.divf %logistic3A_129, %logistic3A_130 : vector<3200x64xf32>
    %mul3A_132 = arith.mulf %add3A_125, %logistic3A_131 : vector<3200x64xf32>
    %get3A_133 = arith.constant 0 : index
    %get3A_134 = arith.constant 0 : index
    %get3A_135 = vector.load %arg7[%get3A_133, %get3A_134] : memref<128x128xf32, #tpu.memory_space<vmem>>, vector<128x128xf32>
    %slice3A_136 = vector.extract_strided_slice %get3A_135 {offsets = [64, 64], sizes = [64, 64], strides = [1, 1]} : vector<128x128xf32> to vector<64x64xf32>
    %dot_general3A_137 = arith.constant dense<0.000000e+00> : vector<3200x64xf32>
    %dot_general3A_138 = tpu.matmul %mul3A_132, %slice3A_136, %dot_general3A_137 {dimension_numbers = #tpu.dot_dimension_numbers<[1], [0], [0], [1], [0, 0, 1, 1], [], []>, transpose_lhs_hint = false} : vector<3200x64xf32>, vector<64x64xf32>, vector<3200x64xf32> -> vector<3200x64xf32>
    %get3A_139 = arith.constant 0 : index
    %get3A_140 = arith.constant 0 : index
    %get3A_141 = vector.load %arg8[%get3A_139, %get3A_140] : memref<1x128xf32, #tpu.memory_space<vmem>>, vector<1x128xf32>
    %slice3A_142 = vector.extract_strided_slice %get3A_141 {offsets = [0, 64], sizes = [1, 64], strides = [1, 1]} : vector<1x128xf32> to vector<1x64xf32>
    %add3A_143 = vector.broadcast %slice3A_142 : vector<1x64xf32> to vector<3200x64xf32>
    %add3A_144 = arith.addf %dot_general3A_138, %add3A_143 : vector<3200x64xf32>
    %get3A_145 = arith.constant 0 : index
    %get3A_146 = arith.constant 0 : index
    %get3A_147 = vector.load %arg11[%get3A_145, %get3A_146] : memref<1x64xf32, #tpu.memory_space<vmem>>, vector<1x64xf32>
    %get3A_148 = arith.constant 0 : index
    %get3A_149 = arith.constant 0 : index
    %get3A_150 = vector.load %arg12[%get3A_148, %get3A_149] : memref<1x64xf32, #tpu.memory_space<vmem>>, vector<1x64xf32>
    %reduce_sum3A_151 = arith.constant dense<0.000000e+00> : vector<3200xf32>
    %reduce_sum3A_152 = vector.multi_reduction <add>, %add3A_144, %reduce_sum3A_151 [1] : vector<3200x64xf32> to vector<3200xf32>
    %broadcast_in_dim3A_153 = vector.shape_cast %reduce_sum3A_152 : vector<3200xf32> to vector<3200x1xf32>
    %div3A_154 = arith.constant 6.400000e+01 : f32
    %div3A_155 = vector.broadcast %div3A_154 : f32 to vector<3200x1xf32>
    %div3A_156 = arith.divf %broadcast_in_dim3A_153, %div3A_155 : vector<3200x1xf32>
    %sub3A_157 = vector.broadcast %div3A_156 : vector<3200x1xf32> to vector<3200x64xf32>
    %sub3A_158 = arith.subf %add3A_144, %sub3A_157 : vector<3200x64xf32>
    %sub3A_159 = vector.broadcast %div3A_156 : vector<3200x1xf32> to vector<3200x64xf32>
    %sub3A_160 = arith.subf %add3A_144, %sub3A_159 : vector<3200x64xf32>
    %mul3A_161 = arith.mulf %sub3A_158, %sub3A_160 : vector<3200x64xf32>
    %reduce_sum3A_162 = arith.constant dense<0.000000e+00> : vector<3200xf32>
    %reduce_sum3A_163 = vector.multi_reduction <add>, %mul3A_161, %reduce_sum3A_162 [1] : vector<3200x64xf32> to vector<3200xf32>
    %broadcast_in_dim3A_164 = vector.shape_cast %reduce_sum3A_163 : vector<3200xf32> to vector<3200x1xf32>
    %div3A_165 = arith.constant 6.400000e+01 : f32
    %div3A_166 = vector.broadcast %div3A_165 : f32 to vector<3200x1xf32>
    %div3A_167 = arith.divf %broadcast_in_dim3A_164, %div3A_166 : vector<3200x1xf32>
    %sub3A_168 = vector.broadcast %div3A_156 : vector<3200x1xf32> to vector<3200x64xf32>
    %sub3A_169 = arith.subf %add3A_144, %sub3A_168 : vector<3200x64xf32>
    %add3A_170 = arith.constant 9.99999974E-6 : f32
    %add3A_171 = vector.broadcast %add3A_170 : f32 to vector<3200x1xf32>
    %add3A_172 = arith.addf %div3A_167, %add3A_171 : vector<3200x1xf32>
    %sqrt3A_173 = math.sqrt %add3A_172 : vector<3200x1xf32>
    %div3A_174 = vector.broadcast %sqrt3A_173 : vector<3200x1xf32> to vector<3200x64xf32>
    %div3A_175 = arith.divf %sub3A_169, %div3A_174 : vector<3200x64xf32>
    %mul3A_176 = vector.broadcast %get3A_147 : vector<1x64xf32> to vector<3200x64xf32>
    %mul3A_177 = arith.mulf %div3A_175, %mul3A_176 : vector<3200x64xf32>
    %add3A_178 = vector.broadcast %get3A_150 : vector<1x64xf32> to vector<3200x64xf32>
    %add3A_179 = arith.addf %mul3A_177, %add3A_178 : vector<3200x64xf32>
    %get3A_180 = arith.constant 0 : index
    %get3A_181 = arith.constant 0 : index
    %get3A_182 = vector.load %arg13[%get3A_180, %get3A_181] : memref<128x64xf32, #tpu.memory_space<vmem>>, vector<128x64xf32>
    %slice3A_183 = vector.extract_strided_slice %get3A_182 {offsets = [0, 0], sizes = [64, 64], strides = [1, 1]} : vector<128x64xf32> to vector<64x64xf32>
    %dot_general3A_184 = arith.constant dense<0.000000e+00> : vector<3200x64xf32>
    %dot_general3A_185 = tpu.matmul %add3A_86, %slice3A_183, %dot_general3A_184 {dimension_numbers = #tpu.dot_dimension_numbers<[1], [0], [0], [1], [0, 0, 1, 1], [], []>, transpose_lhs_hint = false} : vector<3200x64xf32>, vector<64x64xf32>, vector<3200x64xf32> -> vector<3200x64xf32>
    %get3A_186 = arith.constant 0 : index
    %get3A_187 = arith.constant 0 : index
    %get3A_188 = vector.load %arg13[%get3A_186, %get3A_187] : memref<128x64xf32, #tpu.memory_space<vmem>>, vector<128x64xf32>
    %slice3A_189 = vector.extract_strided_slice %get3A_188 {offsets = [64, 0], sizes = [64, 64], strides = [1, 1]} : vector<128x64xf32> to vector<64x64xf32>
    %dot_general3A_190 = arith.constant dense<0.000000e+00> : vector<3200x64xf32>
    %dot_general3A_191 = tpu.matmul %add3A_179, %slice3A_189, %dot_general3A_190 {dimension_numbers = #tpu.dot_dimension_numbers<[1], [0], [0], [1], [0, 0, 1, 1], [], []>, transpose_lhs_hint = false} : vector<3200x64xf32>, vector<64x64xf32>, vector<3200x64xf32> -> vector<3200x64xf32>
    %add3A_192 = arith.addf %dot_general3A_185, %dot_general3A_191 : vector<3200x64xf32>
    %get3A_193 = arith.constant 0 : index
    %get3A_194 = arith.constant 0 : index
    %get3A_195 = vector.load %arg14[%get3A_193, %get3A_194] : memref<1x64xf32, #tpu.memory_space<vmem>>, vector<1x64xf32>
    %add3A_196 = vector.broadcast %get3A_195 : vector<1x64xf32> to vector<3200x64xf32>
    %add3A_197 = arith.addf %add3A_192, %add3A_196 : vector<3200x64xf32>
    %swap3A = arith.constant 0 : index
    %swap3A_198 = arith.constant 0 : index
    %swap3A_199 = vector.load %arg15[%swap3A, %swap3A_198] : memref<3200x64xf32, #tpu.memory_space<vmem>>, vector<3200x64xf32>
    tpu.vector_store %arg15[%swap3A, %swap3A_198], %add3A_197 {strides = array<i32>} : memref<3200x64xf32, #tpu.memory_space<vmem>>, vector<3200x64xf32>,
    return
  }
  func.func @transform_0(%arg0: i32) -> (i32, i32) {
    %c0_i32 = arith.constant 0 : i32
    %c0_i32_0 = arith.constant 0 : i32
    return %arg0, %c0_i32 : i32, i32
  }
  func.func @transform_1(%arg0: i32) -> (i32, i32) {
    %c0_i32 = arith.constant 0 : i32
    %c0_i32_0 = arith.constant 0 : i32
    return %arg0, %c0_i32 : i32, i32
  }
  func.func @transform_2(%arg0: i32) -> (i32, i32) {
    %c0_i32 = arith.constant 0 : i32
    %c0_i32_0 = arith.constant 0 : i32
    %c0_i32_1 = arith.constant 0 : i32
    return %c0_i32, %c0_i32_0 : i32, i32
  }
  func.func @transform_3(%arg0: i32) -> (i32, i32) {
    %c0_i32 = arith.constant 0 : i32
    %c0_i32_0 = arith.constant 0 : i32
    %c0_i32_1 = arith.constant 0 : i32
    return %c0_i32, %c0_i32_0 : i32, i32
  }
  func.func @transform_4(%arg0: i32) -> (i32, i32) {
    %c0_i32 = arith.constant 0 : i32
    %c0_i32_0 = arith.constant 0 : i32
    %c0_i32_1 = arith.constant 0 : i32
    return %c0_i32, %c0_i32_0 : i32, i32
  }
  func.func @transform_5(%arg0: i32) -> (i32, i32) {
    %c0_i32 = arith.constant 0 : i32
    %c0_i32_0 = arith.constant 0 : i32
    %c0_i32_1 = arith.constant 0 : i32
    return %c0_i32, %c0_i32_0 : i32, i32
  }
  func.func @transform_6(%arg0: i32) -> (i32, i32) {
    %c0_i32 = arith.constant 0 : i32
    %c0_i32_0 = arith.constant 0 : i32
    %c0_i32_1 = arith.constant 0 : i32
    return %c0_i32, %c0_i32_0 : i32, i32
  }
  func.func @transform_7(%arg0: i32) -> (i32, i32) {
    %c0_i32 = arith.constant 0 : i32
    %c0_i32_0 = arith.constant 0 : i32
    %c0_i32_1 = arith.constant 0 : i32
    return %c0_i32, %c0_i32_0 : i32, i32
  }
  func.func @transform_8(%arg0: i32) -> (i32, i32) {
    %c0_i32 = arith.constant 0 : i32
    %c0_i32_0 = arith.constant 0 : i32
    %c0_i32_1 = arith.constant 0 : i32
    return %c0_i32, %c0_i32_0 : i32, i32
  }
  func.func @transform_9(%arg0: i32) -> (i32, i32) {
    %c0_i32 = arith.constant 0 : i32
    %c0_i32_0 = arith.constant 0 : i32
    %c0_i32_1 = arith.constant 0 : i32
    return %c0_i32, %c0_i32_0 : i32, i32
  }
  func.func @transform_10(%arg0: i32) -> (i32, i32) {
    %c0_i32 = arith.constant 0 : i32
    %c0_i32_0 = arith.constant 0 : i32
    %c0_i32_1 = arith.constant 0 : i32
    return %c0_i32, %c0_i32_0 : i32, i32
  }
  func.func @transform_11(%arg0: i32) -> (i32, i32) {
    %c0_i32 = arith.constant 0 : i32
    %c0_i32_0 = arith.constant 0 : i32
    %c0_i32_1 = arith.constant 0 : i32
    return %c0_i32, %c0_i32_0 : i32, i32
  }
  func.func @transform_12(%arg0: i32) -> (i32, i32) {
    %c0_i32 = arith.constant 0 : i32
    %c0_i32_0 = arith.constant 0 : i32
    %c0_i32_1 = arith.constant 0 : i32
    return %c0_i32, %c0_i32_0 : i32, i32
  }
  func.func @transform_13(%arg0: i32) -> (i32, i32) {
    %c0_i32 = arith.constant 0 : i32
    %c0_i32_0 = arith.constant 0 : i32
    %c0_i32_1 = arith.constant 0 : i32
    return %c0_i32, %c0_i32_0 : i32, i32
  }
  func.func @transform_14(%arg0: i32) -> (i32, i32) {
    %c0_i32 = arith.constant 0 : i32
    %c0_i32_0 = arith.constant 0 : i32
    return %arg0, %c0_i32 : i32, i32
  }
}

module attributes {stable_mosaic.version = 14 : i64} {
  func.func @body(%arg0: i32, %arg1: memref<2000x3xf32, #tpu.memory_space<vmem>>, %arg2: memref<2x2000x128xf32, #tpu.memory_space<vmem>>, %arg3: memref<3x64xf32, #tpu.memory_space<vmem>>, %arg4: memref<64x64xf32, #tpu.memory_space<vmem>>, %arg5: memref<1x64xf32, #tpu.memory_space<vmem>>, %arg6: memref<64x64xf32, #tpu.memory_space<vmem>>, %arg7: memref<1x64xf32, #tpu.memory_space<vmem>>, %arg8: memref<64x3xf32, #tpu.memory_space<vmem>>, %arg9: memref<1x3xf32, #tpu.memory_space<vmem>>, %arg10: memref<1x3xf32, #tpu.memory_space<vmem>>, %arg11: memref<1x3xf32, #tpu.memory_space<vmem>>, %arg12: memref<2000x3xf32, #tpu.memory_space<vmem>>) attributes {dimension_semantics = [#tpu.dimension_semantics<arbitrary>], iteration_bounds = array<i64: 5>, scalar_prefetch = 0 : i64, scratch_operands = 0 : i64, tpu.core_type = #tpu.core_type<tc>, window_params = [{transform_indices = @transform_0, window_bounds = array<i64: 2000, 3>}, {transform_indices = @transform_1, window_bounds = array<i64: 2, 2000, 128>}, {pipeline_mode = #tpu.pipeline_mode<synchronous>, transform_indices = @transform_2, window_bounds = array<i64: 3, 64>}, {pipeline_mode = #tpu.pipeline_mode<synchronous>, transform_indices = @transform_3, window_bounds = array<i64: 64, 64>}, {pipeline_mode = #tpu.pipeline_mode<synchronous>, transform_indices = @transform_4, window_bounds = array<i64: 1, 64>}, {pipeline_mode = #tpu.pipeline_mode<synchronous>, transform_indices = @transform_5, window_bounds = array<i64: 64, 64>}, {pipeline_mode = #tpu.pipeline_mode<synchronous>, transform_indices = @transform_6, window_bounds = array<i64: 1, 64>}, {pipeline_mode = #tpu.pipeline_mode<synchronous>, transform_indices = @transform_7, window_bounds = array<i64: 64, 3>}, {pipeline_mode = #tpu.pipeline_mode<synchronous>, transform_indices = @transform_8, window_bounds = array<i64: 1, 3>}, {pipeline_mode = #tpu.pipeline_mode<synchronous>, transform_indices = @transform_9, window_bounds = array<i64: 1, 3>}, {pipeline_mode = #tpu.pipeline_mode<synchronous>, transform_indices = @transform_10, window_bounds = array<i64: 1, 3>}, {transform_indices = @transform_11, window_bounds = array<i64: 2000, 3>}]} {
    %get3A = arith.constant 0 : index
    %get3A_0 = arith.constant 0 : index
    %get3A_1 = arith.constant 0 : index
    %get3A_2 = vector.load %arg2[%get3A, %get3A_0, %get3A_1] : memref<2x2000x128xf32, #tpu.memory_space<vmem>>, vector<1x2000x128xf32>
    %get3A_3 = vector.shape_cast %get3A_2 : vector<1x2000x128xf32> to vector<2000x128xf32>
    %get3A_4 = arith.constant 1 : index
    %get3A_5 = arith.constant 0 : index
    %get3A_6 = arith.constant 0 : index
    %get3A_7 = vector.load %arg2[%get3A_4, %get3A_5, %get3A_6] : memref<2x2000x128xf32, #tpu.memory_space<vmem>>, vector<1x2000x128xf32>
    %get3A_8 = vector.shape_cast %get3A_7 : vector<1x2000x128xf32> to vector<2000x128xf32>
    %add3A = arith.addf %get3A_3, %get3A_8 : vector<2000x128xf32>
    %slice3A = vector.extract_strided_slice %add3A {offsets = [0, 0], sizes = [2000, 64], strides = [1, 1]} : vector<2000x128xf32> to vector<2000x64xf32>
    %get3A_9 = arith.constant 0 : index
    %get3A_10 = arith.constant 0 : index
    %get3A_11 = vector.load %arg1[%get3A_9, %get3A_10] : memref<2000x3xf32, #tpu.memory_space<vmem>>, vector<2000x3xf32>
    %get3A_12 = arith.constant 0 : index
    %get3A_13 = arith.constant 0 : index
    %get3A_14 = vector.load %arg3[%get3A_12, %get3A_13] : memref<3x64xf32, #tpu.memory_space<vmem>>, vector<3x64xf32>
    %dot_general3A = arith.constant dense<0.000000e+00> : vector<2000x64xf32>
    %dot_general3A_15 = tpu.matmul %get3A_11, %get3A_14, %dot_general3A {dimension_numbers = #tpu.dot_dimension_numbers<[1], [0], [0], [1], [0, 0, 1, 1], [], []>, transpose_lhs_hint = false} : vector<2000x3xf32>, vector<3x64xf32>, vector<2000x64xf32> -> vector<2000x64xf32>
    %get3A_16 = arith.constant 0 : index
    %get3A_17 = arith.constant 0 : index
    %get3A_18 = vector.load %arg4[%get3A_16, %get3A_17] : memref<64x64xf32, #tpu.memory_space<vmem>>, vector<64x64xf32>
    %dot_general3A_19 = arith.constant dense<0.000000e+00> : vector<2000x64xf32>
    %dot_general3A_20 = tpu.matmul %slice3A, %get3A_18, %dot_general3A_19 {dimension_numbers = #tpu.dot_dimension_numbers<[1], [0], [0], [1], [0, 0, 1, 1], [], []>, transpose_lhs_hint = false} : vector<2000x64xf32>, vector<64x64xf32>, vector<2000x64xf32> -> vector<2000x64xf32>
    %add3A_21 = arith.addf %dot_general3A_15, %dot_general3A_20 : vector<2000x64xf32>
    %get3A_22 = arith.constant 0 : index
    %get3A_23 = arith.constant 0 : index
    %get3A_24 = vector.load %arg5[%get3A_22, %get3A_23] : memref<1x64xf32, #tpu.memory_space<vmem>>, vector<1x64xf32>
    %add3A_25 = vector.broadcast %get3A_24 : vector<1x64xf32> to vector<2000x64xf32>
    %add3A_26 = arith.addf %add3A_21, %add3A_25 : vector<2000x64xf32>
    %logistic3A = arith.negf %add3A_26 : vector<2000x64xf32>
    %logistic3A_27 = math.exp %logistic3A : vector<2000x64xf32>
    %logistic3A_28 = arith.constant 1.000000e+00 : f32
    %logistic3A_29 = vector.broadcast %logistic3A_28 : f32 to vector<2000x64xf32>
    %logistic3A_30 = arith.addf %logistic3A_29, %logistic3A_27 : vector<2000x64xf32>
    %logistic3A_31 = arith.divf %logistic3A_29, %logistic3A_30 : vector<2000x64xf32>
    %mul3A = arith.mulf %add3A_26, %logistic3A_31 : vector<2000x64xf32>
    %get3A_32 = arith.constant 0 : index
    %get3A_33 = arith.constant 0 : index
    %get3A_34 = vector.load %arg6[%get3A_32, %get3A_33] : memref<64x64xf32, #tpu.memory_space<vmem>>, vector<64x64xf32>
    %dot_general3A_35 = arith.constant dense<0.000000e+00> : vector<2000x64xf32>
    %dot_general3A_36 = tpu.matmul %mul3A, %get3A_34, %dot_general3A_35 {dimension_numbers = #tpu.dot_dimension_numbers<[1], [0], [0], [1], [0, 0, 1, 1], [], []>, transpose_lhs_hint = false} : vector<2000x64xf32>, vector<64x64xf32>, vector<2000x64xf32> -> vector<2000x64xf32>
    %get3A_37 = arith.constant 0 : index
    %get3A_38 = arith.constant 0 : index
    %get3A_39 = vector.load %arg7[%get3A_37, %get3A_38] : memref<1x64xf32, #tpu.memory_space<vmem>>, vector<1x64xf32>
    %add3A_40 = vector.broadcast %get3A_39 : vector<1x64xf32> to vector<2000x64xf32>
    %add3A_41 = arith.addf %dot_general3A_36, %add3A_40 : vector<2000x64xf32>
    %logistic3A_42 = arith.negf %add3A_41 : vector<2000x64xf32>
    %logistic3A_43 = math.exp %logistic3A_42 : vector<2000x64xf32>
    %logistic3A_44 = arith.constant 1.000000e+00 : f32
    %logistic3A_45 = vector.broadcast %logistic3A_44 : f32 to vector<2000x64xf32>
    %logistic3A_46 = arith.addf %logistic3A_45, %logistic3A_43 : vector<2000x64xf32>
    %logistic3A_47 = arith.divf %logistic3A_45, %logistic3A_46 : vector<2000x64xf32>
    %mul3A_48 = arith.mulf %add3A_41, %logistic3A_47 : vector<2000x64xf32>
    %get3A_49 = arith.constant 0 : index
    %get3A_50 = arith.constant 0 : index
    %get3A_51 = vector.load %arg8[%get3A_49, %get3A_50] : memref<64x3xf32, #tpu.memory_space<vmem>>, vector<64x3xf32>
    %dot_general3A_52 = arith.constant dense<0.000000e+00> : vector<2000x3xf32>
    %dot_general3A_53 = tpu.matmul %mul3A_48, %get3A_51, %dot_general3A_52 {dimension_numbers = #tpu.dot_dimension_numbers<[1], [0], [0], [1], [0, 0, 1, 1], [], []>, transpose_lhs_hint = false} : vector<2000x64xf32>, vector<64x3xf32>, vector<2000x3xf32> -> vector<2000x3xf32>
    %get3A_54 = arith.constant 0 : index
    %get3A_55 = arith.constant 0 : index
    %get3A_56 = vector.load %arg9[%get3A_54, %get3A_55] : memref<1x3xf32, #tpu.memory_space<vmem>>, vector<1x3xf32>
    %add3A_57 = vector.broadcast %get3A_56 : vector<1x3xf32> to vector<2000x3xf32>
    %add3A_58 = arith.addf %dot_general3A_53, %add3A_57 : vector<2000x3xf32>
    %get3A_59 = arith.constant 0 : index
    %get3A_60 = arith.constant 0 : index
    %get3A_61 = vector.load %arg10[%get3A_59, %get3A_60] : memref<1x3xf32, #tpu.memory_space<vmem>>, vector<1x3xf32>
    %get3A_62 = arith.constant 0 : index
    %get3A_63 = arith.constant 0 : index
    %get3A_64 = vector.load %arg11[%get3A_62, %get3A_63] : memref<1x3xf32, #tpu.memory_space<vmem>>, vector<1x3xf32>
    %reduce_sum3A = arith.constant dense<0.000000e+00> : vector<2000xf32>
    %reduce_sum3A_65 = vector.multi_reduction <add>, %add3A_58, %reduce_sum3A [1] : vector<2000x3xf32> to vector<2000xf32>
    %broadcast_in_dim3A = vector.shape_cast %reduce_sum3A_65 : vector<2000xf32> to vector<2000x1xf32>
    %div3A = arith.constant 3.000000e+00 : f32
    %div3A_66 = vector.broadcast %div3A : f32 to vector<2000x1xf32>
    %div3A_67 = arith.divf %broadcast_in_dim3A, %div3A_66 : vector<2000x1xf32>
    %sub3A = vector.broadcast %div3A_67 : vector<2000x1xf32> to vector<2000x3xf32>
    %sub3A_68 = arith.subf %add3A_58, %sub3A : vector<2000x3xf32>
    %sub3A_69 = vector.broadcast %div3A_67 : vector<2000x1xf32> to vector<2000x3xf32>
    %sub3A_70 = arith.subf %add3A_58, %sub3A_69 : vector<2000x3xf32>
    %mul3A_71 = arith.mulf %sub3A_68, %sub3A_70 : vector<2000x3xf32>
    %reduce_sum3A_72 = arith.constant dense<0.000000e+00> : vector<2000xf32>
    %reduce_sum3A_73 = vector.multi_reduction <add>, %mul3A_71, %reduce_sum3A_72 [1] : vector<2000x3xf32> to vector<2000xf32>
    %broadcast_in_dim3A_74 = vector.shape_cast %reduce_sum3A_73 : vector<2000xf32> to vector<2000x1xf32>
    %div3A_75 = arith.constant 3.000000e+00 : f32
    %div3A_76 = vector.broadcast %div3A_75 : f32 to vector<2000x1xf32>
    %div3A_77 = arith.divf %broadcast_in_dim3A_74, %div3A_76 : vector<2000x1xf32>
    %sub3A_78 = vector.broadcast %div3A_67 : vector<2000x1xf32> to vector<2000x3xf32>
    %sub3A_79 = arith.subf %add3A_58, %sub3A_78 : vector<2000x3xf32>
    %add3A_80 = arith.constant 9.99999974E-6 : f32
    %add3A_81 = vector.broadcast %add3A_80 : f32 to vector<2000x1xf32>
    %add3A_82 = arith.addf %div3A_77, %add3A_81 : vector<2000x1xf32>
    %sqrt3A = math.sqrt %add3A_82 : vector<2000x1xf32>
    %div3A_83 = vector.broadcast %sqrt3A : vector<2000x1xf32> to vector<2000x3xf32>
    %div3A_84 = arith.divf %sub3A_79, %div3A_83 : vector<2000x3xf32>
    %mul3A_85 = vector.broadcast %get3A_61 : vector<1x3xf32> to vector<2000x3xf32>
    %mul3A_86 = arith.mulf %div3A_84, %mul3A_85 : vector<2000x3xf32>
    %add3A_87 = vector.broadcast %get3A_64 : vector<1x3xf32> to vector<2000x3xf32>
    %add3A_88 = arith.addf %mul3A_86, %add3A_87 : vector<2000x3xf32>
    %add3A_89 = arith.addf %add3A_88, %get3A_11 : vector<2000x3xf32>
    %swap3A = arith.constant 0 : index
    %swap3A_90 = arith.constant 0 : index
    %swap3A_91 = vector.load %arg12[%swap3A, %swap3A_90] : memref<2000x3xf32, #tpu.memory_space<vmem>>, vector<2000x3xf32>
    tpu.vector_store %arg12[%swap3A, %swap3A_90], %add3A_89 {strides = array<i32>} : memref<2000x3xf32, #tpu.memory_space<vmem>>, vector<2000x3xf32>,
    return
  }
  func.func @transform_0(%arg0: i32) -> (i32, i32) {
    %c0_i32 = arith.constant 0 : i32
    %c0_i32_0 = arith.constant 0 : i32
    return %arg0, %c0_i32 : i32, i32
  }
  func.func @transform_1(%arg0: i32) -> (i32, i32, i32) {
    %c0_i32 = arith.constant 0 : i32
    %c0_i32_0 = arith.constant 0 : i32
    %c0_i32_1 = arith.constant 0 : i32
    return %c0_i32, %arg0, %c0_i32_0 : i32, i32, i32
  }
  func.func @transform_2(%arg0: i32) -> (i32, i32) {
    %c0_i32 = arith.constant 0 : i32
    %c0_i32_0 = arith.constant 0 : i32
    %c0_i32_1 = arith.constant 0 : i32
    return %c0_i32, %c0_i32_0 : i32, i32
  }
  func.func @transform_3(%arg0: i32) -> (i32, i32) {
    %c0_i32 = arith.constant 0 : i32
    %c0_i32_0 = arith.constant 0 : i32
    %c0_i32_1 = arith.constant 0 : i32
    return %c0_i32, %c0_i32_0 : i32, i32
  }
  func.func @transform_4(%arg0: i32) -> (i32, i32) {
    %c0_i32 = arith.constant 0 : i32
    %c0_i32_0 = arith.constant 0 : i32
    %c0_i32_1 = arith.constant 0 : i32
    return %c0_i32, %c0_i32_0 : i32, i32
  }
  func.func @transform_5(%arg0: i32) -> (i32, i32) {
    %c0_i32 = arith.constant 0 : i32
    %c0_i32_0 = arith.constant 0 : i32
    %c0_i32_1 = arith.constant 0 : i32
    return %c0_i32, %c0_i32_0 : i32, i32
  }
  func.func @transform_6(%arg0: i32) -> (i32, i32) {
    %c0_i32 = arith.constant 0 : i32
    %c0_i32_0 = arith.constant 0 : i32
    %c0_i32_1 = arith.constant 0 : i32
    return %c0_i32, %c0_i32_0 : i32, i32
  }
  func.func @transform_7(%arg0: i32) -> (i32, i32) {
    %c0_i32 = arith.constant 0 : i32
    %c0_i32_0 = arith.constant 0 : i32
    %c0_i32_1 = arith.constant 0 : i32
    return %c0_i32, %c0_i32_0 : i32, i32
  }
  func.func @transform_8(%arg0: i32) -> (i32, i32) {
    %c0_i32 = arith.constant 0 : i32
    %c0_i32_0 = arith.constant 0 : i32
    %c0_i32_1 = arith.constant 0 : i32
    return %c0_i32, %c0_i32_0 : i32, i32
  }
  func.func @transform_9(%arg0: i32) -> (i32, i32) {
    %c0_i32 = arith.constant 0 : i32
    %c0_i32_0 = arith.constant 0 : i32
    %c0_i32_1 = arith.constant 0 : i32
    return %c0_i32, %c0_i32_0 : i32, i32
  }
  func.func @transform_10(%arg0: i32) -> (i32, i32) {
    %c0_i32 = arith.constant 0 : i32
    %c0_i32_0 = arith.constant 0 : i32
    %c0_i32_1 = arith.constant 0 : i32
    return %c0_i32, %c0_i32_0 : i32, i32
  }
  func.func @transform_11(%arg0: i32) -> (i32, i32) {
    %c0_i32 = arith.constant 0 : i32
    %c0_i32_0 = arith.constant 0 : i32
    return %arg0, %c0_i32 : i32, i32
  }
}

</mosaic_0001>

<sc_bundles>
// kernel: kernel.11.cloned.1.call-start
scs
__scs_entry_jumppad:
0x0: {  	(pc) =	sbr.rel $0x88, $3  }
0x1: {  	(tag) =	ssettag $0x0;
	lr =	simm.s32 $0x1  }
0x2: {  	[smem:$0x3F7B] =	sst lr;
	_ =	strace $0xD0000000  }
0x3: {  	_ = 	snop  }
0x4: {  	_ = 	snop  }
0x5: {  	_ = 	snop  }
0x6: {  	_ = 	snop  }
0x7: {  	_ = 	snop  }
__scs_overlays_trampoline_lowered:
0x8: {  	[smem:$0x3F8A] =	sst s0  }
0x9: {  	[smem:$0x3F8B] =	sst s1  }
0xa: {  	[smem:$0x3F8C] =	sst s2  }
0xb: {  	[smem:$0x3F8D] =	sst s3  }
0xc: {  	[smem:$0x3F8E] =	sst s4  }
0xd: {  	[smem:$0x3F8F] =	sst s5  }
0xe: {  	[smem:$0x3F90] =	sst s6  }
0xf: {  	[smem:$0x3F91] =	sst s7  }
0x10: {  	[smem:$0x3F92] =	sst s8  }
0x11: {  	[smem:$0x3F93] =	sst s9;
	s0 =	simm.s32 @!p0 $0x0  }
0x12: {  	s1 =	sld [smem:$0x3F79];
	s0 =	simm.s32 @p0 $0x1  }
0x13: {  	[smem:$0x3F94] =	sst s0;
	s0 =	simm.s32 @!p1 $0x0  }
0x14: {  	s2 =	sld [smem:$0x3F78];
	s0 =	simm.s32 @p1 $0x1  }
0x15: {  	[smem:$0x3F95] =	sst s0;
	s0 =	simm.s32 @!p2 $0x0  }
0x16: {  	s3 =	sld [smem:$0x3FDB];
	s0 =	simm.s32 @p2 $0x1  }
0x17: {  	s4 =	simm.s32 $0x1BF5;
	[smem:$0x3F97] =	sst s0  }
0x18: {  	s0 =	sld [smem:$0x3F7A];
	_ =	swait.ge [sflag:s4], $0x0  }
0x19: {  	s7 =	sld [smem:$0x3F7B]  }
0x1a: {  	s8 =	sadd.s32 $0xFFFFE003, lr  }
0x1b: {  	s9 =	sadd.s32 $0xFFFFFEF7, lr;
	s5 =	simm.s32 $0xFFFFFFFF;
	p2 =	slt.u32 s8, $0xFFFFF086  }
0x1c: {  	p1 =	slt.u32 s9, $0xF7A;
	s5 =	simm.s32 @!p2 $0x0  }
0x1d: {  	s5 =	simm.s32 @p1 $0x1;
	p0 =	seq.s32 s7, s2  }
0x1e: {  	s7 =	smul.u32 @!p0 $0xF7A, s2;
	p2 =	seq.s32 @!p0 s5, $0x0  }
0x1f: {  	s9 =	smul.u32 $0xF7A, s1;
	s8 =	simm.s32 @!p0 $0x1BF5;
	p2 =	por !p2, p0  }
0x20: {  	[sflag:s8] =	ssyncset.s32 @!p0 $0xFFFFF086;
	s6 =	sadd.s32 @!p0 s3, s7;
	s7 =	simm.s32 @!p0 $0x108  }
0x21: {  	s3 =	sadd.s32 s3, s9;
	s6 =	sadd.s32 @!p0 $0x88, s6;
	s7 =	simm.s32 @p2 $0x1082  }
0x22: {  	[simem:s7], [sflag:s8] =	dma.local @!p0 [hbm:s6], $0xF7A  }
0x23: {  	s9 =	sor.u32 $0xD0000000, s2;
	s6 =	simm.s32 $0x108;
	_ =	swait.ge @!p0 [sflag:s8], $0x0  }
0x24: {  	s3 =	sadd.s32 $0x88, s3;
	s6 =	simm.s32 @!p1 $0x1082;
	[sflag:s4] =	ssyncset.s32 $0xFFFFF086  }
0x25: {  	[simem:s6], [sflag:s4] =	dma.local [hbm:s3], $0xF7A  }
0x26: {  	[smem:$0x3F7B] =	sst s1;
	(tag) =	ssettag s2;
	_ =	strace s9  }
0x27: {  	s1 =	sld [smem:$0x3F8B]  }
0x28: {  	s2 =	sld [smem:$0x3F8C]  }
0x29: {  	s4 =	sld [smem:$0x3F8E]  }
0x2a: {  	p0 =	seq.s32 s5, $0x0;
	s5 =	sld [smem:$0x3F8F]  }
0x2b: {  	s6 =	sld [smem:$0x3F90]  }
0x2c: {  	s7 =	sld [smem:$0x3F91]  }
0x2d: {  	s3 =	simm.s32 $0x108;
	s8 =	sld [smem:$0x3F92]  }
0x2e: {  	s3 =	simm.s32 @!p0 $0x1082;
	s9 =	sld [smem:$0x3F93]  }
0x2f: {  	lr =	sadd.s32 s0, s3;
	s0 =	sld [smem:$0x3F8A]  }
0x30: {  	s3 =	sld [smem:$0x3F8D]  }
0x31: {  	[smem:$0x3F96] =	sst s10  }
0x32: {  	s10 =	sld [smem:$0x3F94];
	_ =	sdelay $0x3  }
0x33: {  	p0 =	seq.s32 s10, $0x1;
	s10 =	sld [smem:$0x3F96];
	_ =	sdelay $0x3  }
0x34: {  	[smem:$0x3F96] =	sst s10  }
0x35: {  	s10 =	sld [smem:$0x3F95];
	_ =	sdelay $0x3  }
0x36: {  	p1 =	seq.s32 s10, $0x1;
	s10 =	sld [smem:$0x3F96];
	_ =	sdelay $0x3  }
0x37: {  	[smem:$0x3F96] =	sst s10  }
0x38: {  	s10 =	sld [smem:$0x3F97]  }
0x39: {  	_ = 	snop;
	(pc) =	sbr.ind lr, $3  }
0x3a: {  	_ = 	snop  }
0x3b: {  	_ = 	snop  }
0x3c: {  	p2 =	seq.s32 s10, $0x1;
	s10 =	sld [smem:$0x3F96]  }
0x3d: {  	_ =	shalt  }
0x3e: {  	_ =	shalt  }
0x3f: {  	_ =	shalt  }
0x40: {  	_ =	shalt  }
0x41: {  	_ =	shalt  }
0x42: {  	_ =	shalt  }
0x43: {  	_ =	shalt  }
0x44: {  	_ =	shalt  }
0x45: {  	_ =	shalt  }
0x46: {  	_ =	shalt  }
0x47: {  	_ =	shalt  }
0x48: {  	_ =	shalt  }
0x49: {  	_ =	shalt  }
0x4a: {  	_ =	shalt  }
0x4b: {  	_ =	shalt  }
0x4c: {  	_ =	shalt  }
0x4d: {  	_ =	shalt  }
0x4e: {  	_ =	shalt  }
0x4f: {  	_ =	shalt  }
0x50: {  	_ =	shalt  }
0x51: {  	_ =	shalt  }
0x52: {  	_ =	shalt  }
0x53: {  	_ =	shalt  }
0x54: {  	_ =	shalt  }
0x55: {  	_ =	shalt  }
0x56: {  	_ =	shalt  }
0x57: {  	_ =	shalt  }
0x58: {  	_ =	shalt  }
0x59: {  	_ =	shalt  }
0x5a: {  	_ =	shalt  }
0x5b: {  	_ =	shalt  }
0x5c: {  	_ =	shalt  }
0x5d: {  	_ =	shalt  }
0x5e: {  	_ =	shalt  }
0x5f: {  	_ =	shalt  }
0x60: {  	_ =	shalt  }
0x61: {  	_ =	shalt  }
0x62: {  	_ =	shalt  }
0x63: {  	_ =	shalt  }
0x64: {  	_ =	shalt  }
0x65: {  	_ =	shalt  }
0x66: {  	_ =	shalt  }
0x67: {  	_ =	shalt  }
0x68: {  	_ =	shalt  }
0x69: {  	_ =	shalt  }
0x6a: {  	_ =	shalt  }
0x6b: {  	_ =	shalt  }
0x6c: {  	_ =	shalt  }
0x6d: {  	_ =	shalt  }
0x6e: {  	_ =	shalt  }
0x6f: {  	_ =	shalt  }
0x70: {  	_ =	shalt  }
0x71: {  	_ =	shalt  }
0x72: {  	_ =	shalt  }
0x73: {  	_ =	shalt  }
0x74: {  	_ =	shalt  }
0x75: {  	_ =	shalt  }
0x76: {  	_ =	shalt  }
0x77: {  	_ =	shalt  }
0x78: {  	_ =	shalt  }
0x79: {  	_ =	shalt  }
0x7a: {  	_ =	shalt  }
0x7b: {  	_ =	shalt  }
0x7c: {  	_ =	shalt  }
0x7d: {  	_ =	shalt  }
0x7e: {  	_ =	shalt  }
0x7f: {  	_ =	shalt  }
0x80: {  	_ =	shalt  }
0x81: {  	_ =	shalt  }
0x82: {  	_ =	shalt  }
0x83: {  	_ =	shalt  }
0x84: {  	_ =	shalt  }
0x85: {  	_ =	shalt  }
0x86: {  	_ =	shalt  }
0x87: {  	_ =	shalt  }
.Lfunc_end0:
.L_simem_size_0:
called_computation.1_lowered:
.L_overlay_start_0:
0x88: {  	s2 =	sld [smem:$0x3FD9]  }
0x89: {  	s3 =	sld [smem:$0x3FFE];
	_ =	sdelay $0x1  }
0x8a: {  	s1 =	srdreg.scid  }
0x8b: {  	s0 =	sand.u32 $0x1, s1  }
0x8c: {  	s14 =	sshll.u32 s0, $0xA;
	s2 =	sadd.s32 s3, s2  }
0x8d: {  	s2 =	sadd.s32 s2, s14  }
0x8e: {  	[smem:$0x3FA2] =	sst s2  }
0x8f: {  	_ = 	snop  }
0x90: {  	s2 =	sld [smem:$0x3FD0];
	_ =	sdelay $0x2  }
0x91: {  	s15 =	simm.s32 $0xA;
	s4 =	simm.s32 $0x10  }
0x92: {  	[smem:s4], [sflag:s15] =	dma.local [hbm:s2], $0x1  }
0x93: {  	_ =	swait.eq [sflag:s15], $0x1  }
0x94: {  	[sflag:s15] =	ssyncset.done $0x0  }
0x95: {  	[sflag:s15] =	ssyncadd.s32 $0xFFFFFFFF  }
0x96: {  	s16 =	sld [smem:$0x10];
	(tm) =	ssettm $0x1  }
0x97: {  	s17 =	sld [smem:$0x3FFB];
	_ =	sdelay $0x3  }
0x98: {  	_ =	strace s17  }
0x99: {  	s3 =	sld [smem:$0x3FFC];
	_ =	sdelay $0x3  }
0x9a: {  	_ =	strace s3  }
0x9b: {  	s3 =	sld [smem:$0x3FFD];
	_ =	sdelay $0x3  }
0x9c: {  	_ =	strace s3  }
0x9d: {  	_ =	strace $0x8FFFFFFF  }
0x9e: {  	s18 =	sld [smem:$0x3FDB];
	_ =	sdelay $0x1  }
0x9f: {  	s19 =	simm.s32 $_scs_section_size  }
0xa0: {  	s5 =	simm.s32 $_size__tile_overlayer_lowered;
	s6 =	simm.s32 $_tile_overlayer_lowered  }
0xa1: {  	s22 =	simm.s32 $0x1BFF;
	s21 =	sshll.u32 s6, $0x1;
	s3 =	sadd.s32 s19, s18  }
0xa2: {  	s7 =	simm.s32 $0x0;
	s20 =	sshll.u32 s5, $0x1;
	s5 =	sadd.s32 s21, s3  }
0xa3: {  	[timem:s7], [sflag:s22] =	dma.local [hbm:s5], s20  }
0xa4: {  	_ =	swait.ge [sflag:s22], s20  }
0xa5: {  	s4 =	ssub.s32 $0x0, s20;
	[sflag:s22] =	ssyncset.done $0x0  }
0xa6: {  	[sflag:s22] =	ssyncadd.s32 s4;
	_ =	sdelay $0x1  }
0xa7: {  	s23 =	simm.s32 $0x1B8B  }
0xa8: {  	_ =	swait.ge [sflag:s23], $0x1  }
0xa9: {  	[sflag:s23] =	ssyncset.done $0x0  }
0xaa: {  	s25 =	simm.s32 $0x1B8E;
	s24 =	sld [smem:$0x3FFE];
	[sflag:s23] =	ssyncadd.s32 $0xFFFFFFFF  }
0xab: {  	s26 =	simm.s32 $execute0_lowered;
	[smem:$0x3FD2] =	sst s25  }
0xac: {  	s5 =	sshll.u32 s26, $0x1;
	_ =	strace $0x80000049;
	[dreg:$0x1] =	wrdreg $0xFFFFFFFF  }
0xad: {  	s28 =	simm.s32 $_size_execute0_lowered;
	s3 =	sadd.s32 s3, s5;
	[dreg:$0x0] =	wrdreg $0x0  }
0xae: {  	s5 =	sshll.u32 s28, $0x1;
	[dreg:$0x2] =	wrdreg s3  }
0xaf: {  	[dreg:$0x3] =	wrdreg s5  }
0xb0: {  	[dreg:$0x4] =	wrdreg $0xC0  }
0xb1: {  	_ =	task [dreg:s7], $0x5FFFF  }
0xb2: {  	[dreg:$0x1] =	wrdreg $0xFFFFFFFF  }
0xb3: {  	[dreg:$0x0] =	wrdreg $0x60  }
0xb4: {  	[dreg:$0x2] =	wrdreg s16  }
0xb5: {  	[dreg:$0x3] =	wrdreg s24  }
0xb6: {  	[dreg:$0x4] =	wrdreg $0x9  }
0xb7: {  	_ =	task.clear_ibuf [dreg:s7], $0x5FFFF;
	_ =	strace $0x90000049  }
0xb8: {  	s29 =	simm.s32 $0x9;
	_ =	strace $0x8000004B  }
0xb9: {  	_ =	swait.ge [sflag:s29], $0x1  }
0xba: {  	[sflag:s29] =	ssyncadd.s32 $0xFFFFFFFF  }
0xbb: {  	_ =	strace $0x9000004B  }
0xbc: {  	_ =	sfence  }
0xbd: {  	s30 =	sld [smem:$0x0];
	_ =	sdelay $0x2  }
0xbe: {  	s31 =	sshll.u32 s1, $0xD;
	s1 =	sshrl.u32 s1, $0x2  }
0xbf: {  	s3 =	sand.u32 $0x4000, s31;
	s1 =	sadd.s32 s1, s30  }
0xc0: {  	s0 =	sor.u32 s3, s0;
	s1 =	sshll.u32 s1, $0x11  }
0xc1: {  	s0 =	sor.u32 s1, s0  }
0xc2: {  	s0 =	sadd.s32 $0x8F2B, s0  }
0xc3: {  	[sflag:s0] =	ssyncadd.remote.s32 $0x1  }
0xc4: {  	_ =	sfence.sel $0xFFFF  }
0xc5: {  	[dreg:$0x0] =	wrdreg $0xFFFFFFFF;
	(pc) =	sbr.abs _section_cstart, $3  }
0xc6: {  	[dreg:$0x1] =	wrdreg $0xFFFFFFFF  }
0xc7: {  	_ =	task.clear_ibuf [dreg:s7], $0x2FFFF;
	_ =	strace $0x9FFFFFFF  }
0xc8: {  	(tm) =	ssettm $0x7FFFFFFF  }
0xc9: {  	_ =	shalt  }
tec
execute0_lowered:
.L_overlay_start_1:
0x0: {  	(tag) =	ssettag $0x1  }
0x1: {  	s1 =	rddreg [dreg:$0x0]  }
0x2: {  	s8 =	rddreg [dreg:$0x1];
	s3 =	simm.s32 $0x0;
	s5 =	srdreg.scid  }
0x3: {  	s0 =	stileid.u32;
	s13 =	simm.s32 $0x5;
	s14 =	simm.s32 $0x100  }
0x4: {  	s15 =	simm.s32 $0x80;
	s16 =	simm.s32 $0x200;
	s18 =	simm.s32 $0x1  }
0x5: {  	s19 =	simm.s32 $0x3;
	s20 =	simm.s32 $0x6;
	s21 =	simm.s32 $0x2  }
0x6: {  	s22 =	simm.s32 $0x4;
	s23 =	simm.s32 $0x4200;
	s24 =	simm.s32 $0x0  }
0x7: {  	[smem:$0x7FF] =	sst s3;
	s4 =	sadd.s32 $0x54A600, s8;
	s6 =	sand.u32 $0x1, s5  }
.Ltmp0:
0x8: {  	s7 =	sshll.u32 s0, $0x1;
	s5 =	sadd.s32 $0x6000, s8;
	(pc) =	sbr.rel .LBB2_1-.Ltmp0, $4  }
0x9: {  	_ =	strace $0x8000004A;
	s9 =	ssub.s32 $0x2, s6;
	s6 =	sor.u32 s6, s7  }
0xa: {  	s7 =	sadd.s32 $0xFE00, s8;
	s10 =	sshrl.u32 s9, $0x1;
	s11 =	sshll.u32 s6, $0x4  }
0xb: {  	s8 =	sadd.s32 $0x571800, s8;
	s12 =	ssub.s32 s9, s10;
	s9 =	sadd.s32 s5, s11  }
0xc: {  	s10 =	sadd.s32 s7, s11;
	s11 =	sor.u32 $0x40, s6;
	s12 =	smax.u32 s12, $0x1  }
.LBB2_11:
0xd: {  	s24 =	sadd.s32 $0x1, s24  }
0xe: {  	p0 =	sne.s32 s24, s12  }
.Ltmp1:
0xf: {  	_ = 	snop;
	(pc) =	sbr.rel @!p0 .LBB2_12-.Ltmp1, $1  }
0x10: {  	_ =	sdelay $0x3  }
.LBB2_1:
0x11: {  	[tilespmem:s3], [sflag:$0x5] =	stream.linear.gather [hbm4b:s9+s3], $0x80, $0x38;
	[tilespmem:$0x10200] =	vst v63  }
0x12: {  	_ =	swait.ge [sflag:s13], $0x80  }
0x13: {  	[sflag:s13] =	ssyncset.done $0x0  }
0x14: {  	[sflag:s13] =	ssyncadd.s32 $0xFFFFFF80  }
0x15: {  	[tilespmem:s14], [sflag:$0x5] =	stream.linear.gather [hbm4b:s10+s3], $0x80, $0x38;
	[tilespmem:$0x10200] =	vst v63  }
0x16: {  	_ =	swait.ge [sflag:s13], $0x80  }
.Ltmp2:
0x17: {  	[sflag:s13] =	ssyncset.done $0x0;
	(pc) =	sbr.rel .LBB2_2-.Ltmp2, $4  }
0x18: {  	[sflag:s13] =	ssyncadd.s32 $0xFFFFFF80  }
0x19: {  	[tilespmem:s16], [sflag:$0x1] =	stream.indirect.gather [hbm4b:s1+s15], $0x80, s3, s15, $0xb8;
	[tilespmem:$0x10200] =	vst v63  }
0x1a: {  	s0 =	simm.s32 $0x8200;
	s25 =	simm.s32 $0x0  }
0x1b: {  	[tilespmem:s0], [sflag:$0x3] =	stream.indirect.gather [hbm4b:s4+s15], $0x80, s14, s15, $0xb8;
	[tilespmem:$0x10200] =	vst v63  }
.LBB2_10:
0x1c: {  	s25 =	sadd.s32 $0x1, s25  }
0x1d: {  	p0 =	sne.s32 s25, $0x28  }
.Ltmp3:
0x1e: {  	_ = 	snop;
	(pc) =	sbr.rel @!p0 .LBB2_11-.Ltmp3, $1  }
0x1f: {  	_ =	sdelay $0x3  }
.LBB2_2:
0x20: {  	s28 =	sshll.u32 s25, $0x6  }
0x21: {  	s29 =	sor.u32 s28, s6  }
0x22: {  	s26 =	sor.u32 $0x20, s29  }
0x23: {  	p0 =	sgt.u32 s26, $0x9C3  }
0x24: {  	s30 =	sshll.u32 @!p0 s26, $0x4  }
0x25: {  	s0 =	simm.s32 @!p0 $0x0;
	s2 =	simm.s32 @!p0 $0x80;
	s31 =	sadd.s32 @!p0 s5, s30  }
0x26: {  	[tilespmem:s2], [sflag:$0x6] =	stream.linear.gather @!p0 [hbm4b:s31+s0], $0x80, $0x38;
	[tilespmem:$0x10200] =	vst v63  }
0x27: {  	s31 =	simm.s32 @!p0 $0x6  }
0x28: {  	_ =	swait.ge @!p0 [sflag:s31], $0x80  }
0x29: {  	[sflag:s31] =	ssyncset.done @!p0 $0x0  }
0x2a: {  	s17 =	simm.s32 @!p0 $0x180;
	s30 =	sadd.s32 @!p0 s7, s30;
	[sflag:s31] =	ssyncadd.s32 @!p0 $0xFFFFFF80  }
0x2b: {  	[tilespmem:s17], [sflag:$0x6] =	stream.linear.gather @!p0 [hbm4b:s30+s0], $0x80, $0x38;
	[tilespmem:$0x10200] =	vst v63  }
0x2c: {  	p1 =	sgt.u32 s29, $0x9C3;
	_ =	swait.ge @!p0 [sflag:s31], $0x80  }
.Ltmp4:
0x2d: {  	[sflag:s31] =	ssyncset.done @!p0 $0x0;
	(pc) =	sbr.rel @p1 .LBB2_6-.Ltmp4, $4  }
0x2e: {  	s0 =	simm.s32 @!p0 $0x4200;
	[sflag:s31] =	ssyncadd.s32 @!p0 $0xFFFFFF80  }
0x2f: {  	[tilespmem:s0], [sflag:$0x2] =	stream.indirect.gather @!p0 [hbm4b:s1+s2], $0x80, s2, s2, $0xb8;
	[tilespmem:$0x10200] =	vst v63  }
0x30: {  	s0 =	simm.s32 @!p0 $0xC200  }
0x31: {  	[tilespmem:s0], [sflag:$0x4] =	stream.indirect.gather @!p0 [hbm4b:s4+s2], $0x80, s17, s2, $0xb8;
	[tilespmem:$0x10200] =	vst v63  }
0x32: {  	_ =	swait.ge [sflag:s18], $0x4000  }
0x33: {  	[sflag:s18] =	ssyncset.done $0x0  }
0x34: {  	[sflag:s18] =	ssyncadd.s32 $0xFFFFC000  }
0x35: {  	_ =	swait.ge [sflag:s19], $0x4000  }
0x36: {  	[sflag:s19] =	ssyncset.done $0x0  }
0x37: {  	s30 =	simm.s32 $0x0;
	[sflag:s19] =	ssyncadd.s32 $0xFFFFC000  }
0x38: {  	v3 =	vld [tilespmem:s30+$0x8200]  }
0x39: {  	v4 =	vld [tilespmem:s30+$0x8210]  }
0x3a: {  	v2 =	vld [tilespmem:s30+$0x8220]  }
0x3b: {  	v1 =	vld [tilespmem:s30+$0x8230]  }
0x3c: {  	v0 =	vld [tilespmem:s30+$0x8240]  }
0x3d: {  	v7 =	vld [tilespmem:s30+$0x200]  }
0x3e: {  	v8 =	vld [tilespmem:s30+$0x210]  }
0x3f: {  	v6 =	vld [tilespmem:s30+$0x220]  }
0x40: {  	s31 =	simm.s32 $0x200;
	v5 =	vld [tilespmem:s30+$0x230]  }
.LBB2_4:
0x41: {  	s0 =	sshra.s32 s31, $0x2;
	p1 =	sne.s32 s31, $0xFE00;
	v9 =	vld [tilespmem:s30+$0x240]  }
0x42: {  	v7 =	vadd.f32 v3, v7;
	v3 =	vld [tilespmem:s0+$0x8200]  }
0x43: {  	v8 =	vadd.f32 v4, v8;
	v4 =	vld [tilespmem:s0+$0x8210]  }
0x44: {  	[tilespmem:s30+$0x200] =	vst v7;
	v6 =	vadd.f32 v2, v6;
	v2 =	vld [tilespmem:s0+$0x8220]  }
0x45: {  	[tilespmem:s30+$0x210] =	vst v8;
	v5 =	vadd.f32 v1, v5;
	v1 =	vld [tilespmem:s0+$0x8230]  }
.Ltmp5:
0x46: {  	[tilespmem:s30+$0x220] =	vst v6;
	v6 =	vadd.f32 v0, v9;
	v0 =	vld [tilespmem:s0+$0x8240];
	(pc) =	sbr.rel @p1 .LBB2_4-.Ltmp5, $4  }
0x47: {  	v7 =	vld [tilespmem:s0+$0x200];
	[tilespmem:s30+$0x230] =	vst v5  }
0x48: {  	v8 =	vld [tilespmem:s0+$0x210];
	[tilespmem:s30+$0x240] =	vst v6;
	s30 =	smov.u32 s0  }
0x49: {  	v6 =	vld [tilespmem:s30+$0x220]  }
0x4a: {  	s31 =	sadd.s32 $0x200, s31;
	v5 =	vld [tilespmem:s30+$0x230]  }
0x4b: {  	v9 =	vld [tilespmem:s30+$0x240]  }
0x4c: {  	v3 =	vadd.f32 v3, v7  }
0x4d: {  	v4 =	vadd.f32 v4, v8  }
0x4e: {  	[tilespmem:s30+$0x200] =	vst v3;
	v2 =	vadd.f32 v2, v6  }
0x4f: {  	[tilespmem:s30+$0x210] =	vst v4;
	v1 =	vadd.f32 v1, v5  }
0x50: {  	[tilespmem:s30+$0x220] =	vst v2;
	v0 =	vadd.f32 v0, v9  }
0x51: {  	s0 =	sshll.u32 s29, $0xB;
	[tilespmem:s30+$0x230] =	vst v1  }
0x52: {  	s0 =	sadd.s32 s8, s0;
	[tilespmem:s30+$0x240] =	vst v0  }
0x53: {  	[hbm4b:s0+s3] =	stream.linear.scatter [tilespmem:s16], [sflag:$0x6], $0x4000, $0x38;
	[tilespmem:$0x10200] =	vst v63  }
0x54: {  	_ =	swait.ge [sflag:s20], $0x4000  }
0x55: {  	[sflag:s20] =	ssyncset.done $0x0  }
0x56: {  	[sflag:s20] =	ssyncadd.s32 $0xFFFFC000  }
.LBB2_6:
0x57: {  	s0 =	sadd.s32 s11, s28  }
0x58: {  	p1 =	sgt.u32 s0, $0x9C3  }
0x59: {  	s0 =	sshll.u32 @!p1 s0, $0x4  }
0x5a: {  	s17 =	simm.s32 @!p1 $0x0;
	s2 =	sadd.s32 @!p1 s5, s0  }
0x5b: {  	[tilespmem:s17], [sflag:$0x6] =	stream.linear.gather @!p1 [hbm4b:s2+s17], $0x80, $0x38;
	[tilespmem:$0x10200] =	vst v63  }
0x5c: {  	s2 =	simm.s32 @!p1 $0x6  }
0x5d: {  	_ =	swait.ge @!p1 [sflag:s2], $0x80  }
0x5e: {  	[sflag:s2] =	ssyncset.done @!p1 $0x0  }
0x5f: {  	s28 =	simm.s32 @!p1 $0x100;
	s0 =	sadd.s32 @!p1 s7, s0;
	[sflag:s2] =	ssyncadd.s32 @!p1 $0xFFFFFF80  }
0x60: {  	[tilespmem:s28], [sflag:$0x6] =	stream.linear.gather @!p1 [hbm4b:s0+s17], $0x80, $0x38;
	[tilespmem:$0x10200] =	vst v63  }
0x61: {  	_ =	swait.ge @!p1 [sflag:s2], $0x80  }
.Ltmp6:
0x62: {  	[sflag:s2] =	ssyncset.done @!p1 $0x0;
	(pc) =	sbr.rel @p0 .LBB2_10-.Ltmp6, $4  }
0x63: {  	s0 =	simm.s32 @!p1 $0x80;
	[sflag:s2] =	ssyncadd.s32 @!p1 $0xFFFFFF80;
	s2 =	simm.s32 @!p1 $0x200  }
0x64: {  	[tilespmem:s2], [sflag:$0x1] =	stream.indirect.gather @!p1 [hbm4b:s1+s0], $0x80, s17, s0, $0xb8;
	[tilespmem:$0x10200] =	vst v63  }
0x65: {  	s2 =	simm.s32 @!p1 $0x8200  }
0x66: {  	[tilespmem:s2], [sflag:$0x3] =	stream.indirect.gather @!p1 [hbm4b:s4+s0], $0x80, s28, s0, $0xb8;
	[tilespmem:$0x10200] =	vst v63  }
0x67: {  	_ =	swait.ge [sflag:s21], $0x4000  }
0x68: {  	[sflag:s21] =	ssyncset.done $0x0  }
0x69: {  	[sflag:s21] =	ssyncadd.s32 $0xFFFFC000  }
0x6a: {  	_ =	swait.ge [sflag:s22], $0x4000  }
0x6b: {  	[sflag:s22] =	ssyncset.done $0x0  }
0x6c: {  	s28 =	simm.s32 $0x0;
	[sflag:s22] =	ssyncadd.s32 $0xFFFFC000  }
0x6d: {  	v3 =	vld [tilespmem:s28+$0xC200]  }
0x6e: {  	v4 =	vld [tilespmem:s28+$0xC210]  }
0x6f: {  	v2 =	vld [tilespmem:s28+$0xC220]  }
0x70: {  	v1 =	vld [tilespmem:s28+$0xC230]  }
0x71: {  	v0 =	vld [tilespmem:s28+$0xC240]  }
0x72: {  	v7 =	vld [tilespmem:s28+$0x4200]  }
0x73: {  	v8 =	vld [tilespmem:s28+$0x4210]  }
0x74: {  	v6 =	vld [tilespmem:s28+$0x4220]  }
0x75: {  	s29 =	simm.s32 $0x200;
	v5 =	vld [tilespmem:s28+$0x4230]  }
.LBB2_8:
0x76: {  	s0 =	sshra.s32 s29, $0x2;
	p0 =	sne.s32 s29, $0xFE00;
	v9 =	vld [tilespmem:s28+$0x4240]  }
0x77: {  	v7 =	vadd.f32 v3, v7;
	v3 =	vld [tilespmem:s0+$0xC200]  }
0x78: {  	v8 =	vadd.f32 v4, v8;
	v4 =	vld [tilespmem:s0+$0xC210]  }
0x79: {  	[tilespmem:s28+$0x4200] =	vst v7;
	v6 =	vadd.f32 v2, v6;
	v2 =	vld [tilespmem:s0+$0xC220]  }
0x7a: {  	[tilespmem:s28+$0x4210] =	vst v8;
	v5 =	vadd.f32 v1, v5;
	v1 =	vld [tilespmem:s0+$0xC230]  }
.Ltmp7:
0x7b: {  	[tilespmem:s28+$0x4220] =	vst v6;
	v6 =	vadd.f32 v0, v9;
	v0 =	vld [tilespmem:s0+$0xC240];
	(pc) =	sbr.rel @p0 .LBB2_8-.Ltmp7, $4  }
0x7c: {  	v7 =	vld [tilespmem:s0+$0x4200];
	[tilespmem:s28+$0x4230] =	vst v5  }
0x7d: {  	v8 =	vld [tilespmem:s0+$0x4210];
	[tilespmem:s28+$0x4240] =	vst v6;
	s28 =	smov.u32 s0  }
0x7e: {  	v6 =	vld [tilespmem:s28+$0x4220]  }
0x7f: {  	s29 =	sadd.s32 $0x200, s29;
	v5 =	vld [tilespmem:s28+$0x4230]  }
0x80: {  	v9 =	vld [tilespmem:s28+$0x4240]  }
0x81: {  	v3 =	vadd.f32 v3, v7  }
0x82: {  	v4 =	vadd.f32 v4, v8  }
0x83: {  	[tilespmem:s28+$0x4200] =	vst v3;
	v2 =	vadd.f32 v2, v6  }
0x84: {  	[tilespmem:s28+$0x4210] =	vst v4;
	v1 =	vadd.f32 v1, v5  }
0x85: {  	[tilespmem:s28+$0x4220] =	vst v2;
	v0 =	vadd.f32 v0, v9  }
0x86: {  	s0 =	sshll.u32 s26, $0xB;
	[tilespmem:s28+$0x4230] =	vst v1  }
.Ltmp8:
0x87: {  	s0 =	sadd.s32 s8, s0;
	[tilespmem:s28+$0x4240] =	vst v0;
	(pc) =	sbr.rel .LBB2_10-.Ltmp8, $4  }
0x88: {  	[hbm4b:s0+s3] =	stream.linear.scatter [tilespmem:s23], [sflag:$0x5], $0x4000, $0x38;
	[tilespmem:$0x10200] =	vst v63  }
0x89: {  	_ =	swait.ge [sflag:s13], $0x4000  }
0x8a: {  	[sflag:s13] =	ssyncset.done $0x0  }
0x8b: {  	[sflag:s13] =	ssyncadd.s32 $0xFFFFC000  }
.LBB2_12:
0x8c: {  	_ =	sfence.sel $0x180000  }
0x8d: {  	[bflag:$0x0] =	sbarrier.arrive $0xFFFF  }
0x8e: {  	_ =	strace $0x9000004A  }
0x8f: {  	s0 =	stileid.u32;
	[bflag:$0x2] =	sbarrier.arrive $0xFFFF  }
0x90: {  	p0 =	sne.s32 s0, $0x0;
	s0 =	rddreg [dreg:$0x2]  }
0x91: {  	s0 =	sadd.s32 @!p0 $0x100000, s0  }
0x92: {  	[sflag:s0] =	ssyncadd.tile.s32 @!p0 $0x1;
	_ =	shalt  }
.Lfunc_end2:
_tile_overlayer_lowered:
.L_overlay_start_2:
0x93: {  	(tag) =	ssettag $0x2  }
0x94: {  	s0 =	rddreg [dreg:$0x0];
	s2 =	stileid.u32  }
0x95: {  	s1 =	rddreg [dreg:$0x1];
	p0 =	sne.s32 s2, $0x0  }
0x96: {  	s3 =	rddreg [dreg:$0x2];
	[bflag:$0x3] =	sbarrier.arrive $0xFFFF;
	s2 =	simm.s32 @!p0 $0x1C05  }
0x97: {  	[timem:s3], [sflag:s2] =	dma.local @!p0 [hbm:s0], s1  }
0x98: {  	s0 =	simm.s32 @!p0 $0x5  }
0x99: {  	_ =	swait.ge @!p0 [sflag:s0], s1  }
0x9a: {  	s1 =	ssub.s32 @!p0 $0x0, s1;
	[sflag:s0] =	ssyncset.done @!p0 $0x0  }
0x9b: {  	[sflag:s0] =	ssyncadd.s32 @!p0 s1  }
0x9c: {  	[bflag:$0x3] =	sbarrier.arrive $0xFFFF  }
0x9d: {  	_ =	shalt  }

// kernel: kernel.14.cloned.1.call-start
scs
__scs_entry_jumppad:
0x0: {  	(pc) =	sbr.rel $0x88, $3  }
0x1: {  	(tag) =	ssettag $0x0;
	lr =	simm.s32 $0x1  }
0x2: {  	[smem:$0x3F7B] =	sst lr;
	_ =	strace $0xD0000000  }
0x3: {  	_ = 	snop  }
0x4: {  	_ = 	snop  }
0x5: {  	_ = 	snop  }
0x6: {  	_ = 	snop  }
0x7: {  	_ = 	snop  }
__scs_overlays_trampoline_lowered:
0x8: {  	[smem:$0x3F8A] =	sst s0  }
0x9: {  	[smem:$0x3F8B] =	sst s1  }
0xa: {  	[smem:$0x3F8C] =	sst s2  }
0xb: {  	[smem:$0x3F8D] =	sst s3  }
0xc: {  	[smem:$0x3F8E] =	sst s4  }
0xd: {  	[smem:$0x3F8F] =	sst s5  }
0xe: {  	[smem:$0x3F90] =	sst s6  }
0xf: {  	[smem:$0x3F91] =	sst s7  }
0x10: {  	[smem:$0x3F92] =	sst s8  }
0x11: {  	[smem:$0x3F93] =	sst s9;
	s0 =	simm.s32 @!p0 $0x0  }
0x12: {  	s1 =	sld [smem:$0x3F79];
	s0 =	simm.s32 @p0 $0x1  }
0x13: {  	[smem:$0x3F94] =	sst s0;
	s0 =	simm.s32 @!p1 $0x0  }
0x14: {  	s2 =	sld [smem:$0x3F78];
	s0 =	simm.s32 @p1 $0x1  }
0x15: {  	[smem:$0x3F95] =	sst s0;
	s0 =	simm.s32 @!p2 $0x0  }
0x16: {  	s3 =	sld [smem:$0x3FDB];
	s0 =	simm.s32 @p2 $0x1  }
0x17: {  	s4 =	simm.s32 $0x1BF5;
	[smem:$0x3F97] =	sst s0  }
0x18: {  	s0 =	sld [smem:$0x3F7A];
	_ =	swait.ge [sflag:s4], $0x0  }
0x19: {  	s7 =	sld [smem:$0x3F7B]  }
0x1a: {  	s8 =	sadd.s32 $0xFFFFE003, lr  }
0x1b: {  	s9 =	sadd.s32 $0xFFFFFEF7, lr;
	s5 =	simm.s32 $0xFFFFFFFF;
	p2 =	slt.u32 s8, $0xFFFFF086  }
0x1c: {  	p1 =	slt.u32 s9, $0xF7A;
	s5 =	simm.s32 @!p2 $0x0  }
0x1d: {  	s5 =	simm.s32 @p1 $0x1;
	p0 =	seq.s32 s7, s2  }
0x1e: {  	s7 =	smul.u32 @!p0 $0xF7A, s2;
	p2 =	seq.s32 @!p0 s5, $0x0  }
0x1f: {  	s9 =	smul.u32 $0xF7A, s1;
	s8 =	simm.s32 @!p0 $0x1BF5;
	p2 =	por !p2, p0  }
0x20: {  	[sflag:s8] =	ssyncset.s32 @!p0 $0xFFFFF086;
	s6 =	sadd.s32 @!p0 s3, s7;
	s7 =	simm.s32 @!p0 $0x108  }
0x21: {  	s3 =	sadd.s32 s3, s9;
	s6 =	sadd.s32 @!p0 $0x88, s6;
	s7 =	simm.s32 @p2 $0x1082  }
0x22: {  	[simem:s7], [sflag:s8] =	dma.local @!p0 [hbm:s6], $0xF7A  }
0x23: {  	s9 =	sor.u32 $0xD0000000, s2;
	s6 =	simm.s32 $0x108;
	_ =	swait.ge @!p0 [sflag:s8], $0x0  }
0x24: {  	s3 =	sadd.s32 $0x88, s3;
	s6 =	simm.s32 @!p1 $0x1082;
	[sflag:s4] =	ssyncset.s32 $0xFFFFF086  }
0x25: {  	[simem:s6], [sflag:s4] =	dma.local [hbm:s3], $0xF7A  }
0x26: {  	[smem:$0x3F7B] =	sst s1;
	(tag) =	ssettag s2;
	_ =	strace s9  }
0x27: {  	s1 =	sld [smem:$0x3F8B]  }
0x28: {  	s2 =	sld [smem:$0x3F8C]  }
0x29: {  	s4 =	sld [smem:$0x3F8E]  }
0x2a: {  	p0 =	seq.s32 s5, $0x0;
	s5 =	sld [smem:$0x3F8F]  }
0x2b: {  	s6 =	sld [smem:$0x3F90]  }
0x2c: {  	s7 =	sld [smem:$0x3F91]  }
0x2d: {  	s3 =	simm.s32 $0x108;
	s8 =	sld [smem:$0x3F92]  }
0x2e: {  	s3 =	simm.s32 @!p0 $0x1082;
	s9 =	sld [smem:$0x3F93]  }
0x2f: {  	lr =	sadd.s32 s0, s3;
	s0 =	sld [smem:$0x3F8A]  }
0x30: {  	s3 =	sld [smem:$0x3F8D]  }
0x31: {  	[smem:$0x3F96] =	sst s10  }
0x32: {  	s10 =	sld [smem:$0x3F94];
	_ =	sdelay $0x3  }
0x33: {  	p0 =	seq.s32 s10, $0x1;
	s10 =	sld [smem:$0x3F96];
	_ =	sdelay $0x3  }
0x34: {  	[smem:$0x3F96] =	sst s10  }
0x35: {  	s10 =	sld [smem:$0x3F95];
	_ =	sdelay $0x3  }
0x36: {  	p1 =	seq.s32 s10, $0x1;
	s10 =	sld [smem:$0x3F96];
	_ =	sdelay $0x3  }
0x37: {  	[smem:$0x3F96] =	sst s10  }
0x38: {  	s10 =	sld [smem:$0x3F97]  }
0x39: {  	_ = 	snop;
	(pc) =	sbr.ind lr, $3  }
0x3a: {  	_ = 	snop  }
0x3b: {  	_ = 	snop  }
0x3c: {  	p2 =	seq.s32 s10, $0x1;
	s10 =	sld [smem:$0x3F96]  }
0x3d: {  	_ =	shalt  }
0x3e: {  	_ =	shalt  }
0x3f: {  	_ =	shalt  }
0x40: {  	_ =	shalt  }
0x41: {  	_ =	shalt  }
0x42: {  	_ =	shalt  }
0x43: {  	_ =	shalt  }
0x44: {  	_ =	shalt  }
0x45: {  	_ =	shalt  }
0x46: {  	_ =	shalt  }
0x47: {  	_ =	shalt  }
0x48: {  	_ =	shalt  }
0x49: {  	_ =	shalt  }
0x4a: {  	_ =	shalt  }
0x4b: {  	_ =	shalt  }
0x4c: {  	_ =	shalt  }
0x4d: {  	_ =	shalt  }
0x4e: {  	_ =	shalt  }
0x4f: {  	_ =	shalt  }
0x50: {  	_ =	shalt  }
0x51: {  	_ =	shalt  }
0x52: {  	_ =	shalt  }
0x53: {  	_ =	shalt  }
0x54: {  	_ =	shalt  }
0x55: {  	_ =	shalt  }
0x56: {  	_ =	shalt  }
0x57: {  	_ =	shalt  }
0x58: {  	_ =	shalt  }
0x59: {  	_ =	shalt  }
0x5a: {  	_ =	shalt  }
0x5b: {  	_ =	shalt  }
0x5c: {  	_ =	shalt  }
0x5d: {  	_ =	shalt  }
0x5e: {  	_ =	shalt  }
0x5f: {  	_ =	shalt  }
0x60: {  	_ =	shalt  }
0x61: {  	_ =	shalt  }
0x62: {  	_ =	shalt  }
0x63: {  	_ =	shalt  }
0x64: {  	_ =	shalt  }
0x65: {  	_ =	shalt  }
0x66: {  	_ =	shalt  }
0x67: {  	_ =	shalt  }
0x68: {  	_ =	shalt  }
0x69: {  	_ =	shalt  }
0x6a: {  	_ =	shalt  }
0x6b: {  	_ =	shalt  }
0x6c: {  	_ =	shalt  }
0x6d: {  	_ =	shalt  }
0x6e: {  	_ =	shalt  }
0x6f: {  	_ =	shalt  }
0x70: {  	_ =	shalt  }
0x71: {  	_ =	shalt  }
0x72: {  	_ =	shalt  }
0x73: {  	_ =	shalt  }
0x74: {  	_ =	shalt  }
0x75: {  	_ =	shalt  }
0x76: {  	_ =	shalt  }
0x77: {  	_ =	shalt  }
0x78: {  	_ =	shalt  }
0x79: {  	_ =	shalt  }
0x7a: {  	_ =	shalt  }
0x7b: {  	_ =	shalt  }
0x7c: {  	_ =	shalt  }
0x7d: {  	_ =	shalt  }
0x7e: {  	_ =	shalt  }
0x7f: {  	_ =	shalt  }
0x80: {  	_ =	shalt  }
0x81: {  	_ =	shalt  }
0x82: {  	_ =	shalt  }
0x83: {  	_ =	shalt  }
0x84: {  	_ =	shalt  }
0x85: {  	_ =	shalt  }
0x86: {  	_ =	shalt  }
0x87: {  	_ =	shalt  }
.Lfunc_end0:
.L_simem_size_0:
called_computation.2_lowered:
.L_overlay_start_0:
0x88: {  	s2 =	sld [smem:$0x3FD9]  }
0x89: {  	s3 =	sld [smem:$0x3FFE];
	_ =	sdelay $0x1  }
0x8a: {  	s1 =	srdreg.scid  }
0x8b: {  	s0 =	sand.u32 $0x1, s1  }
0x8c: {  	s16 =	sshll.u32 s0, $0xA;
	s2 =	sadd.s32 s3, s2  }
0x8d: {  	s2 =	sadd.s32 s2, s16  }
0x8e: {  	[smem:$0x3FA2] =	sst s2  }
0x8f: {  	_ = 	snop  }
0x90: {  	(tm) =	ssettm $0x1  }
0x91: {  	s17 =	sld [smem:$0x3FFB];
	_ =	sdelay $0x3  }
0x92: {  	_ =	strace s17  }
0x93: {  	s2 =	sld [smem:$0x3FFC];
	_ =	sdelay $0x3  }
0x94: {  	_ =	strace s2  }
0x95: {  	s2 =	sld [smem:$0x3FFD];
	_ =	sdelay $0x3  }
0x96: {  	_ =	strace s2  }
0x97: {  	_ =	strace $0x8FFFFFFF  }
0x98: {  	s18 =	sld [smem:$0x3FDB];
	_ =	sdelay $0x1  }
0x99: {  	s19 =	simm.s32 $_scs_section_size  }
0x9a: {  	s4 =	simm.s32 $_size__tile_overlayer_lowered;
	s5 =	simm.s32 $_tile_overlayer_lowered  }
0x9b: {  	s22 =	simm.s32 $0x1BFF;
	s21 =	sshll.u32 s5, $0x1;
	s2 =	sadd.s32 s19, s18  }
0x9c: {  	s6 =	simm.s32 $0x0;
	s20 =	sshll.u32 s4, $0x1;
	s4 =	sadd.s32 s21, s2  }
0x9d: {  	[timem:s6], [sflag:s22] =	dma.local [hbm:s4], s20  }
0x9e: {  	_ =	swait.ge [sflag:s22], s20  }
0x9f: {  	s3 =	ssub.s32 $0x0, s20;
	[sflag:s22] =	ssyncset.done $0x0  }
0xa0: {  	[sflag:s22] =	ssyncadd.s32 s3;
	_ =	sdelay $0x1  }
0xa1: {  	s23 =	simm.s32 $0x1B8B  }
0xa2: {  	_ =	swait.ge [sflag:s23], $0x1  }
0xa3: {  	[sflag:s23] =	ssyncset.done $0x0  }
0xa4: {  	s25 =	simm.s32 $0x1B8E;
	s24 =	sld [smem:$0x3FFE];
	[sflag:s23] =	ssyncadd.s32 $0xFFFFFFFF  }
0xa5: {  	s26 =	simm.s32 $execute0_lowered;
	[smem:$0x3FD2] =	sst s25  }
0xa6: {  	s4 =	sshll.u32 s26, $0x1;
	_ =	strace $0x8000004C;
	[dreg:$0x1] =	wrdreg $0xFFFFFFFF  }
0xa7: {  	s28 =	simm.s32 $_size_execute0_lowered;
	s2 =	sadd.s32 s2, s4;
	[dreg:$0x0] =	wrdreg $0x0  }
0xa8: {  	s4 =	sshll.u32 s28, $0x1;
	[dreg:$0x2] =	wrdreg s2  }
0xa9: {  	[dreg:$0x3] =	wrdreg s4  }
0xaa: {  	[dreg:$0x4] =	wrdreg $0xC0  }
0xab: {  	_ =	task [dreg:s6], $0x5FFFF  }
0xac: {  	[dreg:$0x1] =	wrdreg $0xFFFFFFFF  }
0xad: {  	[dreg:$0x0] =	wrdreg $0x60  }
0xae: {  	[dreg:$0x2] =	wrdreg s24  }
0xaf: {  	[dreg:$0x3] =	wrdreg $0xC1800  }
0xb0: {  	[dreg:$0x4] =	wrdreg $0x9  }
0xb1: {  	_ =	task.clear_ibuf [dreg:s6], $0x5FFFF;
	_ =	strace $0x9000004C  }
0xb2: {  	s29 =	simm.s32 $0x9;
	_ =	strace $0x8000004E  }
0xb3: {  	_ =	swait.ge [sflag:s29], $0x1  }
0xb4: {  	[sflag:s29] =	ssyncadd.s32 $0xFFFFFFFF  }
0xb5: {  	_ =	strace $0x9000004E  }
0xb6: {  	_ =	sfence  }
0xb7: {  	s30 =	sld [smem:$0x0];
	_ =	sdelay $0x2  }
0xb8: {  	s31 =	sshll.u32 s1, $0xD;
	s1 =	sshrl.u32 s1, $0x2  }
0xb9: {  	s3 =	sand.u32 $0x4000, s31;
	s1 =	sadd.s32 s1, s30  }
0xba: {  	s0 =	sor.u32 s3, s0;
	s1 =	sshll.u32 s1, $0x11  }
0xbb: {  	s0 =	sor.u32 s1, s0  }
0xbc: {  	s0 =	sadd.s32 $0x8F2B, s0  }
0xbd: {  	[sflag:s0] =	ssyncadd.remote.s32 $0x1  }
0xbe: {  	_ =	sfence.sel $0xFFFF  }
0xbf: {  	[dreg:$0x0] =	wrdreg $0xFFFFFFFF;
	(pc) =	sbr.abs _section_cstart, $3  }
0xc0: {  	[dreg:$0x1] =	wrdreg $0xFFFFFFFF  }
0xc1: {  	_ =	task.clear_ibuf [dreg:s6], $0x2FFFF;
	_ =	strace $0x9FFFFFFF  }
0xc2: {  	(tm) =	ssettm $0x7FFFFFFF  }
0xc3: {  	_ =	shalt  }
tec
execute0_lowered:
.L_overlay_start_1:
0x0: {  	(tag) =	ssettag $0x1  }
0x1: {  	s0 =	rddreg [dreg:$0x0]  }
0x2: {  	s1 =	rddreg [dreg:$0x1]  }
0x3: {  	s2 =	simm.s32 $0x0;
	s3 =	srdreg.scid;
	s23 =	stileid.u32  }
0x4: {  	s16 =	simm.s32 $0x5;
	s17 =	simm.s32 $0x8100;
	s19 =	simm.s32 $0x1  }
0x5: {  	s20 =	simm.s32 $0x3;
	s21 =	simm.s32 $0x80;
	s22 =	simm.s32 $0xC100  }
0x6: {  	s28 =	simm.s32 $0x0;
	[smem:$0x7FF] =	sst s2;
	s4 =	sadd.s32 $0xA53800, s0  }
0x7: {  	s7 =	sand.u32 $0x1, s3;
	s5 =	sadd.s32 $0xFE00, s0;
	s10 =	smul.u32 $0x4F000, s23  }
0x8: {  	s6 =	sadd.s32 $0x4FBC00, s0;
	s24 =	smul.u32 $0x2780, s23;
	s11 =	sshll.u32 s23, $0x1  }
0x9: {  	s29 =	sshll.u32 s23, $0x6;
	s23 =	simm.s32 $0x6;
	_ =	strace $0x8000004D  }
0xa: {  	s8 =	smul.u32 $0x27800, s7;
	s9 =	ssub.s32 $0x2, s7;
	s14 =	sor.u32 s7, s11  }
0xb: {  	s11 =	ssub.s32 $0x9C4, s11;
	s25 =	sshrl.u32 s9, $0x1;
	s26 =	sshrl.u32 s10, $0x2  }
0xc: {  	s7 =	sadd.s32 s6, s24;
	s30 =	sshll.u32 s14, $0x4;
	s31 =	sshll.u32 s14, $0xB  }
.Ltmp0:
0xd: {  	s12 =	sor.u32 $0x40, s14;
	s14 =	sor.u32 $0x20, s14;
	(pc) =	sbr.rel .LBB2_1-.Ltmp0, $4  }
0xe: {  	s0 =	sadd.s32 s8, s0;
	s13 =	ssub.s32 s9, s25;
	s15 =	sadd.s32 s26, s1  }
0xf: {  	s8 =	sor.u32 $0x1C05, s29;
	s9 =	sadd.s32 s5, s30;
	s10 =	sadd.s32 s4, s31  }
0x10: {  	s25 =	simm.s32 $0x2;
	s26 =	simm.s32 $0x4;
	s0 =	sadd.s32 $0x19C00, s0  }
0x11: {  	s13 =	smax.u32 s13, $0x1;
	s15 =	sshrl.u32 s15, $0x3;
	s24 =	sadd.s32 s24, s0  }
.LBB2_11:
0x12: {  	s28 =	sadd.s32 $0x1, s28  }
0x13: {  	p0 =	sne.s32 s28, s13  }
.Ltmp1:
0x14: {  	[bflag:$0x0] =	sbarrier.arrive $0xFFFF;
	(pc) =	sbr.rel @!p0 .LBB2_12-.Ltmp1, $4  }
0x15: {  	[hbm:s24], [sflag:s8] =	dma.local [spmem:s15], $0x2780  }
0x16: {  	_ =	swait.ge [sflag:s16], $0x2780  }
0x17: {  	[sflag:s16] =	ssyncset.done $0x0  }
0x18: {  	[sflag:s16] =	ssyncadd.s32 $0xFFFFD880  }
.LBB2_1:
0x19: {  	[spmem:s15], [sflag:s8] =	dma.local [hbm:s7], $0x2780  }
0x1a: {  	_ =	swait.ge [sflag:s16], $0x2780  }
0x1b: {  	[sflag:s16] =	ssyncset.done $0x0  }
0x1c: {  	[sflag:s16] =	ssyncadd.s32 $0xFFFFD880  }
0x1d: {  	[tilespmem:s17], [sflag:$0x5] =	stream.linear.gather [hbm4b:s6+s2], $0x4000, $0x38;
	[tilespmem:$0x1FD80] =	vst v63  }
0x1e: {  	_ =	swait.ge [sflag:s16], $0x4000  }
0x1f: {  	[sflag:s16] =	ssyncset.done $0x0  }
.Ltmp2:
0x20: {  	[sflag:s16] =	ssyncadd.s32 $0xFFFFC000;
	(pc) =	sbr.rel .LBB2_2-.Ltmp2, $4  }
0x21: {  	[bflag:$0x0] =	sbarrier.arrive $0xFFFF  }
0x22: {  	[tilespmem:s2], [sflag:$0x1] =	stream.linear.gather [hbm4b:s9+s2], $0x80, $0x38;
	[tilespmem:$0x1FD80] =	vst v63  }
0x23: {  	s0 =	simm.s32 $0x100;
	s29 =	simm.s32 $0x0  }
0x24: {  	[tilespmem:s0], [sflag:$0x3] =	stream.linear.gather [hbm4b:s10+s2], $0x4000, $0x38;
	[tilespmem:$0x1FD80] =	vst v63  }
.LBB2_10:
0x25: {  	s29 =	sadd.s32 $0x1, s29  }
0x26: {  	p0 =	sne.s32 s29, $0x28  }
.Ltmp3:
0x27: {  	_ = 	snop;
	(pc) =	sbr.rel @!p0 .LBB2_11-.Ltmp3, $1  }
0x28: {  	_ =	sdelay $0x3  }
.LBB2_2:
0x29: {  	s30 =	sshll.u32 s29, $0x6  }
0x2a: {  	s0 =	sor.u32 s14, s30  }
0x2b: {  	p1 =	sge.u32 s30, s11;
	p0 =	sgt.u32 s0, $0x9C3  }
.Ltmp4:
0x2c: {  	s31 =	sshll.u32 @!p0 s0, $0x4;
	s3 =	simm.s32 @!p0 $0x0;
	(pc) =	sbr.rel @p1 .LBB2_6-.Ltmp4, $4  }
0x2d: {  	s18 =	simm.s32 @!p0 $0x80;
	s0 =	sshll.u32 @!p0 s0, $0xB;
	s31 =	sadd.s32 @!p0 s5, s31  }
0x2e: {  	[tilespmem:s18], [sflag:$0x2] =	stream.linear.gather @!p0 [hbm4b:s31+s3], $0x80, $0x38;
	[tilespmem:$0x1FD80] =	vst v63  }
0x2f: {  	s0 =	sadd.s32 @!p0 s4, s0;
	s18 =	simm.s32 @!p0 $0x4100  }
0x30: {  	[tilespmem:s18], [sflag:$0x4] =	stream.linear.gather @!p0 [hbm4b:s0+s3], $0x4000, $0x38;
	[tilespmem:$0x1FD80] =	vst v63  }
0x31: {  	_ =	swait.ge [sflag:s19], $0x80  }
0x32: {  	[sflag:s19] =	ssyncset.done $0x0  }
0x33: {  	[sflag:s19] =	ssyncadd.s32 $0xFFFFFF80  }
0x34: {  	_ =	swait.ge [sflag:s20], $0x4000  }
0x35: {  	[sflag:s20] =	ssyncset.done $0x0  }
0x36: {  	s31 =	simm.s32 $0x0;
	[sflag:s20] =	ssyncadd.s32 $0xFFFFC000  }
0x37: {  	v0 =	vld [tilespmem:s31+$0x130]  }
0x38: {  	v1 =	vld [tilespmem:s31+$0x100]  }
0x39: {  	v2 =	vld [tilespmem:s31+$0x110]  }
0x3a: {  	s0 =	simm.s32 $0x200;
	v3 =	vld [tilespmem:s31+$0x120]  }
.LBB2_4:
0x3b: {  	p1 =	sne.s32 s0, $0xFE00  }
.Ltmp5:
0x3c: {  	s3 =	sshra.s32 s0, $0x2;
	s0 =	sadd.s32 $0x200, s0;
	[tilespmem:s31+$0x8130] =	vst v0;
	(pc) =	sbr.rel @p1 .LBB2_4-.Ltmp5, $4  }
0x3d: {  	v0 =	vld [tilespmem:s3+$0x130];
	[tilespmem:s31+$0x8100] =	vst v1  }
0x3e: {  	v1 =	vld [tilespmem:s3+$0x100];
	[tilespmem:s31+$0x8110] =	vst v2  }
0x3f: {  	v2 =	vld [tilespmem:s3+$0x110];
	[tilespmem:s31+$0x8120] =	vst v3;
	s31 =	smov.u32 s3  }
0x40: {  	v3 =	vld [tilespmem:s31+$0x120]  }
0x41: {  	_ = 	snop  }
0x42: {  	[tilespmem:s31+$0x8130] =	vst v0  }
0x43: {  	[tilespmem:s31+$0x8100] =	vst v1  }
0x44: {  	[tilespmem:s31+$0x8110] =	vst v2  }
0x45: {  	[tilespmem:s31+$0x8120] =	vst v3  }
0x46: {  	v0 =	vld [tilespmem:$0x0]  }
0x47: {  	v1 =	vld [tilespmem:$0x10]  }
0x48: {  	v2 =	vld [tilespmem:$0x20]  }
0x49: {  	v3 =	vld [tilespmem:$0x30]  }
0x4a: {  	v4 =	vld [tilespmem:$0x40]  }
0x4b: {  	v61 =	vld [tilespmem:$0x50];
	[tilespmem:$0xC100] =	vst v0  }
0x4c: {  	v62 =	vld [tilespmem:$0x60];
	[tilespmem:$0xC110] =	vst v1  }
0x4d: {  	v63 =	vld [tilespmem:$0x70];
	[tilespmem:$0xC120] =	vst v2  }
0x4e: {  	[tilespmem:$0xC130] =	vst v3  }
0x4f: {  	[tilespmem:$0xC140] =	vst v4  }
0x50: {  	[tilespmem:$0xC150] =	vst v61  }
0x51: {  	[tilespmem:$0xC160] =	vst v62  }
0x52: {  	[tilespmem:$0xC170] =	vst v63  }
0x53: {  	[spmem:s1] =	stream.indirect.scatter.add.f32 [tilespmem:s17], [sflag:$0x6], $0x80, s22, s21, $0xb8;
	[tilespmem:$0x1FD80] =	vst v63  }
0x54: {  	_ =	swait.ge [sflag:s23], $0x4000  }
0x55: {  	[sflag:s23] =	ssyncset.done $0x0  }
0x56: {  	[sflag:s23] =	ssyncadd.s32 $0xFFFFC000  }
.LBB2_6:
0x57: {  	s0 =	sadd.s32 s12, s30  }
0x58: {  	p1 =	sgt.u32 s0, $0x9C3  }
.Ltmp6:
0x59: {  	s3 =	sshll.u32 @!p1 s0, $0x4;
	(pc) =	sbr.rel @p0 .LBB2_10-.Ltmp6, $4  }
0x5a: {  	s18 =	simm.s32 @!p1 $0x0;
	s0 =	sshll.u32 @!p1 s0, $0xB;
	s3 =	sadd.s32 @!p1 s5, s3  }
0x5b: {  	[tilespmem:s18], [sflag:$0x1] =	stream.linear.gather @!p1 [hbm4b:s3+s18], $0x80, $0x38;
	[tilespmem:$0x1FD80] =	vst v63  }
0x5c: {  	s0 =	sadd.s32 @!p1 s4, s0;
	s3 =	simm.s32 @!p1 $0x100  }
0x5d: {  	[tilespmem:s3], [sflag:$0x3] =	stream.linear.gather @!p1 [hbm4b:s0+s18], $0x4000, $0x38;
	[tilespmem:$0x1FD80] =	vst v63  }
0x5e: {  	_ =	swait.ge [sflag:s25], $0x80  }
0x5f: {  	[sflag:s25] =	ssyncset.done $0x0  }
0x60: {  	[sflag:s25] =	ssyncadd.s32 $0xFFFFFF80  }
0x61: {  	_ =	swait.ge [sflag:s26], $0x4000  }
0x62: {  	[sflag:s26] =	ssyncset.done $0x0  }
0x63: {  	s30 =	simm.s32 $0x0;
	[sflag:s26] =	ssyncadd.s32 $0xFFFFC000  }
0x64: {  	v0 =	vld [tilespmem:s30+$0x4130]  }
0x65: {  	v1 =	vld [tilespmem:s30+$0x4100]  }
0x66: {  	v2 =	vld [tilespmem:s30+$0x4110]  }
0x67: {  	s0 =	simm.s32 $0x200;
	v3 =	vld [tilespmem:s30+$0x4120]  }
.LBB2_8:
0x68: {  	p0 =	sne.s32 s0, $0xFE00  }
.Ltmp7:
0x69: {  	s3 =	sshra.s32 s0, $0x2;
	s0 =	sadd.s32 $0x200, s0;
	[tilespmem:s30+$0x8130] =	vst v0;
	(pc) =	sbr.rel @p0 .LBB2_8-.Ltmp7, $4  }
0x6a: {  	v0 =	vld [tilespmem:s3+$0x4130];
	[tilespmem:s30+$0x8100] =	vst v1  }
0x6b: {  	v1 =	vld [tilespmem:s3+$0x4100];
	[tilespmem:s30+$0x8110] =	vst v2  }
0x6c: {  	v2 =	vld [tilespmem:s3+$0x4110];
	[tilespmem:s30+$0x8120] =	vst v3;
	s30 =	smov.u32 s3  }
0x6d: {  	v3 =	vld [tilespmem:s30+$0x4120]  }
0x6e: {  	_ = 	snop  }
0x6f: {  	[tilespmem:s30+$0x8130] =	vst v0  }
0x70: {  	[tilespmem:s30+$0x8100] =	vst v1  }
0x71: {  	[tilespmem:s30+$0x8110] =	vst v2  }
0x72: {  	[tilespmem:s30+$0x8120] =	vst v3  }
0x73: {  	v0 =	vld [tilespmem:$0x80]  }
0x74: {  	v1 =	vld [tilespmem:$0x90]  }
0x75: {  	v2 =	vld [tilespmem:$0xA0]  }
0x76: {  	v3 =	vld [tilespmem:$0xB0]  }
0x77: {  	v4 =	vld [tilespmem:$0xC0]  }
0x78: {  	v61 =	vld [tilespmem:$0xD0];
	[tilespmem:$0xC100] =	vst v0  }
0x79: {  	v62 =	vld [tilespmem:$0xE0];
	[tilespmem:$0xC110] =	vst v1  }
0x7a: {  	v63 =	vld [tilespmem:$0xF0];
	[tilespmem:$0xC120] =	vst v2  }
0x7b: {  	[tilespmem:$0xC130] =	vst v3  }
0x7c: {  	[tilespmem:$0xC140] =	vst v4  }
0x7d: {  	[tilespmem:$0xC150] =	vst v61  }
0x7e: {  	[tilespmem:$0xC160] =	vst v62  }
.Ltmp8:
0x7f: {  	[tilespmem:$0xC170] =	vst v63;
	(pc) =	sbr.rel .LBB2_10-.Ltmp8, $4  }
0x80: {  	[spmem:s1] =	stream.indirect.scatter.add.f32 [tilespmem:s17], [sflag:$0x5], $0x80, s22, s21, $0xb8;
	[tilespmem:$0x1FD80] =	vst v63  }
0x81: {  	_ =	swait.ge [sflag:s16], $0x4000  }
0x82: {  	[sflag:s16] =	ssyncset.done $0x0  }
0x83: {  	[sflag:s16] =	ssyncadd.s32 $0xFFFFC000  }
.LBB2_12:
0x84: {  	_ =	sfence.sel $0x180000  }
0x85: {  	[bflag:$0x0] =	sbarrier.arrive $0xFFFF  }
0x86: {  	_ =	strace $0x9000004D  }
0x87: {  	s0 =	stileid.u32;
	[bflag:$0x2] =	sbarrier.arrive $0xFFFF  }
0x88: {  	p0 =	sne.s32 s0, $0x0;
	s0 =	rddreg [dreg:$0x2]  }
0x89: {  	s0 =	sadd.s32 @!p0 $0x100000, s0  }
0x8a: {  	[sflag:s0] =	ssyncadd.tile.s32 @!p0 $0x1;
	_ =	shalt  }
.Lfunc_end2:
_tile_overlayer_lowered:
.L_overlay_start_2:
0x8b: {  	(tag) =	ssettag $0x2  }
0x8c: {  	s0 =	rddreg [dreg:$0x0];
	s2 =	stileid.u32  }
0x8d: {  	s1 =	rddreg [dreg:$0x1];
	p0 =	sne.s32 s2, $0x0  }
0x8e: {  	s3 =	rddreg [dreg:$0x2];
	[bflag:$0x3] =	sbarrier.arrive $0xFFFF;
	s2 =	simm.s32 @!p0 $0x1C05  }
0x8f: {  	[timem:s3], [sflag:s2] =	dma.local @!p0 [hbm:s0], s1  }
0x90: {  	s0 =	simm.s32 @!p0 $0x5  }
0x91: {  	_ =	swait.ge @!p0 [sflag:s0], s1  }
0x92: {  	s1 =	ssub.s32 @!p0 $0x0, s1;
	[sflag:s0] =	ssyncset.done @!p0 $0x0  }
0x93: {  	[sflag:s0] =	ssyncadd.s32 @!p0 s1  }
0x94: {  	[bflag:$0x3] =	sbarrier.arrive $0xFFFF  }
0x95: {  	_ =	shalt  }

// kernel: kernel.8.cloned.1.call-start
scs
__scs_entry_jumppad:
0x0: {  	(pc) =	sbr.rel $0x88, $3  }
0x1: {  	(tag) =	ssettag $0x0;
	lr =	simm.s32 $0x1  }
0x2: {  	[smem:$0x3F7B] =	sst lr;
	_ =	strace $0xD0000000  }
0x3: {  	_ = 	snop  }
0x4: {  	_ = 	snop  }
0x5: {  	_ = 	snop  }
0x6: {  	_ = 	snop  }
0x7: {  	_ = 	snop  }
__scs_overlays_trampoline_lowered:
0x8: {  	[smem:$0x3F8A] =	sst s0  }
0x9: {  	[smem:$0x3F8B] =	sst s1  }
0xa: {  	[smem:$0x3F8C] =	sst s2  }
0xb: {  	[smem:$0x3F8D] =	sst s3  }
0xc: {  	[smem:$0x3F8E] =	sst s4  }
0xd: {  	[smem:$0x3F8F] =	sst s5  }
0xe: {  	[smem:$0x3F90] =	sst s6  }
0xf: {  	[smem:$0x3F91] =	sst s7  }
0x10: {  	[smem:$0x3F92] =	sst s8  }
0x11: {  	[smem:$0x3F93] =	sst s9;
	s0 =	simm.s32 @!p0 $0x0  }
0x12: {  	s1 =	sld [smem:$0x3F79];
	s0 =	simm.s32 @p0 $0x1  }
0x13: {  	[smem:$0x3F94] =	sst s0;
	s0 =	simm.s32 @!p1 $0x0  }
0x14: {  	s2 =	sld [smem:$0x3F78];
	s0 =	simm.s32 @p1 $0x1  }
0x15: {  	[smem:$0x3F95] =	sst s0;
	s0 =	simm.s32 @!p2 $0x0  }
0x16: {  	s3 =	sld [smem:$0x3FDB];
	s0 =	simm.s32 @p2 $0x1  }
0x17: {  	s4 =	simm.s32 $0x1BF5;
	[smem:$0x3F97] =	sst s0  }
0x18: {  	s0 =	sld [smem:$0x3F7A];
	_ =	swait.ge [sflag:s4], $0x0  }
0x19: {  	s7 =	sld [smem:$0x3F7B]  }
0x1a: {  	s8 =	sadd.s32 $0xFFFFE003, lr  }
0x1b: {  	s9 =	sadd.s32 $0xFFFFFEF7, lr;
	s5 =	simm.s32 $0xFFFFFFFF;
	p2 =	slt.u32 s8, $0xFFFFF086  }
0x1c: {  	p1 =	slt.u32 s9, $0xF7A;
	s5 =	simm.s32 @!p2 $0x0  }
0x1d: {  	s5 =	simm.s32 @p1 $0x1;
	p0 =	seq.s32 s7, s2  }
0x1e: {  	s7 =	smul.u32 @!p0 $0xF7A, s2;
	p2 =	seq.s32 @!p0 s5, $0x0  }
0x1f: {  	s9 =	smul.u32 $0xF7A, s1;
	s8 =	simm.s32 @!p0 $0x1BF5;
	p2 =	por !p2, p0  }
0x20: {  	[sflag:s8] =	ssyncset.s32 @!p0 $0xFFFFF086;
	s6 =	sadd.s32 @!p0 s3, s7;
	s7 =	simm.s32 @!p0 $0x108  }
0x21: {  	s3 =	sadd.s32 s3, s9;
	s6 =	sadd.s32 @!p0 $0x88, s6;
	s7 =	simm.s32 @p2 $0x1082  }
0x22: {  	[simem:s7], [sflag:s8] =	dma.local @!p0 [hbm:s6], $0xF7A  }
0x23: {  	s9 =	sor.u32 $0xD0000000, s2;
	s6 =	simm.s32 $0x108;
	_ =	swait.ge @!p0 [sflag:s8], $0x0  }
0x24: {  	s3 =	sadd.s32 $0x88, s3;
	s6 =	simm.s32 @!p1 $0x1082;
	[sflag:s4] =	ssyncset.s32 $0xFFFFF086  }
0x25: {  	[simem:s6], [sflag:s4] =	dma.local [hbm:s3], $0xF7A  }
0x26: {  	[smem:$0x3F7B] =	sst s1;
	(tag) =	ssettag s2;
	_ =	strace s9  }
0x27: {  	s1 =	sld [smem:$0x3F8B]  }
0x28: {  	s2 =	sld [smem:$0x3F8C]  }
0x29: {  	s4 =	sld [smem:$0x3F8E]  }
0x2a: {  	p0 =	seq.s32 s5, $0x0;
	s5 =	sld [smem:$0x3F8F]  }
0x2b: {  	s6 =	sld [smem:$0x3F90]  }
0x2c: {  	s7 =	sld [smem:$0x3F91]  }
0x2d: {  	s3 =	simm.s32 $0x108;
	s8 =	sld [smem:$0x3F92]  }
0x2e: {  	s3 =	simm.s32 @!p0 $0x1082;
	s9 =	sld [smem:$0x3F93]  }
0x2f: {  	lr =	sadd.s32 s0, s3;
	s0 =	sld [smem:$0x3F8A]  }
0x30: {  	s3 =	sld [smem:$0x3F8D]  }
0x31: {  	[smem:$0x3F96] =	sst s10  }
0x32: {  	s10 =	sld [smem:$0x3F94];
	_ =	sdelay $0x3  }
0x33: {  	p0 =	seq.s32 s10, $0x1;
	s10 =	sld [smem:$0x3F96];
	_ =	sdelay $0x3  }
0x34: {  	[smem:$0x3F96] =	sst s10  }
0x35: {  	s10 =	sld [smem:$0x3F95];
	_ =	sdelay $0x3  }
0x36: {  	p1 =	seq.s32 s10, $0x1;
	s10 =	sld [smem:$0x3F96];
	_ =	sdelay $0x3  }
0x37: {  	[smem:$0x3F96] =	sst s10  }
0x38: {  	s10 =	sld [smem:$0x3F97]  }
0x39: {  	_ = 	snop;
	(pc) =	sbr.ind lr, $3  }
0x3a: {  	_ = 	snop  }
0x3b: {  	_ = 	snop  }
0x3c: {  	p2 =	seq.s32 s10, $0x1;
	s10 =	sld [smem:$0x3F96]  }
0x3d: {  	_ =	shalt  }
0x3e: {  	_ =	shalt  }
0x3f: {  	_ =	shalt  }
0x40: {  	_ =	shalt  }
0x41: {  	_ =	shalt  }
0x42: {  	_ =	shalt  }
0x43: {  	_ =	shalt  }
0x44: {  	_ =	shalt  }
0x45: {  	_ =	shalt  }
0x46: {  	_ =	shalt  }
0x47: {  	_ =	shalt  }
0x48: {  	_ =	shalt  }
0x49: {  	_ =	shalt  }
0x4a: {  	_ =	shalt  }
0x4b: {  	_ =	shalt  }
0x4c: {  	_ =	shalt  }
0x4d: {  	_ =	shalt  }
0x4e: {  	_ =	shalt  }
0x4f: {  	_ =	shalt  }
0x50: {  	_ =	shalt  }
0x51: {  	_ =	shalt  }
0x52: {  	_ =	shalt  }
0x53: {  	_ =	shalt  }
0x54: {  	_ =	shalt  }
0x55: {  	_ =	shalt  }
0x56: {  	_ =	shalt  }
0x57: {  	_ =	shalt  }
0x58: {  	_ =	shalt  }
0x59: {  	_ =	shalt  }
0x5a: {  	_ =	shalt  }
0x5b: {  	_ =	shalt  }
0x5c: {  	_ =	shalt  }
0x5d: {  	_ =	shalt  }
0x5e: {  	_ =	shalt  }
0x5f: {  	_ =	shalt  }
0x60: {  	_ =	shalt  }
0x61: {  	_ =	shalt  }
0x62: {  	_ =	shalt  }
0x63: {  	_ =	shalt  }
0x64: {  	_ =	shalt  }
0x65: {  	_ =	shalt  }
0x66: {  	_ =	shalt  }
0x67: {  	_ =	shalt  }
0x68: {  	_ =	shalt  }
0x69: {  	_ =	shalt  }
0x6a: {  	_ =	shalt  }
0x6b: {  	_ =	shalt  }
0x6c: {  	_ =	shalt  }
0x6d: {  	_ =	shalt  }
0x6e: {  	_ =	shalt  }
0x6f: {  	_ =	shalt  }
0x70: {  	_ =	shalt  }
0x71: {  	_ =	shalt  }
0x72: {  	_ =	shalt  }
0x73: {  	_ =	shalt  }
0x74: {  	_ =	shalt  }
0x75: {  	_ =	shalt  }
0x76: {  	_ =	shalt  }
0x77: {  	_ =	shalt  }
0x78: {  	_ =	shalt  }
0x79: {  	_ =	shalt  }
0x7a: {  	_ =	shalt  }
0x7b: {  	_ =	shalt  }
0x7c: {  	_ =	shalt  }
0x7d: {  	_ =	shalt  }
0x7e: {  	_ =	shalt  }
0x7f: {  	_ =	shalt  }
0x80: {  	_ =	shalt  }
0x81: {  	_ =	shalt  }
0x82: {  	_ =	shalt  }
0x83: {  	_ =	shalt  }
0x84: {  	_ =	shalt  }
0x85: {  	_ =	shalt  }
0x86: {  	_ =	shalt  }
0x87: {  	_ =	shalt  }
.Lfunc_end0:
.L_simem_size_0:
called_computation_lowered:
.L_overlay_start_0:
0x88: {  	s2 =	sld [smem:$0x3FD9]  }
0x89: {  	s3 =	sld [smem:$0x3FFE];
	_ =	sdelay $0x1  }
0x8a: {  	s1 =	srdreg.scid  }
0x8b: {  	s0 =	sand.u32 $0x1, s1  }
0x8c: {  	s14 =	sshll.u32 s0, $0xA;
	s2 =	sadd.s32 s3, s2  }
0x8d: {  	s2 =	sadd.s32 s2, s14  }
0x8e: {  	[smem:$0x3FA2] =	sst s2  }
0x8f: {  	_ = 	snop  }
0x90: {  	s2 =	sld [smem:$0x3FD0];
	_ =	sdelay $0x2  }
0x91: {  	s15 =	simm.s32 $0xA;
	s4 =	simm.s32 $0x10  }
0x92: {  	[smem:s4], [sflag:s15] =	dma.local [hbm:s2], $0x1  }
0x93: {  	_ =	swait.eq [sflag:s15], $0x1  }
0x94: {  	[sflag:s15] =	ssyncset.done $0x0  }
0x95: {  	[sflag:s15] =	ssyncadd.s32 $0xFFFFFFFF  }
0x96: {  	s16 =	sld [smem:$0x10];
	(tm) =	ssettm $0x1  }
0x97: {  	s17 =	sld [smem:$0x3FFB];
	_ =	sdelay $0x3  }
0x98: {  	_ =	strace s17  }
0x99: {  	s3 =	sld [smem:$0x3FFC];
	_ =	sdelay $0x3  }
0x9a: {  	_ =	strace s3  }
0x9b: {  	s3 =	sld [smem:$0x3FFD];
	_ =	sdelay $0x3  }
0x9c: {  	_ =	strace s3  }
0x9d: {  	_ =	strace $0x8FFFFFFF  }
0x9e: {  	s18 =	sld [smem:$0x3FDB];
	_ =	sdelay $0x1  }
0x9f: {  	s19 =	simm.s32 $_scs_section_size  }
0xa0: {  	s5 =	simm.s32 $_size__tile_overlayer_lowered;
	s6 =	simm.s32 $_tile_overlayer_lowered  }
0xa1: {  	s22 =	simm.s32 $0x1BFF;
	s21 =	sshll.u32 s6, $0x1;
	s3 =	sadd.s32 s19, s18  }
0xa2: {  	s7 =	simm.s32 $0x0;
	s20 =	sshll.u32 s5, $0x1;
	s5 =	sadd.s32 s21, s3  }
0xa3: {  	[timem:s7], [sflag:s22] =	dma.local [hbm:s5], s20  }
0xa4: {  	_ =	swait.ge [sflag:s22], s20  }
0xa5: {  	s4 =	ssub.s32 $0x0, s20;
	[sflag:s22] =	ssyncset.done $0x0  }
0xa6: {  	[sflag:s22] =	ssyncadd.s32 s4;
	_ =	sdelay $0x1  }
0xa7: {  	s23 =	simm.s32 $0x1B8B  }
0xa8: {  	_ =	swait.ge [sflag:s23], $0x1  }
0xa9: {  	[sflag:s23] =	ssyncset.done $0x0  }
0xaa: {  	s25 =	simm.s32 $0x1B8E;
	s24 =	sld [smem:$0x3FFE];
	[sflag:s23] =	ssyncadd.s32 $0xFFFFFFFF  }
0xab: {  	s26 =	simm.s32 $execute0_lowered;
	[smem:$0x3FD2] =	sst s25  }
0xac: {  	s5 =	sshll.u32 s26, $0x1;
	_ =	strace $0x80000046;
	[dreg:$0x1] =	wrdreg $0xFFFFFFFF  }
0xad: {  	s28 =	simm.s32 $_size_execute0_lowered;
	s3 =	sadd.s32 s3, s5;
	[dreg:$0x0] =	wrdreg $0x0  }
0xae: {  	s5 =	sshll.u32 s28, $0x1;
	[dreg:$0x2] =	wrdreg s3  }
0xaf: {  	[dreg:$0x3] =	wrdreg s5  }
0xb0: {  	[dreg:$0x4] =	wrdreg $0xC0  }
0xb1: {  	_ =	task [dreg:s7], $0x5FFFF  }
0xb2: {  	[dreg:$0x1] =	wrdreg $0xFFFFFFFF  }
0xb3: {  	[dreg:$0x0] =	wrdreg $0x60  }
0xb4: {  	[dreg:$0x2] =	wrdreg s24  }
0xb5: {  	[dreg:$0x3] =	wrdreg s16  }
0xb6: {  	[dreg:$0x4] =	wrdreg $0xC1800  }
0xb7: {  	[dreg:$0x5] =	wrdreg $0x9  }
0xb8: {  	_ =	task.clear_ibuf [dreg:s7], $0x6FFFF;
	_ =	strace $0x90000046  }
0xb9: {  	s29 =	simm.s32 $0x9;
	_ =	strace $0x80000048  }
0xba: {  	_ =	swait.ge [sflag:s29], $0x1  }
0xbb: {  	[sflag:s29] =	ssyncadd.s32 $0xFFFFFFFF  }
0xbc: {  	_ =	strace $0x90000048  }
0xbd: {  	_ =	sfence  }
0xbe: {  	s30 =	sld [smem:$0x0];
	_ =	sdelay $0x2  }
0xbf: {  	s31 =	sshll.u32 s1, $0xD;
	s1 =	sshrl.u32 s1, $0x2  }
0xc0: {  	s3 =	sand.u32 $0x4000, s31;
	s1 =	sadd.s32 s1, s30  }
0xc1: {  	s0 =	sor.u32 s3, s0;
	s1 =	sshll.u32 s1, $0x11  }
0xc2: {  	s0 =	sor.u32 s1, s0  }
0xc3: {  	s0 =	sadd.s32 $0x8F2B, s0  }
0xc4: {  	[sflag:s0] =	ssyncadd.remote.s32 $0x1  }
0xc5: {  	_ =	sfence.sel $0xFFFF  }
0xc6: {  	[dreg:$0x0] =	wrdreg $0xFFFFFFFF;
	(pc) =	sbr.abs _section_cstart, $3  }
0xc7: {  	[dreg:$0x1] =	wrdreg $0xFFFFFFFF  }
0xc8: {  	_ =	task.clear_ibuf [dreg:s7], $0x2FFFF;
	_ =	strace $0x9FFFFFFF  }
0xc9: {  	(tm) =	ssettm $0x7FFFFFFF  }
tec
execute0_lowered:
.L_overlay_start_1:
0x0: {  	(tag) =	ssettag $0x1  }
0x1: {  	s0 =	rddreg [dreg:$0x0]  }
0x2: {  	s13 =	rddreg [dreg:$0x1]  }
0x3: {  	s1 =	rddreg [dreg:$0x2];
	s2 =	simm.s32 $0x0;
	s6 =	srdreg.scid  }
0x4: {  	s3 =	stileid.u32;
	s17 =	simm.s32 $0x8100;
	s19 =	simm.s32 $0x1  }
0x5: {  	s20 =	simm.s32 $0x3;
	s21 =	simm.s32 $0x80;
	s22 =	simm.s32 $0xC100  }
0x6: {  	s23 =	simm.s32 $0x6;
	s26 =	simm.s32 $0x4;
	s28 =	simm.s32 $0x0  }
0x7: {  	[smem:$0x7FF] =	sst s2;
	s4 =	sadd.s32 $0x19C00, s0;
	s5 =	sadd.s32 $0xFE00, s0  }
0x8: {  	s8 =	sand.u32 $0x1, s6;
	s6 =	sadd.s32 $0x4FBC00, s0;
	s7 =	smul.u32 $0x4F000, s3  }
0x9: {  	s11 =	sshll.u32 s3, $0x1;
	s24 =	smul.u32 $0x2780, s3;
	s31 =	sshll.u32 s3, $0x6  }
0xa: {  	_ =	strace $0x80000047;
	s30 =	ssub.s32 $0x2, s8;
	s14 =	sor.u32 s8, s11  }
0xb: {  	s16 =	smul.u32 $0x27800, s8;
	s8 =	sor.u32 $0x1C05, s31;
	s11 =	ssub.s32 $0x9C4, s11  }
0xc: {  	s9 =	sshrl.u32 s30, $0x1;
	s7 =	sshrl.u32 s7, $0x2;
	s10 =	sshll.u32 s14, $0x4  }
.Ltmp0:
0xd: {  	s12 =	sshll.u32 s14, $0xB;
	s0 =	ssub.s32 s30, s9;
	(pc) =	sbr.rel .LBB2_1-.Ltmp0, $4  }
0xe: {  	s15 =	sadd.s32 s7, s1;
	s7 =	sadd.s32 s6, s24;
	s9 =	sadd.s32 s5, s10  }
0xf: {  	s10 =	sadd.s32 s4, s12;
	s12 =	sor.u32 $0x40, s14;
	s25 =	sadd.s32 s13, s16  }
0x10: {  	s14 =	sor.u32 $0x20, s14;
	s16 =	simm.s32 $0x5;
	s13 =	smax.u32 s0, $0x1  }
0x11: {  	s15 =	sshrl.u32 s15, $0x3;
	s24 =	sadd.s32 s24, s25;
	s25 =	simm.s32 $0x2  }
.LBB2_11:
0x12: {  	s28 =	sadd.s32 $0x1, s28  }
0x13: {  	p0 =	sne.s32 s28, s13  }
.Ltmp1:
0x14: {  	[bflag:$0x0] =	sbarrier.arrive $0xFFFF;
	(pc) =	sbr.rel @!p0 .LBB2_12-.Ltmp1, $4  }
0x15: {  	[hbm:s24], [sflag:s8] =	dma.local [spmem:s15], $0x2780  }
0x16: {  	_ =	swait.ge [sflag:s16], $0x2780  }
0x17: {  	[sflag:s16] =	ssyncset.done $0x0  }
0x18: {  	[sflag:s16] =	ssyncadd.s32 $0xFFFFD880  }
.LBB2_1:
0x19: {  	[spmem:s15], [sflag:s8] =	dma.local [hbm:s7], $0x2780  }
0x1a: {  	_ =	swait.ge [sflag:s16], $0x2780  }
0x1b: {  	[sflag:s16] =	ssyncset.done $0x0  }
0x1c: {  	[sflag:s16] =	ssyncadd.s32 $0xFFFFD880  }
0x1d: {  	[tilespmem:s17], [sflag:$0x5] =	stream.linear.gather [hbm4b:s6+s2], $0x4000, $0x38;
	[tilespmem:$0x1FD80] =	vst v63  }
0x1e: {  	_ =	swait.ge [sflag:s16], $0x4000  }
0x1f: {  	[sflag:s16] =	ssyncset.done $0x0  }
.Ltmp2:
0x20: {  	[sflag:s16] =	ssyncadd.s32 $0xFFFFC000;
	(pc) =	sbr.rel .LBB2_2-.Ltmp2, $4  }
0x21: {  	[bflag:$0x0] =	sbarrier.arrive $0xFFFF  }
0x22: {  	[tilespmem:s2], [sflag:$0x1] =	stream.linear.gather [hbm4b:s9+s2], $0x80, $0x38;
	[tilespmem:$0x1FD80] =	vst v63  }
0x23: {  	s0 =	simm.s32 $0x100;
	s29 =	simm.s32 $0x0  }
0x24: {  	[tilespmem:s0], [sflag:$0x3] =	stream.linear.gather [hbm4b:s10+s2], $0x4000, $0x38;
	[tilespmem:$0x1FD80] =	vst v63  }
.LBB2_10:
0x25: {  	s29 =	sadd.s32 $0x1, s29  }
0x26: {  	p0 =	sne.s32 s29, $0x28  }
.Ltmp3:
0x27: {  	_ = 	snop;
	(pc) =	sbr.rel @!p0 .LBB2_11-.Ltmp3, $1  }
0x28: {  	_ =	sdelay $0x3  }
.LBB2_2:
0x29: {  	s30 =	sshll.u32 s29, $0x6  }
0x2a: {  	s0 =	sor.u32 s14, s30  }
0x2b: {  	p1 =	sge.u32 s30, s11;
	p0 =	sgt.u32 s0, $0x9C3  }
.Ltmp4:
0x2c: {  	s31 =	sshll.u32 @!p0 s0, $0x4;
	s3 =	simm.s32 @!p0 $0x0;
	(pc) =	sbr.rel @p1 .LBB2_6-.Ltmp4, $4  }
0x2d: {  	s18 =	simm.s32 @!p0 $0x80;
	s0 =	sshll.u32 @!p0 s0, $0xB;
	s31 =	sadd.s32 @!p0 s5, s31  }
0x2e: {  	[tilespmem:s18], [sflag:$0x2] =	stream.linear.gather @!p0 [hbm4b:s31+s3], $0x80, $0x38;
	[tilespmem:$0x1FD80] =	vst v63  }
0x2f: {  	s0 =	sadd.s32 @!p0 s4, s0;
	s18 =	simm.s32 @!p0 $0x4100  }
0x30: {  	[tilespmem:s18], [sflag:$0x4] =	stream.linear.gather @!p0 [hbm4b:s0+s3], $0x4000, $0x38;
	[tilespmem:$0x1FD80] =	vst v63  }
0x31: {  	_ =	swait.ge [sflag:s19], $0x80  }
0x32: {  	[sflag:s19] =	ssyncset.done $0x0  }
0x33: {  	[sflag:s19] =	ssyncadd.s32 $0xFFFFFF80  }
0x34: {  	_ =	swait.ge [sflag:s20], $0x4000  }
0x35: {  	[sflag:s20] =	ssyncset.done $0x0  }
0x36: {  	s31 =	simm.s32 $0x0;
	[sflag:s20] =	ssyncadd.s32 $0xFFFFC000  }
0x37: {  	s0 =	simm.s32 $0x200;
	v0 =	vld [tilespmem:s31+$0x100]  }
.LBB2_4:
0x38: {  	p1 =	sne.s32 s0, $0xFE00  }
.Ltmp5:
0x39: {  	_ = 	snop;
	(pc) =	sbr.rel @p1 .LBB2_4-.Ltmp5, $3  }
0x3a: {  	_ =	sdelay $0x1  }
0x3b: {  	[tilespmem:s31+$0x8100] =	vst v0;
	s31 =	sshra.s32 s0, $0x2;
	s0 =	sadd.s32 $0x200, s0  }
0x3c: {  	v0 =	vld [tilespmem:s31+$0x100]  }
0x3d: {  	_ =	sdelay $0x3  }
0x3e: {  	[tilespmem:s31+$0x8100] =	vst v0  }
0x3f: {  	v0 =	vld [tilespmem:$0x0]  }
0x40: {  	v1 =	vld [tilespmem:$0x10]  }
0x41: {  	v2 =	vld [tilespmem:$0x20]  }
0x42: {  	v3 =	vld [tilespmem:$0x30]  }
0x43: {  	v4 =	vld [tilespmem:$0x40]  }
0x44: {  	v61 =	vld [tilespmem:$0x50];
	[tilespmem:$0xC100] =	vst v0  }
0x45: {  	v62 =	vld [tilespmem:$0x60];
	[tilespmem:$0xC110] =	vst v1  }
0x46: {  	v63 =	vld [tilespmem:$0x70];
	[tilespmem:$0xC120] =	vst v2  }
0x47: {  	[tilespmem:$0xC130] =	vst v3  }
0x48: {  	[tilespmem:$0xC140] =	vst v4  }
0x49: {  	[tilespmem:$0xC150] =	vst v61  }
0x4a: {  	[tilespmem:$0xC160] =	vst v62  }
0x4b: {  	[tilespmem:$0xC170] =	vst v63  }
0x4c: {  	[spmem:s1] =	stream.indirect.scatter.add.f32 [tilespmem:s17], [sflag:$0x6], $0x80, s22, s21, $0xb8;
	[tilespmem:$0x1FD80] =	vst v63  }
0x4d: {  	_ =	swait.ge [sflag:s23], $0x4000  }
0x4e: {  	[sflag:s23] =	ssyncset.done $0x0  }
0x4f: {  	[sflag:s23] =	ssyncadd.s32 $0xFFFFC000  }
.LBB2_6:
0x50: {  	s0 =	sadd.s32 s12, s30  }
0x51: {  	p1 =	sgt.u32 s0, $0x9C3  }
.Ltmp6:
0x52: {  	s3 =	sshll.u32 @!p1 s0, $0x4;
	(pc) =	sbr.rel @p0 .LBB2_10-.Ltmp6, $4  }
0x53: {  	s18 =	simm.s32 @!p1 $0x0;
	s0 =	sshll.u32 @!p1 s0, $0xB;
	s3 =	sadd.s32 @!p1 s5, s3  }
0x54: {  	[tilespmem:s18], [sflag:$0x1] =	stream.linear.gather @!p1 [hbm4b:s3+s18], $0x80, $0x38;
	[tilespmem:$0x1FD80] =	vst v63  }
0x55: {  	s0 =	sadd.s32 @!p1 s4, s0;
	s3 =	simm.s32 @!p1 $0x100  }
0x56: {  	[tilespmem:s3], [sflag:$0x3] =	stream.linear.gather @!p1 [hbm4b:s0+s18], $0x4000, $0x38;
	[tilespmem:$0x1FD80] =	vst v63  }
0x57: {  	_ =	swait.ge [sflag:s25], $0x80  }
0x58: {  	[sflag:s25] =	ssyncset.done $0x0  }
0x59: {  	[sflag:s25] =	ssyncadd.s32 $0xFFFFFF80  }
0x5a: {  	_ =	swait.ge [sflag:s26], $0x4000  }
0x5b: {  	[sflag:s26] =	ssyncset.done $0x0  }
0x5c: {  	s30 =	simm.s32 $0x0;
	[sflag:s26] =	ssyncadd.s32 $0xFFFFC000  }
0x5d: {  	s0 =	simm.s32 $0x200;
	v0 =	vld [tilespmem:s30+$0x4100]  }
.LBB2_8:
0x5e: {  	p0 =	sne.s32 s0, $0xFE00  }
.Ltmp7:
0x5f: {  	_ = 	snop;
	(pc) =	sbr.rel @p0 .LBB2_8-.Ltmp7, $3  }
0x60: {  	_ =	sdelay $0x1  }
0x61: {  	[tilespmem:s30+$0x8100] =	vst v0;
	s30 =	sshra.s32 s0, $0x2;
	s0 =	sadd.s32 $0x200, s0  }
0x62: {  	v0 =	vld [tilespmem:s30+$0x4100]  }
0x63: {  	_ =	sdelay $0x3  }
0x64: {  	[tilespmem:s30+$0x8100] =	vst v0  }
0x65: {  	v0 =	vld [tilespmem:$0x80]  }
0x66: {  	v1 =	vld [tilespmem:$0x90]  }
0x67: {  	v2 =	vld [tilespmem:$0xA0]  }
0x68: {  	v3 =	vld [tilespmem:$0xB0]  }
0x69: {  	v4 =	vld [tilespmem:$0xC0]  }
0x6a: {  	v61 =	vld [tilespmem:$0xD0];
	[tilespmem:$0xC100] =	vst v0  }
0x6b: {  	v62 =	vld [tilespmem:$0xE0];
	[tilespmem:$0xC110] =	vst v1  }
0x6c: {  	v63 =	vld [tilespmem:$0xF0];
	[tilespmem:$0xC120] =	vst v2  }
0x6d: {  	[tilespmem:$0xC130] =	vst v3  }
0x6e: {  	[tilespmem:$0xC140] =	vst v4  }
0x6f: {  	[tilespmem:$0xC150] =	vst v61  }
0x70: {  	[tilespmem:$0xC160] =	vst v62  }
.Ltmp8:
0x71: {  	[tilespmem:$0xC170] =	vst v63;
	(pc) =	sbr.rel .LBB2_10-.Ltmp8, $4  }
0x72: {  	[spmem:s1] =	stream.indirect.scatter.add.f32 [tilespmem:s17], [sflag:$0x5], $0x80, s22, s21, $0xb8;
	[tilespmem:$0x1FD80] =	vst v63  }
0x73: {  	_ =	swait.ge [sflag:s16], $0x4000  }
0x74: {  	[sflag:s16] =	ssyncset.done $0x0  }
0x75: {  	[sflag:s16] =	ssyncadd.s32 $0xFFFFC000  }
.LBB2_12:
0x76: {  	_ =	sfence.sel $0x180000  }
0x77: {  	[bflag:$0x0] =	sbarrier.arrive $0xFFFF  }
0x78: {  	_ =	strace $0x90000047  }
0x79: {  	s0 =	stileid.u32;
	[bflag:$0x2] =	sbarrier.arrive $0xFFFF  }
0x7a: {  	p0 =	sne.s32 s0, $0x0;
	s0 =	rddreg [dreg:$0x3]  }
0x7b: {  	s0 =	sadd.s32 @!p0 $0x100000, s0  }
0x7c: {  	[sflag:s0] =	ssyncadd.tile.s32 @!p0 $0x1;
	_ =	shalt  }
.Lfunc_end2:
_tile_overlayer_lowered:
.L_overlay_start_2:
0x7d: {  	(tag) =	ssettag $0x2  }
0x7e: {  	s0 =	rddreg [dreg:$0x0];
	s2 =	stileid.u32  }
0x7f: {  	s1 =	rddreg [dreg:$0x1];
	p0 =	sne.s32 s2, $0x0  }
0x80: {  	s3 =	rddreg [dreg:$0x2];
	[bflag:$0x3] =	sbarrier.arrive $0xFFFF;
	s2 =	simm.s32 @!p0 $0x1C05  }
0x81: {  	[timem:s3], [sflag:s2] =	dma.local @!p0 [hbm:s0], s1  }
0x82: {  	s0 =	simm.s32 @!p0 $0x5  }
0x83: {  	_ =	swait.ge @!p0 [sflag:s0], s1  }
0x84: {  	s1 =	ssub.s32 @!p0 $0x0, s1;
	[sflag:s0] =	ssyncset.done @!p0 $0x0  }
0x85: {  	[sflag:s0] =	ssyncadd.s32 @!p0 s1  }
0x86: {  	[bflag:$0x3] =	sbarrier.arrive $0xFFFF  }
0x87: {  	_ =	shalt  }

</sc_bundles>
